<compile_context>
chip_gen: v7x
topology: tpu7x:2x2x1
jax: 0.10.2.dev20260603
libtpu: 0.0.44.dev20260713+nightly
codegen_flags: <defaults>
</compile_context>

<pallas_src>
import functools

import jax
import jax.numpy as jnp
from jax import lax
from jax.experimental import pallas as pl
from jax.experimental.pallas import tpu as pltpu
from jax.experimental.pallas import tpu_sc as plsc

T = 2048
D = 768
DFF = 3072
E = 8
BLK = 256
NB = 24
RP = NB * BLK
NW = 32
TPW = T // NW
RCH = 512


def _route_body(x_ref, gw_ref, gb_ref,
                logits_ref, pos0_ref, pos1_ref, w0_ref, w1_ref,
                beid_ref):
    xv = x_ref[...]
    logits = lax.dot_general(xv, gw_ref[...], (((1,), (1,)), ((), ())),
                             preferred_element_type=jnp.float32) + gb_ref[...]
    logits_ref[...] = logits

    lane = lax.broadcasted_iota(jnp.int32, (T, E), 1)
    m1 = jnp.max(logits, axis=-1, keepdims=True)
    a1 = jnp.min(jnp.where(logits == m1, lane, E), axis=-1, keepdims=True)
    masked = jnp.where(lane == a1, -jnp.inf, logits)
    m2 = jnp.max(masked, axis=-1, keepdims=True)
    a2 = jnp.min(jnp.where(masked == m2, lane, E), axis=-1, keepdims=True)
    w1 = 1.0 / (1.0 + jnp.exp(m2 - m1))
    w2 = 1.0 - w1
    w0_ref[...] = jnp.broadcast_to(w1, (T, 16))
    w1_ref[...] = jnp.broadcast_to(w2, (T, 16))

    oh1 = jnp.where(lane == a1, 1.0, 0.0)
    oh2 = jnp.where(lane == a2, 1.0, 0.0)

    cnt1 = jnp.sum(oh1, axis=0, keepdims=True)
    cnt2 = jnp.sum(oh2, axis=0, keepdims=True)
    counts = cnt1 + cnt2
    pc = jnp.floor((counts + (BLK - 1.0)) / BLK) * BLK
    ei = lax.broadcasted_iota(jnp.int32, (E, E), 0)
    ej = lax.broadcasted_iota(jnp.int32, (E, E), 1)
    excl = jnp.where(ei < ej, 1.0, 0.0)
    starts = lax.dot_general(pc, excl, (((1,), (0,)), ((), ())),
                             preferred_element_type=jnp.float32)

    bii = lax.broadcasted_iota(jnp.int32, (1, 32), 1)
    biota = bii.astype(jnp.float32)
    eid = jnp.zeros((1, 32), jnp.float32)
    for e in range(E):
        sb_e = starts[0, e] / float(BLK)
        nonempty_e = counts[0, e] > 0.0
        cond = jnp.logical_and(jnp.full((1, 32), nonempty_e), biota >= sb_e)
        eid = jnp.where(cond, float(e), eid)
    nbu = jnp.sum(pc) / float(BLK)
    eseg = jnp.where(bii == NB, nbu, eid)
    prev = jnp.concatenate([eid[:, :1], eid[:, :31]], axis=1)
    first = jnp.where(eid != prev, 1.0, 0.0)
    first = jnp.where(bii == 0, 1.0, first)
    mi = lax.broadcasted_iota(jnp.int32, (32, 32), 0)
    mj = lax.broadcasted_iota(jnp.int32, (32, 32), 1)
    mle = jnp.where(mi <= mj, 1.0, 0.0)
    runidx = lax.dot_general(first, mle, (((1,), (0,)), ((), ())),
                             preferred_element_type=jnp.float32) - 1.0
    slot = runidx - 2.0 * jnp.floor(runidx * 0.5)
    pfe = jnp.zeros((1, 32), jnp.float32) - 1.0
    for e in range(E - 1, -1, -1):
        nonempty = counts[0, e] > 0.0
        cond = jnp.logical_and(jnp.full((1, 32), nonempty), float(e) > eid)
        pfe = jnp.where(cond, float(e), pfe)
    beid_ref[...] = jnp.concatenate(
        [eseg, slot, first, pfe], axis=1).astype(jnp.int32)

    ri = lax.broadcasted_iota(jnp.int32, (RCH, RCH), 0)
    rj = lax.broadcasted_iota(jnp.int32, (RCH, RCH), 1)
    tri = jnp.where(rj < ri, 1.0, 0.0)
    startsb = jnp.broadcast_to(starts, (RCH, E))
    carry1 = jnp.zeros((1, E), jnp.float32)
    carry2 = cnt1
    for c in range(T // RCH):
        sl = pl.ds(c * RCH, RCH)
        ohc1 = oh1[c * RCH:(c + 1) * RCH, :]
        ohc2 = oh2[c * RCH:(c + 1) * RCH, :]
        exc1 = lax.dot_general(tri, ohc1, (((1,), (0,)), ((), ())),
                               preferred_element_type=jnp.float32) + carry1
        exc2 = lax.dot_general(tri, ohc2, (((1,), (0,)), ((), ())),
                               preferred_element_type=jnp.float32) + carry2
        p0 = jnp.sum(ohc1 * (exc1 + startsb), axis=-1, keepdims=True)
        p1 = jnp.sum(ohc2 * (exc2 + startsb), axis=-1, keepdims=True)
        pos0_ref[sl, :] = p0.astype(jnp.int32)
        pos1_ref[sl, :] = p1.astype(jnp.int32)
        carry1 = carry1 + jnp.sum(ohc1, axis=0, keepdims=True)
        carry2 = carry2 + jnp.sum(ohc2, axis=0, keepdims=True)

def _route(tokens, gate_W, gb):
    return pl.pallas_call(
        _route_body,
        in_specs=[
            pl.BlockSpec((T, D), lambda: (0, 0)),
            pl.BlockSpec((E, D), lambda: (0, 0)),
            pl.BlockSpec((1, E), lambda: (0, 0)),
        ],
        out_specs=[
            pl.BlockSpec((T, E), lambda: (0, 0)),
            pl.BlockSpec((T, 1), lambda: (0, 0)),
            pl.BlockSpec((T, 1), lambda: (0, 0)),
            pl.BlockSpec((T, 16), lambda: (0, 0)),
            pl.BlockSpec((T, 16), lambda: (0, 0)),
            pl.BlockSpec((1, 128), lambda: (0, 0)),
        ],
        out_shape=[
            jax.ShapeDtypeStruct((T, E), jnp.float32),
            jax.ShapeDtypeStruct((T, 1), jnp.int32),
            jax.ShapeDtypeStruct((T, 1), jnp.int32),
            jax.ShapeDtypeStruct((T, 16), jnp.float32),
            jax.ShapeDtypeStruct((T, 16), jnp.float32),
            jax.ShapeDtypeStruct((1, 128), jnp.int32),
        ],
    )(tokens, gate_W, gb)


def _ffn_body(sc_ref, xg_ref, wx_hbm, vx_hbm, wo_hbm, og_ref,
              wxb, vxb, wob, sem0, sem1):
    i = pl.program_id(0)
    eidv = sc_ref[i]
    nbu = sc_ref[NB]
    slot = sc_ref[32 + i]
    first = sc_ref[64 + i]
    pfe = sc_ref[96 + i]

    def start(e, s, sm):
        pltpu.make_async_copy(wx_hbm.at[e], wxb.at[s], sm).start()
        pltpu.make_async_copy(vx_hbm.at[e], vxb.at[s], sm).start()
        pltpu.make_async_copy(wo_hbm.at[e], wob.at[s], sm).start()

    def wait(s, sm):
        pltpu.make_async_copy(wx_hbm.at[0], wxb.at[s], sm).wait()
        pltpu.make_async_copy(vx_hbm.at[0], vxb.at[s], sm).wait()
        pltpu.make_async_copy(wo_hbm.at[0], wob.at[s], sm).wait()

    @pl.when(i == 0)
    def _prologue():
        start(eidv, 0, sem0)

        @pl.when(pfe >= 0)
        def _():
            start(pfe, 1, sem1)

        wait(0, sem0)

    @pl.when(jnp.logical_and(i > 0, first == 1))
    def _run_start():
        @pl.when(slot == 0)
        def _():
            wait(0, sem0)

            @pl.when(pfe >= 0)
            def _():
                start(pfe, 1, sem1)

        @pl.when(slot == 1)
        def _():
            wait(1, sem1)

            @pl.when(pfe >= 0)
            def _():
                start(pfe, 0, sem0)

    @pl.when(i < nbu)
    def _compute():
        xv = xg_ref[...]
        a = lax.dot_general(xv, wxb[slot], (((1,), (1,)), ((), ())),
                            preferred_element_type=jnp.float32)
        b = lax.dot_general(xv, vxb[slot], (((1,), (1,)), ((), ())),
                            preferred_element_type=jnp.float32)
        h = a * jax.nn.sigmoid(a) * b
        og_ref[...] = lax.dot_general(h, wob[slot], (((1,), (1,)), ((), ())),
                                      preferred_element_type=jnp.float32)


def _ffn(blk_sched, Xg, Wx, Vx, Wo):
    grid_spec = pltpu.PrefetchScalarGridSpec(
        num_scalar_prefetch=1,
        grid=(NB,),
        in_specs=[
            pl.BlockSpec((BLK, D), lambda i, sc: (i, 0)),
            pl.BlockSpec(memory_space=pl.ANY),
            pl.BlockSpec(memory_space=pl.ANY),
            pl.BlockSpec(memory_space=pl.ANY),
        ],
        out_specs=pl.BlockSpec((BLK, D), lambda i, sc: (i, 0)),
        scratch_shapes=[
            pltpu.VMEM((2, DFF, D), jnp.float32),
            pltpu.VMEM((2, DFF, D), jnp.float32),
            pltpu.VMEM((2, D, DFF), jnp.float32),
            pltpu.SemaphoreType.DMA,
            pltpu.SemaphoreType.DMA,
        ],
    )
    return pl.pallas_call(
        _ffn_body,
        grid_spec=grid_spec,
        out_shape=jax.ShapeDtypeStruct((RP, D), jnp.float32),
        compiler_params=pltpu.CompilerParams(
            dimension_semantics=("arbitrary",),
            vmem_limit_bytes=100 * 1024 * 1024),
    )(blk_sched, Xg, Wx, Vx, Wo)


def _sc_mesh():
    return plsc.VectorSubcoreMesh(core_axis_name="c", subcore_axis_name="s",
                                  num_cores=2, num_subcores=16)


def _dispatch(tokens, pos0, pos1):

    def body(x_hbm, p0_hbm, p1_hbm, out_hbm, i0, i1, rows_v, sem):
        wid = lax.axis_index("s") * 2 + lax.axis_index("c")
        base = wid * TPW
        a = pltpu.async_copy(p0_hbm.at[pl.ds(base, TPW)], i0, sem)
        b = pltpu.async_copy(p1_hbm.at[pl.ds(base, TPW)], i1, sem)
        c = pltpu.async_copy(x_hbm.at[pl.ds(base, TPW)], rows_v, sem)
        a.wait()
        b.wait()
        c.wait()
        c1 = pltpu.async_copy(rows_v, out_hbm.at[i0], sem)
        c2 = pltpu.async_copy(rows_v, out_hbm.at[i1], sem)
        c1.wait()
        c2.wait()

    f = pl.kernel(
        body,
        out_type=jax.ShapeDtypeStruct((RP, D), jnp.float32),
        mesh=_sc_mesh(),
        scratch_types=[
            pltpu.VMEM((TPW,), jnp.int32),
            pltpu.VMEM((TPW,), jnp.int32),
            pltpu.VMEM((TPW, D), jnp.float32),
            pltpu.SemaphoreType.DMA,
        ],
    )
    return f(tokens, pos0, pos1)


def _combine(Og, pos0, pos1, w0x, w1x):

    def body(og_hbm, p0_hbm, p1_hbm, w0_hbm, w1_hbm, out_hbm,
             i0, i1, av, bv, wv0, wv1, sem):
        wid = lax.axis_index("s") * 2 + lax.axis_index("c")
        base = wid * TPW
        a = pltpu.async_copy(p0_hbm.at[pl.ds(base, TPW)], i0, sem)
        b = pltpu.async_copy(p1_hbm.at[pl.ds(base, TPW)], i1, sem)
        a.wait()
        b.wait()
        c1 = pltpu.async_copy(og_hbm.at[i0], av, sem)
        c2 = pltpu.async_copy(og_hbm.at[i1], bv, sem)
        pltpu.sync_copy(w0_hbm.at[pl.ds(base, TPW)], wv0)
        pltpu.sync_copy(w1_hbm.at[pl.ds(base, TPW)], wv1)
        c1.wait()
        c2.wait()

        def row(r, _):
            wa = wv0[r, :]
            wb = wv1[r, :]
            for c in range(D // 16):
                s = pl.ds(c * 16, 16)
                av[r, s] = av[r, s] * wa + bv[r, s] * wb
            return 0

        lax.fori_loop(0, TPW, row, 0)
        pltpu.sync_copy(av, out_hbm.at[pl.ds(base, TPW)])

    f = pl.kernel(
        body,
        out_type=jax.ShapeDtypeStruct((T, D), jnp.float32),
        mesh=_sc_mesh(),
        scratch_types=[
            pltpu.VMEM((TPW,), jnp.int32),
            pltpu.VMEM((TPW,), jnp.int32),
            pltpu.VMEM((TPW, D), jnp.float32),
            pltpu.VMEM((TPW, D), jnp.float32),
            pltpu.VMEM((TPW, 16), jnp.float32),
            pltpu.VMEM((TPW, 16), jnp.float32),
            pltpu.SemaphoreType.DMA,
        ],
    )
    return f(Og, pos0, pos1, w0x, w1x)


@functools.partial(jax.jit, static_argnames=())
def kernel(x, gate_W, gate_b, Wx, Vx, Wo):
    bsz, seq, d = x.shape
    tokens = x.reshape(-1, d)
    gb = gate_b.reshape(1, E)
    (logits, pos0c, pos1c, w0x, w1x, beid_row) = _route(tokens, gate_W, gb)
    pos0 = pos0c.reshape(T)
    pos1 = pos1c.reshape(T)
    blk_sched = beid_row[0]
    Xg = _dispatch(tokens, pos0, pos1)
    Og = _ffn(blk_sched, Xg, Wx, Vx, Wo)
    out = _combine(Og, pos0, pos1, w0x, w1x)
    return out.reshape(bsz, seq, d), logits

# --- scband reference (transcript-rebuilt; emitter-appended) ---
"""Pipeline reference for scband-sparse-moe-52836687675416 (READ-ONLY COPY).

The authoritative reference and input builder live on the scoring server;
editing this copy changes nothing except your own understanding.
"""

import jax, jax.numpy as jnp
import numpy as np

B = 1
S = 2048
D = 768
DFF = 3072
E = 8
TOPK = 2


def setup_inputs(seed: int = 0) -> dict:
    key = jax.random.key(seed)
    ks = jax.random.split(key, 6)
    x = jax.random.normal(ks[0], (B, S, D), dtype=jnp.float32)
    # router gate: nn.Linear(d, expert_num) -> weight [E, D], bias [E]
    gate_W = jax.random.normal(ks[1], (E, D), dtype=jnp.float32) * (1.0 / np.sqrt(D))
    gate_b = jnp.zeros((E,), dtype=jnp.float32)
    # per-expert SwiGLU weights (torch Linear convention: [out, in])
    Wx = jax.random.normal(ks[2], (E, DFF, D), dtype=jnp.float32) * (1.0 / np.sqrt(D))
    Vx = jax.random.normal(ks[3], (E, DFF, D), dtype=jnp.float32) * (1.0 / np.sqrt(D))
    Wo = jax.random.normal(ks[4], (E, D, DFF), dtype=jnp.float32) * (1.0 / np.sqrt(DFF))
    return {"x": x, "gate_W": gate_W, "gate_b": gate_b, "Wx": Wx, "Vx": Vx, "Wo": Wo}


def reference(x, gate_W, gate_b, Wx, Vx, Wo):
    bsz, seq, d = x.shape
    tokens = x.reshape(-1, d)  # [T, D]
    # MOERouter
    router_logits = tokens @ gate_W.T + gate_b  # [T, E]
    routing_probs = jax.nn.softmax(router_logits, axis=-1)
    router_weights, selected_experts = jax.lax.top_k(routing_probs, TOPK)  # [T, K]
    router_weights = router_weights / jnp.sum(router_weights, axis=-1, keepdims=True)
    # expert dispatch: dense-equivalent formulation. For each expert e,
    # coef[t] = sum over top-k slots where selected==e of normalized router weight
    # (zero for tokens not routed to e), so the math matches the torch
    # gather/index_add_ loop exactly.
    out = jnp.zeros_like(tokens)
    for e in range(E):
        coef = jnp.sum(jnp.where(selected_experts == e, router_weights, 0.0), axis=-1)  # [T]
        h = jax.nn.silu(tokens @ Wx[e].T) * (tokens @ Vx[e].T)  # [T, DFF]
        out = out + (h @ Wo[e].T) * coef[:, None]
    final_hidden_states = out.reshape(bsz, seq, d)
    return (final_hidden_states, router_logits)

if __name__ == "__main__":
    import jax
    _d = setup_inputs()
    print(jax.jit(kernel)(*tuple(_d.values())))

</pallas_src>

<mosaic_0001>
#map = affine_map<(d0, d1) -> (0, 0)>
#map1 = affine_map<(d0, d1) -> (0)>
module attributes {stable_mosaic.version = 14 : i64} {
  func.func @body(%arg0: i32, %arg1: i32, %arg2: memref<2048x768xf32, #tpu.memory_space<hbm>>, %arg3: memref<2048xi32, #tpu.memory_space<hbm>>, %arg4: memref<2048xi32, #tpu.memory_space<hbm>>, %arg5: memref<6144x768xf32, #tpu.memory_space<hbm>>, %arg6: memref<64xi32, #tpu.memory_space<vmem>>, %arg7: memref<64xi32, #tpu.memory_space<vmem>>, %arg8: memref<64x768xf32, #tpu.memory_space<vmem>>, %arg9: memref<!tpu.dma_semaphore, #tpu.memory_space<semaphore_mem>>) attributes {dimension_semantics = [#tpu.dimension_semantics<core_parallel>, #tpu.dimension_semantics<subcore_parallel>], iteration_bounds = array<i64: 2, 16>, scalar_prefetch = 0 : i64, scratch_operands = 4 : i64, tpu.core_type = #tpu.core_type<sc_vector_subcore>, window_params = [{transform_indices = #map}, {transform_indices = #map1}, {transform_indices = #map1}, {transform_indices = #map}]} {
    %mul3A = arith.constant 2 : i32
    %mul3A_0 = arith.muli %arg1, %mul3A : i32
    %add3A = arith.addi %mul3A_0, %arg0 : i32
    %mul3A_1 = arith.constant 64 : i32
    %mul3A_2 = arith.muli %add3A, %mul3A_1 : i32
    %dma_start3A = tpu.memref_slice %arg3[%mul3A_2] : memref<2048xi32, #tpu.memory_space<hbm>> -> memref<64xi32, #tpu.memory_space<hbm>>
    %dma_start3A_3 = tpu.memref_slice %arg3[%mul3A_2] : memref<2048xi32, #tpu.memory_space<hbm>> -> memref<64xi32, #tpu.memory_space<hbm>>
    tpu.enqueue_dma source(%dma_start3A_3 : memref<64xi32, #tpu.memory_space<hbm>>) target(%arg6 : memref<64xi32, #tpu.memory_space<vmem>>) target_semaphore(%arg9 : memref<!tpu.dma_semaphore, #tpu.memory_space<semaphore_mem>>)
    %dma_start3A_4 = tpu.memref_slice %arg4[%mul3A_2] : memref<2048xi32, #tpu.memory_space<hbm>> -> memref<64xi32, #tpu.memory_space<hbm>>
    %dma_start3A_5 = tpu.memref_slice %arg4[%mul3A_2] : memref<2048xi32, #tpu.memory_space<hbm>> -> memref<64xi32, #tpu.memory_space<hbm>>
    tpu.enqueue_dma source(%dma_start3A_5 : memref<64xi32, #tpu.memory_space<hbm>>) target(%arg7 : memref<64xi32, #tpu.memory_space<vmem>>) target_semaphore(%arg9 : memref<!tpu.dma_semaphore, #tpu.memory_space<semaphore_mem>>)
    %dma_start3A_6 = arith.constant 0 : i32
    %dma_start3A_7 = tpu.memref_slice %arg2[%mul3A_2, %dma_start3A_6] : memref<2048x768xf32, #tpu.memory_space<hbm>> -> memref<64x768xf32, #tpu.memory_space<hbm>>
    %dma_start3A_8 = arith.constant 0 : i32
    %dma_start3A_9 = tpu.memref_slice %arg2[%mul3A_2, %dma_start3A_8] : memref<2048x768xf32, #tpu.memory_space<hbm>> -> memref<64x768xf32, #tpu.memory_space<hbm>>
    tpu.enqueue_dma source(%dma_start3A_9 : memref<64x768xf32, #tpu.memory_space<hbm>>) target(%arg8 : memref<64x768xf32, #tpu.memory_space<vmem>>) target_semaphore(%arg9 : memref<!tpu.dma_semaphore, #tpu.memory_space<semaphore_mem>>)
    %dma_wait3A = tpu.memref_slice %arg3[%mul3A_2] : memref<2048xi32, #tpu.memory_space<hbm>> -> memref<64xi32, #tpu.memory_space<hbm>>
    %dma_wait3A_10 = tpu.memref_slice %arg3[%mul3A_2] : memref<2048xi32, #tpu.memory_space<hbm>> -> memref<64xi32, #tpu.memory_space<hbm>>
    tpu.wait_dma2 semaphore(%arg9 : memref<!tpu.dma_semaphore, #tpu.memory_space<semaphore_mem>>) src(%dma_wait3A_10 : memref<64xi32, #tpu.memory_space<hbm>>) dst(%arg6 : memref<64xi32, #tpu.memory_space<vmem>>)
    %dma_wait3A_11 = tpu.memref_slice %arg4[%mul3A_2] : memref<2048xi32, #tpu.memory_space<hbm>> -> memref<64xi32, #tpu.memory_space<hbm>>
    %dma_wait3A_12 = tpu.memref_slice %arg4[%mul3A_2] : memref<2048xi32, #tpu.memory_space<hbm>> -> memref<64xi32, #tpu.memory_space<hbm>>
    tpu.wait_dma2 semaphore(%arg9 : memref<!tpu.dma_semaphore, #tpu.memory_space<semaphore_mem>>) src(%dma_wait3A_12 : memref<64xi32, #tpu.memory_space<hbm>>) dst(%arg7 : memref<64xi32, #tpu.memory_space<vmem>>)
    %dma_wait3A_13 = arith.constant 0 : i32
    %dma_wait3A_14 = tpu.memref_slice %arg2[%mul3A_2, %dma_wait3A_13] : memref<2048x768xf32, #tpu.memory_space<hbm>> -> memref<64x768xf32, #tpu.memory_space<hbm>>
    %dma_wait3A_15 = arith.constant 0 : i32
    %dma_wait3A_16 = tpu.memref_slice %arg2[%mul3A_2, %dma_wait3A_15] : memref<2048x768xf32, #tpu.memory_space<hbm>> -> memref<64x768xf32, #tpu.memory_space<hbm>>
    tpu.wait_dma2 semaphore(%arg9 : memref<!tpu.dma_semaphore, #tpu.memory_space<semaphore_mem>>) src(%dma_wait3A_16 : memref<64x768xf32, #tpu.memory_space<hbm>>) dst(%arg8 : memref<64x768xf32, #tpu.memory_space<vmem>>)
    %dma_start3A_17 = arith.constant 0 : i32
    %dma_start3A_18 = arith.constant 0 : i32
    %dma_start3A_19 = tpu.memref_slice %arg5[%dma_start3A_17, %dma_start3A_18] : memref<6144x768xf32, #tpu.memory_space<hbm>> -> memref<6144x768xf32, #tpu.memory_space<hbm>>
    tpu.enqueue_indirect_dma source(%arg8 : memref<64x768xf32, #tpu.memory_space<vmem>>) target(%dma_start3A_19 : memref<6144x768xf32, #tpu.memory_space<hbm>>) offsets(%arg6 : memref<64xi32, #tpu.memory_space<vmem>>) semaphore(%arg9 : memref<!tpu.dma_semaphore, #tpu.memory_space<semaphore_mem>>)
    %dma_start3A_20 = arith.constant 0 : i32
    %dma_start3A_21 = arith.constant 0 : i32
    %dma_start3A_22 = tpu.memref_slice %arg5[%dma_start3A_20, %dma_start3A_21] : memref<6144x768xf32, #tpu.memory_space<hbm>> -> memref<6144x768xf32, #tpu.memory_space<hbm>>
    tpu.enqueue_indirect_dma source(%arg8 : memref<64x768xf32, #tpu.memory_space<vmem>>) target(%dma_start3A_22 : memref<6144x768xf32, #tpu.memory_space<hbm>>) offsets(%arg7 : memref<64xi32, #tpu.memory_space<vmem>>) semaphore(%arg9 : memref<!tpu.dma_semaphore, #tpu.memory_space<semaphore_mem>>)
    %dma_wait3A_23 = arith.constant 0 : i32
    %dma_wait3A_24 = arith.constant 0 : i32
    %dma_wait3A_25 = tpu.memref_slice %arg5[%dma_wait3A_23, %dma_wait3A_24] : memref<6144x768xf32, #tpu.memory_space<hbm>> -> memref<6144x768xf32, #tpu.memory_space<hbm>>
    tpu.wait_indirect_dma semaphore(%arg9 : memref<!tpu.dma_semaphore, #tpu.memory_space<semaphore_mem>>) src(%arg8 : memref<64x768xf32, #tpu.memory_space<vmem>>) dst(%dma_wait3A_25 : memref<6144x768xf32, #tpu.memory_space<hbm>>)
    %dma_wait3A_26 = arith.constant 0 : i32
    %dma_wait3A_27 = arith.constant 0 : i32
    %dma_wait3A_28 = tpu.memref_slice %arg5[%dma_wait3A_26, %dma_wait3A_27] : memref<6144x768xf32, #tpu.memory_space<hbm>> -> memref<6144x768xf32, #tpu.memory_space<hbm>>
    tpu.wait_indirect_dma semaphore(%arg9 : memref<!tpu.dma_semaphore, #tpu.memory_space<semaphore_mem>>) src(%arg8 : memref<64x768xf32, #tpu.memory_space<vmem>>) dst(%dma_wait3A_28 : memref<6144x768xf32, #tpu.memory_space<hbm>>)
    return
  }
}

#map = affine_map<(d0, d1) -> (0, 0)>
#map1 = affine_map<(d0, d1) -> (0)>
module attributes {stable_mosaic.version = 14 : i64} {
  func.func @body(%arg0: i32, %arg1: i32, %arg2: memref<6144x768xf32, #tpu.memory_space<hbm>>, %arg3: memref<2048xi32, #tpu.memory_space<hbm>>, %arg4: memref<2048xi32, #tpu.memory_space<hbm>>, %arg5: memref<2048x16xf32, #tpu.memory_space<hbm>>, %arg6: memref<2048x16xf32, #tpu.memory_space<hbm>>, %arg7: memref<2048x768xf32, #tpu.memory_space<hbm>>, %arg8: memref<64xi32, #tpu.memory_space<vmem>>, %arg9: memref<64xi32, #tpu.memory_space<vmem>>, %arg10: memref<64x768xf32, #tpu.memory_space<vmem>>, %arg11: memref<64x768xf32, #tpu.memory_space<vmem>>, %arg12: memref<64x16xf32, #tpu.memory_space<vmem>>, %arg13: memref<64x16xf32, #tpu.memory_space<vmem>>, %arg14: memref<!tpu.dma_semaphore, #tpu.memory_space<semaphore_mem>>) attributes {dimension_semantics = [#tpu.dimension_semantics<core_parallel>, #tpu.dimension_semantics<subcore_parallel>], iteration_bounds = array<i64: 2, 16>, scalar_prefetch = 0 : i64, scratch_operands = 7 : i64, tpu.core_type = #tpu.core_type<sc_vector_subcore>, window_params = [{transform_indices = #map}, {transform_indices = #map1}, {transform_indices = #map1}, {transform_indices = #map}, {transform_indices = #map}, {transform_indices = #map}]} {
    %mul3A = arith.constant 2 : i32
    %mul3A_0 = arith.muli %arg1, %mul3A : i32
    %add3A = arith.addi %mul3A_0, %arg0 : i32
    %mul3A_1 = arith.constant 64 : i32
    %mul3A_2 = arith.muli %add3A, %mul3A_1 : i32
    %dma_start3A = tpu.memref_slice %arg3[%mul3A_2] : memref<2048xi32, #tpu.memory_space<hbm>> -> memref<64xi32, #tpu.memory_space<hbm>>
    %dma_start3A_3 = tpu.memref_slice %arg3[%mul3A_2] : memref<2048xi32, #tpu.memory_space<hbm>> -> memref<64xi32, #tpu.memory_space<hbm>>
    tpu.enqueue_dma source(%dma_start3A_3 : memref<64xi32, #tpu.memory_space<hbm>>) target(%arg8 : memref<64xi32, #tpu.memory_space<vmem>>) target_semaphore(%arg14 : memref<!tpu.dma_semaphore, #tpu.memory_space<semaphore_mem>>)
    %dma_start3A_4 = tpu.memref_slice %arg4[%mul3A_2] : memref<2048xi32, #tpu.memory_space<hbm>> -> memref<64xi32, #tpu.memory_space<hbm>>
    %dma_start3A_5 = tpu.memref_slice %arg4[%mul3A_2] : memref<2048xi32, #tpu.memory_space<hbm>> -> memref<64xi32, #tpu.memory_space<hbm>>
    tpu.enqueue_dma source(%dma_start3A_5 : memref<64xi32, #tpu.memory_space<hbm>>) target(%arg9 : memref<64xi32, #tpu.memory_space<vmem>>) target_semaphore(%arg14 : memref<!tpu.dma_semaphore, #tpu.memory_space<semaphore_mem>>)
    %dma_wait3A = tpu.memref_slice %arg3[%mul3A_2] : memref<2048xi32, #tpu.memory_space<hbm>> -> memref<64xi32, #tpu.memory_space<hbm>>
    %dma_wait3A_6 = tpu.memref_slice %arg3[%mul3A_2] : memref<2048xi32, #tpu.memory_space<hbm>> -> memref<64xi32, #tpu.memory_space<hbm>>
    tpu.wait_dma2 semaphore(%arg14 : memref<!tpu.dma_semaphore, #tpu.memory_space<semaphore_mem>>) src(%dma_wait3A_6 : memref<64xi32, #tpu.memory_space<hbm>>) dst(%arg8 : memref<64xi32, #tpu.memory_space<vmem>>)
    %dma_wait3A_7 = tpu.memref_slice %arg4[%mul3A_2] : memref<2048xi32, #tpu.memory_space<hbm>> -> memref<64xi32, #tpu.memory_space<hbm>>
    %dma_wait3A_8 = tpu.memref_slice %arg4[%mul3A_2] : memref<2048xi32, #tpu.memory_space<hbm>> -> memref<64xi32, #tpu.memory_space<hbm>>
    tpu.wait_dma2 semaphore(%arg14 : memref<!tpu.dma_semaphore, #tpu.memory_space<semaphore_mem>>) src(%dma_wait3A_8 : memref<64xi32, #tpu.memory_space<hbm>>) dst(%arg9 : memref<64xi32, #tpu.memory_space<vmem>>)
    %dma_start3A_9 = arith.constant 0 : i32
    %dma_start3A_10 = arith.constant 0 : i32
    %dma_start3A_11 = tpu.memref_slice %arg2[%dma_start3A_9, %dma_start3A_10] : memref<6144x768xf32, #tpu.memory_space<hbm>> -> memref<6144x768xf32, #tpu.memory_space<hbm>>
    tpu.enqueue_indirect_dma source(%dma_start3A_11 : memref<6144x768xf32, #tpu.memory_space<hbm>>) target(%arg10 : memref<64x768xf32, #tpu.memory_space<vmem>>) offsets(%arg8 : memref<64xi32, #tpu.memory_space<vmem>>) semaphore(%arg14 : memref<!tpu.dma_semaphore, #tpu.memory_space<semaphore_mem>>)
    %dma_start3A_12 = arith.constant 0 : i32
    %dma_start3A_13 = arith.constant 0 : i32
    %dma_start3A_14 = tpu.memref_slice %arg2[%dma_start3A_12, %dma_start3A_13] : memref<6144x768xf32, #tpu.memory_space<hbm>> -> memref<6144x768xf32, #tpu.memory_space<hbm>>
    tpu.enqueue_indirect_dma source(%dma_start3A_14 : memref<6144x768xf32, #tpu.memory_space<hbm>>) target(%arg11 : memref<64x768xf32, #tpu.memory_space<vmem>>) offsets(%arg9 : memref<64xi32, #tpu.memory_space<vmem>>) semaphore(%arg14 : memref<!tpu.dma_semaphore, #tpu.memory_space<semaphore_mem>>)
    "tpu.region"() ({
      %run_scoped3A = tpu.sem_alloc : memref<!tpu.dma_semaphore, #tpu.memory_space<semaphore_mem>>
      %dma_start3A_27 = arith.constant 0 : i32
      %dma_start3A_28 = tpu.memref_slice %arg5[%mul3A_2, %dma_start3A_27] : memref<2048x16xf32, #tpu.memory_space<hbm>> -> memref<64x16xf32, #tpu.memory_space<hbm>>
      %dma_start3A_29 = arith.constant 0 : i32
      %dma_start3A_30 = tpu.memref_slice %arg5[%mul3A_2, %dma_start3A_29] : memref<2048x16xf32, #tpu.memory_space<hbm>> -> memref<64x16xf32, #tpu.memory_space<hbm>>
      tpu.enqueue_dma source(%dma_start3A_30 : memref<64x16xf32, #tpu.memory_space<hbm>>) target(%arg12 : memref<64x16xf32, #tpu.memory_space<vmem>>) target_semaphore(%run_scoped3A : memref<!tpu.dma_semaphore, #tpu.memory_space<semaphore_mem>>)
      %dma_wait3A_31 = arith.constant 0 : i32
      %dma_wait3A_32 = tpu.memref_slice %arg5[%mul3A_2, %dma_wait3A_31] : memref<2048x16xf32, #tpu.memory_space<hbm>> -> memref<64x16xf32, #tpu.memory_space<hbm>>
      %dma_wait3A_33 = arith.constant 0 : i32
      %dma_wait3A_34 = tpu.memref_slice %arg5[%mul3A_2, %dma_wait3A_33] : memref<2048x16xf32, #tpu.memory_space<hbm>> -> memref<64x16xf32, #tpu.memory_space<hbm>>
      tpu.wait_dma2 semaphore(%run_scoped3A : memref<!tpu.dma_semaphore, #tpu.memory_space<semaphore_mem>>) src(%dma_wait3A_34 : memref<64x16xf32, #tpu.memory_space<hbm>>) dst(%arg12 : memref<64x16xf32, #tpu.memory_space<vmem>>)
      tpu.yield
    }) : () -> ()
    "tpu.region"() ({
      %run_scoped3A = tpu.sem_alloc : memref<!tpu.dma_semaphore, #tpu.memory_space<semaphore_mem>>
      %dma_start3A_27 = arith.constant 0 : i32
      %dma_start3A_28 = tpu.memref_slice %arg6[%mul3A_2, %dma_start3A_27] : memref<2048x16xf32, #tpu.memory_space<hbm>> -> memref<64x16xf32, #tpu.memory_space<hbm>>
      %dma_start3A_29 = arith.constant 0 : i32
      %dma_start3A_30 = tpu.memref_slice %arg6[%mul3A_2, %dma_start3A_29] : memref<2048x16xf32, #tpu.memory_space<hbm>> -> memref<64x16xf32, #tpu.memory_space<hbm>>
      tpu.enqueue_dma source(%dma_start3A_30 : memref<64x16xf32, #tpu.memory_space<hbm>>) target(%arg13 : memref<64x16xf32, #tpu.memory_space<vmem>>) target_semaphore(%run_scoped3A : memref<!tpu.dma_semaphore, #tpu.memory_space<semaphore_mem>>)
      %dma_wait3A_31 = arith.constant 0 : i32
      %dma_wait3A_32 = tpu.memref_slice %arg6[%mul3A_2, %dma_wait3A_31] : memref<2048x16xf32, #tpu.memory_space<hbm>> -> memref<64x16xf32, #tpu.memory_space<hbm>>
      %dma_wait3A_33 = arith.constant 0 : i32
      %dma_wait3A_34 = tpu.memref_slice %arg6[%mul3A_2, %dma_wait3A_33] : memref<2048x16xf32, #tpu.memory_space<hbm>> -> memref<64x16xf32, #tpu.memory_space<hbm>>
      tpu.wait_dma2 semaphore(%run_scoped3A : memref<!tpu.dma_semaphore, #tpu.memory_space<semaphore_mem>>) src(%dma_wait3A_34 : memref<64x16xf32, #tpu.memory_space<hbm>>) dst(%arg13 : memref<64x16xf32, #tpu.memory_space<vmem>>)
      tpu.yield
    }) : () -> ()
    %dma_wait3A_15 = arith.constant 0 : i32
    %dma_wait3A_16 = arith.constant 0 : i32
    %dma_wait3A_17 = tpu.memref_slice %arg2[%dma_wait3A_15, %dma_wait3A_16] : memref<6144x768xf32, #tpu.memory_space<hbm>> -> memref<6144x768xf32, #tpu.memory_space<hbm>>
    tpu.wait_indirect_dma semaphore(%arg14 : memref<!tpu.dma_semaphore, #tpu.memory_space<semaphore_mem>>) src(%dma_wait3A_17 : memref<6144x768xf32, #tpu.memory_space<hbm>>) dst(%arg10 : memref<64x768xf32, #tpu.memory_space<vmem>>)
    %dma_wait3A_18 = arith.constant 0 : i32
    %dma_wait3A_19 = arith.constant 0 : i32
    %dma_wait3A_20 = tpu.memref_slice %arg2[%dma_wait3A_18, %dma_wait3A_19] : memref<6144x768xf32, #tpu.memory_space<hbm>> -> memref<6144x768xf32, #tpu.memory_space<hbm>>
    tpu.wait_indirect_dma semaphore(%arg14 : memref<!tpu.dma_semaphore, #tpu.memory_space<semaphore_mem>>) src(%dma_wait3A_20 : memref<6144x768xf32, #tpu.memory_space<hbm>>) dst(%arg11 : memref<64x768xf32, #tpu.memory_space<vmem>>)
    %scan3A = arith.constant 0 : i32
    %scan3A_21 = arith.constant 0 : i32
    %scan3A_22 = arith.constant 64 : i32
    %scan3A_23 = arith.addi %scan3A_21, %scan3A_22 : i32
    %scan3A_24 = arith.constant 1 : i32
    %scan3A_25 = scf.for %scan3A_27 = %scan3A_21 to %scan3A_23 step %scan3A_24 iter_args(%scan3A_28 = %scan3A) -> (i32)  : i32 {
      %get3A = arith.index_cast %scan3A_27 : i32 to index
      %get3A_29 = arith.constant 0 : index
      %get3A_30 = tpu.vector_load %arg12[%get3A, %get3A_29] {strides = array<i32>} : memref<64x16xf32, #tpu.memory_space<vmem>>, vector<1x16xf32>,
      %get3A_31 = vector.shape_cast %get3A_30 : vector<1x16xf32> to vector<16xf32>
      %get3A_32 = arith.index_cast %scan3A_27 : i32 to index
      %get3A_33 = arith.constant 0 : index
      %get3A_34 = tpu.vector_load %arg13[%get3A_32, %get3A_33] {strides = array<i32>} : memref<64x16xf32, #tpu.memory_space<vmem>>, vector<1x16xf32>,
      %get3A_35 = vector.shape_cast %get3A_34 : vector<1x16xf32> to vector<16xf32>
      %get3A_36 = arith.index_cast %scan3A_27 : i32 to index
      %get3A_37 = arith.constant 0 : index
      %get3A_38 = tpu.vector_load %arg10[%get3A_36, %get3A_37] {strides = array<i32>} : memref<64x768xf32, #tpu.memory_space<vmem>>, vector<1x16xf32>,
      %get3A_39 = vector.shape_cast %get3A_38 : vector<1x16xf32> to vector<16xf32>
      %mul3A_40 = arith.mulf %get3A_39, %get3A_31 : vector<16xf32>
      %get3A_41 = arith.index_cast %scan3A_27 : i32 to index
      %get3A_42 = arith.constant 0 : index
      %get3A_43 = tpu.vector_load %arg11[%get3A_41, %get3A_42] {strides = array<i32>} : memref<64x768xf32, #tpu.memory_space<vmem>>, vector<1x16xf32>,
      %get3A_44 = vector.shape_cast %get3A_43 : vector<1x16xf32> to vector<16xf32>
      %mul3A_45 = arith.mulf %get3A_44, %get3A_35 : vector<16xf32>
      %add3A_46 = arith.addf %mul3A_40, %mul3A_45 : vector<16xf32>
      %swap3A = arith.index_cast %scan3A_27 : i32 to index
      %swap3A_47 = arith.constant 0 : index
      %swap3A_48 = tpu.vector_load %arg10[%swap3A, %swap3A_47] {strides = array<i32>} : memref<64x768xf32, #tpu.memory_space<vmem>>, vector<1x16xf32>,
      %swap3A_49 = vector.shape_cast %swap3A_48 : vector<1x16xf32> to vector<16xf32>
      %swap3A_50 = vector.shape_cast %add3A_46 : vector<16xf32> to vector<1x16xf32>
      tpu.vector_store %arg10[%swap3A, %swap3A_47], %swap3A_50 {strides = array<i32>} : memref<64x768xf32, #tpu.memory_space<vmem>>, vector<1x16xf32>,
      %get3A_51 = arith.index_cast %scan3A_27 : i32 to index
      %get3A_52 = arith.constant 16 : index
      %get3A_53 = tpu.vector_load %arg10[%get3A_51, %get3A_52] {strides = array<i32>} : memref<64x768xf32, #tpu.memory_space<vmem>>, vector<1x16xf32>,
      %get3A_54 = vector.shape_cast %get3A_53 : vector<1x16xf32> to vector<16xf32>
      %mul3A_55 = arith.mulf %get3A_54, %get3A_31 : vector<16xf32>
      %get3A_56 = arith.index_cast %scan3A_27 : i32 to index
      %get3A_57 = arith.constant 16 : index
      %get3A_58 = tpu.vector_load %arg11[%get3A_56, %get3A_57] {strides = array<i32>} : memref<64x768xf32, #tpu.memory_space<vmem>>, vector<1x16xf32>,
      %get3A_59 = vector.shape_cast %get3A_58 : vector<1x16xf32> to vector<16xf32>
      %mul3A_60 = arith.mulf %get3A_59, %get3A_35 : vector<16xf32>
      %add3A_61 = arith.addf %mul3A_55, %mul3A_60 : vector<16xf32>
      %swap3A_62 = arith.index_cast %scan3A_27 : i32 to index
      %swap3A_63 = arith.constant 16 : index
      %swap3A_64 = tpu.vector_load %arg10[%swap3A_62, %swap3A_63] {strides = array<i32>} : memref<64x768xf32, #tpu.memory_space<vmem>>, vector<1x16xf32>,
      %swap3A_65 = vector.shape_cast %swap3A_64 : vector<1x16xf32> to vector<16xf32>
      %swap3A_66 = vector.shape_cast %add3A_61 : vector<16xf32> to vector<1x16xf32>
      tpu.vector_store %arg10[%swap3A_62, %swap3A_63], %swap3A_66 {strides = array<i32>} : memref<64x768xf32, #tpu.memory_space<vmem>>, vector<1x16xf32>,
      %get3A_67 = arith.index_cast %scan3A_27 : i32 to index
      %get3A_68 = arith.constant 32 : index
      %get3A_69 = tpu.vector_load %arg10[%get3A_67, %get3A_68] {strides = array<i32>} : memref<64x768xf32, #tpu.memory_space<vmem>>, vector<1x16xf32>,
      %get3A_70 = vector.shape_cast %get3A_69 : vector<1x16xf32> to vector<16xf32>
      %mul3A_71 = arith.mulf %get3A_70, %get3A_31 : vector<16xf32>
      %get3A_72 = arith.index_cast %scan3A_27 : i32 to index
      %get3A_73 = arith.constant 32 : index
      %get3A_74 = tpu.vector_load %arg11[%get3A_72, %get3A_73] {strides = array<i32>} : memref<64x768xf32, #tpu.memory_space<vmem>>, vector<1x16xf32>,
      %get3A_75 = vector.shape_cast %get3A_74 : vector<1x16xf32> to vector<16xf32>
      %mul3A_76 = arith.mulf %get3A_75, %get3A_35 : vector<16xf32>
      %add3A_77 = arith.addf %mul3A_71, %mul3A_76 : vector<16xf32>
      %swap3A_78 = arith.index_cast %scan3A_27 : i32 to index
      %swap3A_79 = arith.constant 32 : index
      %swap3A_80 = tpu.vector_load %arg10[%swap3A_78, %swap3A_79] {strides = array<i32>} : memref<64x768xf32, #tpu.memory_space<vmem>>, vector<1x16xf32>,
      %swap3A_81 = vector.shape_cast %swap3A_80 : vector<1x16xf32> to vector<16xf32>
      %swap3A_82 = vector.shape_cast %add3A_77 : vector<16xf32> to vector<1x16xf32>
      tpu.vector_store %arg10[%swap3A_78, %swap3A_79], %swap3A_82 {strides = array<i32>} : memref<64x768xf32, #tpu.memory_space<vmem>>, vector<1x16xf32>,
      %get3A_83 = arith.index_cast %scan3A_27 : i32 to index
      %get3A_84 = arith.constant 48 : index
      %get3A_85 = tpu.vector_load %arg10[%get3A_83, %get3A_84] {strides = array<i32>} : memref<64x768xf32, #tpu.memory_space<vmem>>, vector<1x16xf32>,
      %get3A_86 = vector.shape_cast %get3A_85 : vector<1x16xf32> to vector<16xf32>
      %mul3A_87 = arith.mulf %get3A_86, %get3A_31 : vector<16xf32>
      %get3A_88 = arith.index_cast %scan3A_27 : i32 to index
      %get3A_89 = arith.constant 48 : index
      %get3A_90 = tpu.vector_load %arg11[%get3A_88, %get3A_89] {strides = array<i32>} : memref<64x768xf32, #tpu.memory_space<vmem>>, vector<1x16xf32>,
      %get3A_91 = vector.shape_cast %get3A_90 : vector<1x16xf32> to vector<16xf32>
      %mul3A_92 = arith.mulf %get3A_91, %get3A_35 : vector<16xf32>
      %add3A_93 = arith.addf %mul3A_87, %mul3A_92 : vector<16xf32>
      %swap3A_94 = arith.index_cast %scan3A_27 : i32 to index
      %swap3A_95 = arith.constant 48 : index
      %swap3A_96 = tpu.vector_load %arg10[%swap3A_94, %swap3A_95] {strides = array<i32>} : memref<64x768xf32, #tpu.memory_space<vmem>>, vector<1x16xf32>,
      %swap3A_97 = vector.shape_cast %swap3A_96 : vector<1x16xf32> to vector<16xf32>
      %swap3A_98 = vector.shape_cast %add3A_93 : vector<16xf32> to vector<1x16xf32>
      tpu.vector_store %arg10[%swap3A_94, %swap3A_95], %swap3A_98 {strides = array<i32>} : memref<64x768xf32, #tpu.memory_space<vmem>>, vector<1x16xf32>,
      %get3A_99 = arith.index_cast %scan3A_27 : i32 to index
      %get3A_100 = arith.constant 64 : index
      %get3A_101 = tpu.vector_load %arg10[%get3A_99, %get3A_100] {strides = array<i32>} : memref<64x768xf32, #tpu.memory_space<vmem>>, vector<1x16xf32>,
      %get3A_102 = vector.shape_cast %get3A_101 : vector<1x16xf32> to vector<16xf32>
      %mul3A_103 = arith.mulf %get3A_102, %get3A_31 : vector<16xf32>
      %get3A_104 = arith.index_cast %scan3A_27 : i32 to index
      %get3A_105 = arith.constant 64 : index
      %get3A_106 = tpu.vector_load %arg11[%get3A_104, %get3A_105] {strides = array<i32>} : memref<64x768xf32, #tpu.memory_space<vmem>>, vector<1x16xf32>,
      %get3A_107 = vector.shape_cast %get3A_106 : vector<1x16xf32> to vector<16xf32>
      %mul3A_108 = arith.mulf %get3A_107, %get3A_35 : vector<16xf32>
      %add3A_109 = arith.addf %mul3A_103, %mul3A_108 : vector<16xf32>
      %swap3A_110 = arith.index_cast %scan3A_27 : i32 to index
      %swap3A_111 = arith.constant 64 : index
      %swap3A_112 = tpu.vector_load %arg10[%swap3A_110, %swap3A_111] {strides = array<i32>} : memref<64x768xf32, #tpu.memory_space<vmem>>, vector<1x16xf32>,
      %swap3A_113 = vector.shape_cast %swap3A_112 : vector<1x16xf32> to vector<16xf32>
      %swap3A_114 = vector.shape_cast %add3A_109 : vector<16xf32> to vector<1x16xf32>
      tpu.vector_store %arg10[%swap3A_110, %swap3A_111], %swap3A_114 {strides = array<i32>} : memref<64x768xf32, #tpu.memory_space<vmem>>, vector<1x16xf32>,
      %get3A_115 = arith.index_cast %scan3A_27 : i32 to index
      %get3A_116 = arith.constant 80 : index
      %get3A_117 = tpu.vector_load %arg10[%get3A_115, %get3A_116] {strides = array<i32>} : memref<64x768xf32, #tpu.memory_space<vmem>>, vector<1x16xf32>,
      %get3A_118 = vector.shape_cast %get3A_117 : vector<1x16xf32> to vector<16xf32>
      %mul3A_119 = arith.mulf %get3A_118, %get3A_31 : vector<16xf32>
      %get3A_120 = arith.index_cast %scan3A_27 : i32 to index
      %get3A_121 = arith.constant 80 : index
      %get3A_122 = tpu.vector_load %arg11[%get3A_120, %get3A_121] {strides = array<i32>} : memref<64x768xf32, #tpu.memory_space<vmem>>, vector<1x16xf32>,
      %get3A_123 = vector.shape_cast %get3A_122 : vector<1x16xf32> to vector<16xf32>
      %mul3A_124 = arith.mulf %get3A_123, %get3A_35 : vector<16xf32>
      %add3A_125 = arith.addf %mul3A_119, %mul3A_124 : vector<16xf32>
      %swap3A_126 = arith.index_cast %scan3A_27 : i32 to index
      %swap3A_127 = arith.constant 80 : index
      %swap3A_128 = tpu.vector_load %arg10[%swap3A_126, %swap3A_127] {strides = array<i32>} : memref<64x768xf32, #tpu.memory_space<vmem>>, vector<1x16xf32>,
      %swap3A_129 = vector.shape_cast %swap3A_128 : vector<1x16xf32> to vector<16xf32>
      %swap3A_130 = vector.shape_cast %add3A_125 : vector<16xf32> to vector<1x16xf32>
      tpu.vector_store %arg10[%swap3A_126, %swap3A_127], %swap3A_130 {strides = array<i32>} : memref<64x768xf32, #tpu.memory_space<vmem>>, vector<1x16xf32>,
      %get3A_131 = arith.index_cast %scan3A_27 : i32 to index
      %get3A_132 = arith.constant 96 : index
      %get3A_133 = tpu.vector_load %arg10[%get3A_131, %get3A_132] {strides = array<i32>} : memref<64x768xf32, #tpu.memory_space<vmem>>, vector<1x16xf32>,
      %get3A_134 = vector.shape_cast %get3A_133 : vector<1x16xf32> to vector<16xf32>
      %mul3A_135 = arith.mulf %get3A_134, %get3A_31 : vector<16xf32>
      %get3A_136 = arith.index_cast %scan3A_27 : i32 to index
      %get3A_137 = arith.constant 96 : index
      %get3A_138 = tpu.vector_load %arg11[%get3A_136, %get3A_137] {strides = array<i32>} : memref<64x768xf32, #tpu.memory_space<vmem>>, vector<1x16xf32>,
      %get3A_139 = vector.shape_cast %get3A_138 : vector<1x16xf32> to vector<16xf32>
      %mul3A_140 = arith.mulf %get3A_139, %get3A_35 : vector<16xf32>
      %add3A_141 = arith.addf %mul3A_135, %mul3A_140 : vector<16xf32>
      %swap3A_142 = arith.index_cast %scan3A_27 : i32 to index
      %swap3A_143 = arith.constant 96 : index
      %swap3A_144 = tpu.vector_load %arg10[%swap3A_142, %swap3A_143] {strides = array<i32>} : memref<64x768xf32, #tpu.memory_space<vmem>>, vector<1x16xf32>,
      %swap3A_145 = vector.shape_cast %swap3A_144 : vector<1x16xf32> to vector<16xf32>
      %swap3A_146 = vector.shape_cast %add3A_141 : vector<16xf32> to vector<1x16xf32>
      tpu.vector_store %arg10[%swap3A_142, %swap3A_143], %swap3A_146 {strides = array<i32>} : memref<64x768xf32, #tpu.memory_space<vmem>>, vector<1x16xf32>,
      %get3A_147 = arith.index_cast %scan3A_27 : i32 to index
      %get3A_148 = arith.constant 112 : index
      %get3A_149 = tpu.vector_load %arg10[%get3A_147, %get3A_148] {strides = array<i32>} : memref<64x768xf32, #tpu.memory_space<vmem>>, vector<1x16xf32>,
      %get3A_150 = vector.shape_cast %get3A_149 : vector<1x16xf32> to vector<16xf32>
      %mul3A_151 = arith.mulf %get3A_150, %get3A_31 : vector<16xf32>
      %get3A_152 = arith.index_cast %scan3A_27 : i32 to index
      %get3A_153 = arith.constant 112 : index
      %get3A_154 = tpu.vector_load %arg11[%get3A_152, %get3A_153] {strides = array<i32>} : memref<64x768xf32, #tpu.memory_space<vmem>>, vector<1x16xf32>,
      %get3A_155 = vector.shape_cast %get3A_154 : vector<1x16xf32> to vector<16xf32>
      %mul3A_156 = arith.mulf %get3A_155, %get3A_35 : vector<16xf32>
      %add3A_157 = arith.addf %mul3A_151, %mul3A_156 : vector<16xf32>
      %swap3A_158 = arith.index_cast %scan3A_27 : i32 to index
      %swap3A_159 = arith.constant 112 : index
      %swap3A_160 = tpu.vector_load %arg10[%swap3A_158, %swap3A_159] {strides = array<i32>} : memref<64x768xf32, #tpu.memory_space<vmem>>, vector<1x16xf32>,
      %swap3A_161 = vector.shape_cast %swap3A_160 : vector<1x16xf32> to vector<16xf32>
      %swap3A_162 = vector.shape_cast %add3A_157 : vector<16xf32> to vector<1x16xf32>
      tpu.vector_store %arg10[%swap3A_158, %swap3A_159], %swap3A_162 {strides = array<i32>} : memref<64x768xf32, #tpu.memory_space<vmem>>, vector<1x16xf32>,
      %get3A_163 = arith.index_cast %scan3A_27 : i32 to index
      %get3A_164 = arith.constant 128 : index
      %get3A_165 = tpu.vector_load %arg10[%get3A_163, %get3A_164] {strides = array<i32>} : memref<64x768xf32, #tpu.memory_space<vmem>>, vector<1x16xf32>,
      %get3A_166 = vector.shape_cast %get3A_165 : vector<1x16xf32> to vector<16xf32>
      %mul3A_167 = arith.mulf %get3A_166, %get3A_31 : vector<16xf32>
      %get3A_168 = arith.index_cast %scan3A_27 : i32 to index
      %get3A_169 = arith.constant 128 : index
      %get3A_170 = tpu.vector_load %arg11[%get3A_168, %get3A_169] {strides = array<i32>} : memref<64x768xf32, #tpu.memory_space<vmem>>, vector<1x16xf32>,
      %get3A_171 = vector.shape_cast %get3A_170 : vector<1x16xf32> to vector<16xf32>
      %mul3A_172 = arith.mulf %get3A_171, %get3A_35 : vector<16xf32>
      %add3A_173 = arith.addf %mul3A_167, %mul3A_172 : vector<16xf32>
      %swap3A_174 = arith.index_cast %scan3A_27 : i32 to index
      %swap3A_175 = arith.constant 128 : index
      %swap3A_176 = tpu.vector_load %arg10[%swap3A_174, %swap3A_175] {strides = array<i32>} : memref<64x768xf32, #tpu.memory_space<vmem>>, vector<1x16xf32>,
      %swap3A_177 = vector.shape_cast %swap3A_176 : vector<1x16xf32> to vector<16xf32>
      %swap3A_178 = vector.shape_cast %add3A_173 : vector<16xf32> to vector<1x16xf32>
      tpu.vector_store %arg10[%swap3A_174, %swap3A_175], %swap3A_178 {strides = array<i32>} : memref<64x768xf32, #tpu.memory_space<vmem>>, vector<1x16xf32>,
      %get3A_179 = arith.index_cast %scan3A_27 : i32 to index
      %get3A_180 = arith.constant 144 : index
      %get3A_181 = tpu.vector_load %arg10[%get3A_179, %get3A_180] {strides = array<i32>} : memref<64x768xf32, #tpu.memory_space<vmem>>, vector<1x16xf32>,
      %get3A_182 = vector.shape_cast %get3A_181 : vector<1x16xf32> to vector<16xf32>
      %mul3A_183 = arith.mulf %get3A_182, %get3A_31 : vector<16xf32>
      %get3A_184 = arith.index_cast %scan3A_27 : i32 to index
      %get3A_185 = arith.constant 144 : index
      %get3A_186 = tpu.vector_load %arg11[%get3A_184, %get3A_185] {strides = array<i32>} : memref<64x768xf32, #tpu.memory_space<vmem>>, vector<1x16xf32>,
      %get3A_187 = vector.shape_cast %get3A_186 : vector<1x16xf32> to vector<16xf32>
      %mul3A_188 = arith.mulf %get3A_187, %get3A_35 : vector<16xf32>
      %add3A_189 = arith.addf %mul3A_183, %mul3A_188 : vector<16xf32>
      %swap3A_190 = arith.index_cast %scan3A_27 : i32 to index
      %swap3A_191 = arith.constant 144 : index
      %swap3A_192 = tpu.vector_load %arg10[%swap3A_190, %swap3A_191] {strides = array<i32>} : memref<64x768xf32, #tpu.memory_space<vmem>>, vector<1x16xf32>,
      %swap3A_193 = vector.shape_cast %swap3A_192 : vector<1x16xf32> to vector<16xf32>
      %swap3A_194 = vector.shape_cast %add3A_189 : vector<16xf32> to vector<1x16xf32>
      tpu.vector_store %arg10[%swap3A_190, %swap3A_191], %swap3A_194 {strides = array<i32>} : memref<64x768xf32, #tpu.memory_space<vmem>>, vector<1x16xf32>,
      %get3A_195 = arith.index_cast %scan3A_27 : i32 to index
      %get3A_196 = arith.constant 160 : index
      %get3A_197 = tpu.vector_load %arg10[%get3A_195, %get3A_196] {strides = array<i32>} : memref<64x768xf32, #tpu.memory_space<vmem>>, vector<1x16xf32>,
      %get3A_198 = vector.shape_cast %get3A_197 : vector<1x16xf32> to vector<16xf32>
      %mul3A_199 = arith.mulf %get3A_198, %get3A_31 : vector<16xf32>
      %get3A_200 = arith.index_cast %scan3A_27 : i32 to index
      %get3A_201 = arith.constant 160 : index
      %get3A_202 = tpu.vector_load %arg11[%get3A_200, %get3A_201] {strides = array<i32>} : memref<64x768xf32, #tpu.memory_space<vmem>>, vector<1x16xf32>,
      %get3A_203 = vector.shape_cast %get3A_202 : vector<1x16xf32> to vector<16xf32>
      %mul3A_204 = arith.mulf %get3A_203, %get3A_35 : vector<16xf32>
      %add3A_205 = arith.addf %mul3A_199, %mul3A_204 : vector<16xf32>
      %swap3A_206 = arith.index_cast %scan3A_27 : i32 to index
      %swap3A_207 = arith.constant 160 : index
      %swap3A_208 = tpu.vector_load %arg10[%swap3A_206, %swap3A_207] {strides = array<i32>} : memref<64x768xf32, #tpu.memory_space<vmem>>, vector<1x16xf32>,
      %swap3A_209 = vector.shape_cast %swap3A_208 : vector<1x16xf32> to vector<16xf32>
      %swap3A_210 = vector.shape_cast %add3A_205 : vector<16xf32> to vector<1x16xf32>
      tpu.vector_store %arg10[%swap3A_206, %swap3A_207], %swap3A_210 {strides = array<i32>} : memref<64x768xf32, #tpu.memory_space<vmem>>, vector<1x16xf32>,
      %get3A_211 = arith.index_cast %scan3A_27 : i32 to index
      %get3A_212 = arith.constant 176 : index
      %get3A_213 = tpu.vector_load %arg10[%get3A_211, %get3A_212] {strides = array<i32>} : memref<64x768xf32, #tpu.memory_space<vmem>>, vector<1x16xf32>,
      %get3A_214 = vector.shape_cast %get3A_213 : vector<1x16xf32> to vector<16xf32>
      %mul3A_215 = arith.mulf %get3A_214, %get3A_31 : vector<16xf32>
      %get3A_216 = arith.index_cast %scan3A_27 : i32 to index
      %get3A_217 = arith.constant 176 : index
      %get3A_218 = tpu.vector_load %arg11[%get3A_216, %get3A_217] {strides = array<i32>} : memref<64x768xf32, #tpu.memory_space<vmem>>, vector<1x16xf32>,
      %get3A_219 = vector.shape_cast %get3A_218 : vector<1x16xf32> to vector<16xf32>
      %mul3A_220 = arith.mulf %get3A_219, %get3A_35 : vector<16xf32>
      %add3A_221 = arith.addf %mul3A_215, %mul3A_220 : vector<16xf32>
      %swap3A_222 = arith.index_cast %scan3A_27 : i32 to index
      %swap3A_223 = arith.constant 176 : index
      %swap3A_224 = tpu.vector_load %arg10[%swap3A_222, %swap3A_223] {strides = array<i32>} : memref<64x768xf32, #tpu.memory_space<vmem>>, vector<1x16xf32>,
      %swap3A_225 = vector.shape_cast %swap3A_224 : vector<1x16xf32> to vector<16xf32>
      %swap3A_226 = vector.shape_cast %add3A_221 : vector<16xf32> to vector<1x16xf32>
      tpu.vector_store %arg10[%swap3A_222, %swap3A_223], %swap3A_226 {strides = array<i32>} : memref<64x768xf32, #tpu.memory_space<vmem>>, vector<1x16xf32>,
      %get3A_227 = arith.index_cast %scan3A_27 : i32 to index
      %get3A_228 = arith.constant 192 : index
      %get3A_229 = tpu.vector_load %arg10[%get3A_227, %get3A_228] {strides = array<i32>} : memref<64x768xf32, #tpu.memory_space<vmem>>, vector<1x16xf32>,
      %get3A_230 = vector.shape_cast %get3A_229 : vector<1x16xf32> to vector<16xf32>
      %mul3A_231 = arith.mulf %get3A_230, %get3A_31 : vector<16xf32>
      %get3A_232 = arith.index_cast %scan3A_27 : i32 to index
      %get3A_233 = arith.constant 192 : index
      %get3A_234 = tpu.vector_load %arg11[%get3A_232, %get3A_233] {strides = array<i32>} : memref<64x768xf32, #tpu.memory_space<vmem>>, vector<1x16xf32>,
      %get3A_235 = vector.shape_cast %get3A_234 : vector<1x16xf32> to vector<16xf32>
      %mul3A_236 = arith.mulf %get3A_235, %get3A_35 : vector<16xf32>
      %add3A_237 = arith.addf %mul3A_231, %mul3A_236 : vector<16xf32>
      %swap3A_238 = arith.index_cast %scan3A_27 : i32 to index
      %swap3A_239 = arith.constant 192 : index
      %swap3A_240 = tpu.vector_load %arg10[%swap3A_238, %swap3A_239] {strides = array<i32>} : memref<64x768xf32, #tpu.memory_space<vmem>>, vector<1x16xf32>,
      %swap3A_241 = vector.shape_cast %swap3A_240 : vector<1x16xf32> to vector<16xf32>
      %swap3A_242 = vector.shape_cast %add3A_237 : vector<16xf32> to vector<1x16xf32>
      tpu.vector_store %arg10[%swap3A_238, %swap3A_239], %swap3A_242 {strides = array<i32>} : memref<64x768xf32, #tpu.memory_space<vmem>>, vector<1x16xf32>,
      %get3A_243 = arith.index_cast %scan3A_27 : i32 to index
      %get3A_244 = arith.constant 208 : index
      %get3A_245 = tpu.vector_load %arg10[%get3A_243, %get3A_244] {strides = array<i32>} : memref<64x768xf32, #tpu.memory_space<vmem>>, vector<1x16xf32>,
      %get3A_246 = vector.shape_cast %get3A_245 : vector<1x16xf32> to vector<16xf32>
      %mul3A_247 = arith.mulf %get3A_246, %get3A_31 : vector<16xf32>
      %get3A_248 = arith.index_cast %scan3A_27 : i32 to index
      %get3A_249 = arith.constant 208 : index
      %get3A_250 = tpu.vector_load %arg11[%get3A_248, %get3A_249] {strides = array<i32>} : memref<64x768xf32, #tpu.memory_space<vmem>>, vector<1x16xf32>,
      %get3A_251 = vector.shape_cast %get3A_250 : vector<1x16xf32> to vector<16xf32>
      %mul3A_252 = arith.mulf %get3A_251, %get3A_35 : vector<16xf32>
      %add3A_253 = arith.addf %mul3A_247, %mul3A_252 : vector<16xf32>
      %swap3A_254 = arith.index_cast %scan3A_27 : i32 to index
      %swap3A_255 = arith.constant 208 : index
      %swap3A_256 = tpu.vector_load %arg10[%swap3A_254, %swap3A_255] {strides = array<i32>} : memref<64x768xf32, #tpu.memory_space<vmem>>, vector<1x16xf32>,
      %swap3A_257 = vector.shape_cast %swap3A_256 : vector<1x16xf32> to vector<16xf32>
      %swap3A_258 = vector.shape_cast %add3A_253 : vector<16xf32> to vector<1x16xf32>
      tpu.vector_store %arg10[%swap3A_254, %swap3A_255], %swap3A_258 {strides = array<i32>} : memref<64x768xf32, #tpu.memory_space<vmem>>, vector<1x16xf32>,
      %get3A_259 = arith.index_cast %scan3A_27 : i32 to index
      %get3A_260 = arith.constant 224 : index
      %get3A_261 = tpu.vector_load %arg10[%get3A_259, %get3A_260] {strides = array<i32>} : memref<64x768xf32, #tpu.memory_space<vmem>>, vector<1x16xf32>,
      %get3A_262 = vector.shape_cast %get3A_261 : vector<1x16xf32> to vector<16xf32>
      %mul3A_263 = arith.mulf %get3A_262, %get3A_31 : vector<16xf32>
      %get3A_264 = arith.index_cast %scan3A_27 : i32 to index
      %get3A_265 = arith.constant 224 : index
      %get3A_266 = tpu.vector_load %arg11[%get3A_264, %get3A_265] {strides = array<i32>} : memref<64x768xf32, #tpu.memory_space<vmem>>, vector<1x16xf32>,
      %get3A_267 = vector.shape_cast %get3A_266 : vector<1x16xf32> to vector<16xf32>
      %mul3A_268 = arith.mulf %get3A_267, %get3A_35 : vector<16xf32>
      %add3A_269 = arith.addf %mul3A_263, %mul3A_268 : vector<16xf32>
      %swap3A_270 = arith.index_cast %scan3A_27 : i32 to index
      %swap3A_271 = arith.constant 224 : index
      %swap3A_272 = tpu.vector_load %arg10[%swap3A_270, %swap3A_271] {strides = array<i32>} : memref<64x768xf32, #tpu.memory_space<vmem>>, vector<1x16xf32>,
      %swap3A_273 = vector.shape_cast %swap3A_272 : vector<1x16xf32> to vector<16xf32>
      %swap3A_274 = vector.shape_cast %add3A_269 : vector<16xf32> to vector<1x16xf32>
      tpu.vector_store %arg10[%swap3A_270, %swap3A_271], %swap3A_274 {strides = array<i32>} : memref<64x768xf32, #tpu.memory_space<vmem>>, vector<1x16xf32>,
      %get3A_275 = arith.index_cast %scan3A_27 : i32 to index
      %get3A_276 = arith.constant 240 : index
      %get3A_277 = tpu.vector_load %arg10[%get3A_275, %get3A_276] {strides = array<i32>} : memref<64x768xf32, #tpu.memory_space<vmem>>, vector<1x16xf32>,
      %get3A_278 = vector.shape_cast %get3A_277 : vector<1x16xf32> to vector<16xf32>
      %mul3A_279 = arith.mulf %get3A_278, %get3A_31 : vector<16xf32>
      %get3A_280 = arith.index_cast %scan3A_27 : i32 to index
      %get3A_281 = arith.constant 240 : index
      %get3A_282 = tpu.vector_load %arg11[%get3A_280, %get3A_281] {strides = array<i32>} : memref<64x768xf32, #tpu.memory_space<vmem>>, vector<1x16xf32>,
      %get3A_283 = vector.shape_cast %get3A_282 : vector<1x16xf32> to vector<16xf32>
      %mul3A_284 = arith.mulf %get3A_283, %get3A_35 : vector<16xf32>
      %add3A_285 = arith.addf %mul3A_279, %mul3A_284 : vector<16xf32>
      %swap3A_286 = arith.index_cast %scan3A_27 : i32 to index
      %swap3A_287 = arith.constant 240 : index
      %swap3A_288 = tpu.vector_load %arg10[%swap3A_286, %swap3A_287] {strides = array<i32>} : memref<64x768xf32, #tpu.memory_space<vmem>>, vector<1x16xf32>,
      %swap3A_289 = vector.shape_cast %swap3A_288 : vector<1x16xf32> to vector<16xf32>
      %swap3A_290 = vector.shape_cast %add3A_285 : vector<16xf32> to vector<1x16xf32>
      tpu.vector_store %arg10[%swap3A_286, %swap3A_287], %swap3A_290 {strides = array<i32>} : memref<64x768xf32, #tpu.memory_space<vmem>>, vector<1x16xf32>,
      %get3A_291 = arith.index_cast %scan3A_27 : i32 to index
      %get3A_292 = arith.constant 256 : index
      %get3A_293 = tpu.vector_load %arg10[%get3A_291, %get3A_292] {strides = array<i32>} : memref<64x768xf32, #tpu.memory_space<vmem>>, vector<1x16xf32>,
      %get3A_294 = vector.shape_cast %get3A_293 : vector<1x16xf32> to vector<16xf32>
      %mul3A_295 = arith.mulf %get3A_294, %get3A_31 : vector<16xf32>
      %get3A_296 = arith.index_cast %scan3A_27 : i32 to index
      %get3A_297 = arith.constant 256 : index
      %get3A_298 = tpu.vector_load %arg11[%get3A_296, %get3A_297] {strides = array<i32>} : memref<64x768xf32, #tpu.memory_space<vmem>>, vector<1x16xf32>,
      %get3A_299 = vector.shape_cast %get3A_298 : vector<1x16xf32> to vector<16xf32>
      %mul3A_300 = arith.mulf %get3A_299, %get3A_35 : vector<16xf32>
      %add3A_301 = arith.addf %mul3A_295, %mul3A_300 : vector<16xf32>
      %swap3A_302 = arith.index_cast %scan3A_27 : i32 to index
      %swap3A_303 = arith.constant 256 : index
      %swap3A_304 = tpu.vector_load %arg10[%swap3A_302, %swap3A_303] {strides = array<i32>} : memref<64x768xf32, #tpu.memory_space<vmem>>, vector<1x16xf32>,
      %swap3A_305 = vector.shape_cast %swap3A_304 : vector<1x16xf32> to vector<16xf32>
      %swap3A_306 = vector.shape_cast %add3A_301 : vector<16xf32> to vector<1x16xf32>
      tpu.vector_store %arg10[%swap3A_302, %swap3A_303], %swap3A_306 {strides = array<i32>} : memref<64x768xf32, #tpu.memory_space<vmem>>, vector<1x16xf32>,
      %get3A_307 = arith.index_cast %scan3A_27 : i32 to index
      %get3A_308 = arith.constant 272 : index
      %get3A_309 = tpu.vector_load %arg10[%get3A_307, %get3A_308] {strides = array<i32>} : memref<64x768xf32, #tpu.memory_space<vmem>>, vector<1x16xf32>,
      %get3A_310 = vector.shape_cast %get3A_309 : vector<1x16xf32> to vector<16xf32>
      %mul3A_311 = arith.mulf %get3A_310, %get3A_31 : vector<16xf32>
      %get3A_312 = arith.index_cast %scan3A_27 : i32 to index
      %get3A_313 = arith.constant 272 : index
      %get3A_314 = tpu.vector_load %arg11[%get3A_312, %get3A_313] {strides = array<i32>} : memref<64x768xf32, #tpu.memory_space<vmem>>, vector<1x16xf32>,
      %get3A_315 = vector.shape_cast %get3A_314 : vector<1x16xf32> to vector<16xf32>
      %mul3A_316 = arith.mulf %get3A_315, %get3A_35 : vector<16xf32>
      %add3A_317 = arith.addf %mul3A_311, %mul3A_316 : vector<16xf32>
      %swap3A_318 = arith.index_cast %scan3A_27 : i32 to index
      %swap3A_319 = arith.constant 272 : index
      %swap3A_320 = tpu.vector_load %arg10[%swap3A_318, %swap3A_319] {strides = array<i32>} : memref<64x768xf32, #tpu.memory_space<vmem>>, vector<1x16xf32>,
      %swap3A_321 = vector.shape_cast %swap3A_320 : vector<1x16xf32> to vector<16xf32>
      %swap3A_322 = vector.shape_cast %add3A_317 : vector<16xf32> to vector<1x16xf32>
      tpu.vector_store %arg10[%swap3A_318, %swap3A_319], %swap3A_322 {strides = array<i32>} : memref<64x768xf32, #tpu.memory_space<vmem>>, vector<1x16xf32>,
      %get3A_323 = arith.index_cast %scan3A_27 : i32 to index
      %get3A_324 = arith.constant 288 : index
      %get3A_325 = tpu.vector_load %arg10[%get3A_323, %get3A_324] {strides = array<i32>} : memref<64x768xf32, #tpu.memory_space<vmem>>, vector<1x16xf32>,
      %get3A_326 = vector.shape_cast %get3A_325 : vector<1x16xf32> to vector<16xf32>
      %mul3A_327 = arith.mulf %get3A_326, %get3A_31 : vector<16xf32>
      %get3A_328 = arith.index_cast %scan3A_27 : i32 to index
      %get3A_329 = arith.constant 288 : index
      %get3A_330 = tpu.vector_load %arg11[%get3A_328, %get3A_329] {strides = array<i32>} : memref<64x768xf32, #tpu.memory_space<vmem>>, vector<1x16xf32>,
      %get3A_331 = vector.shape_cast %get3A_330 : vector<1x16xf32> to vector<16xf32>
      %mul3A_332 = arith.mulf %get3A_331, %get3A_35 : vector<16xf32>
      %add3A_333 = arith.addf %mul3A_327, %mul3A_332 : vector<16xf32>
      %swap3A_334 = arith.index_cast %scan3A_27 : i32 to index
      %swap3A_335 = arith.constant 288 : index
      %swap3A_336 = tpu.vector_load %arg10[%swap3A_334, %swap3A_335] {strides = array<i32>} : memref<64x768xf32, #tpu.memory_space<vmem>>, vector<1x16xf32>,
      %swap3A_337 = vector.shape_cast %swap3A_336 : vector<1x16xf32> to vector<16xf32>
      %swap3A_338 = vector.shape_cast %add3A_333 : vector<16xf32> to vector<1x16xf32>
      tpu.vector_store %arg10[%swap3A_334, %swap3A_335], %swap3A_338 {strides = array<i32>} : memref<64x768xf32, #tpu.memory_space<vmem>>, vector<1x16xf32>,
      %get3A_339 = arith.index_cast %scan3A_27 : i32 to index
      %get3A_340 = arith.constant 304 : index
      %get3A_341 = tpu.vector_load %arg10[%get3A_339, %get3A_340] {strides = array<i32>} : memref<64x768xf32, #tpu.memory_space<vmem>>, vector<1x16xf32>,
      %get3A_342 = vector.shape_cast %get3A_341 : vector<1x16xf32> to vector<16xf32>
      %mul3A_343 = arith.mulf %get3A_342, %get3A_31 : vector<16xf32>
      %get3A_344 = arith.index_cast %scan3A_27 : i32 to index
      %get3A_345 = arith.constant 304 : index
      %get3A_346 = tpu.vector_load %arg11[%get3A_344, %get3A_345] {strides = array<i32>} : memref<64x768xf32, #tpu.memory_space<vmem>>, vector<1x16xf32>,
      %get3A_347 = vector.shape_cast %get3A_346 : vector<1x16xf32> to vector<16xf32>
      %mul3A_348 = arith.mulf %get3A_347, %get3A_35 : vector<16xf32>
      %add3A_349 = arith.addf %mul3A_343, %mul3A_348 : vector<16xf32>
      %swap3A_350 = arith.index_cast %scan3A_27 : i32 to index
      %swap3A_351 = arith.constant 304 : index
      %swap3A_352 = tpu.vector_load %arg10[%swap3A_350, %swap3A_351] {strides = array<i32>} : memref<64x768xf32, #tpu.memory_space<vmem>>, vector<1x16xf32>,
      %swap3A_353 = vector.shape_cast %swap3A_352 : vector<1x16xf32> to vector<16xf32>
      %swap3A_354 = vector.shape_cast %add3A_349 : vector<16xf32> to vector<1x16xf32>
      tpu.vector_store %arg10[%swap3A_350, %swap3A_351], %swap3A_354 {strides = array<i32>} : memref<64x768xf32, #tpu.memory_space<vmem>>, vector<1x16xf32>,
      %get3A_355 = arith.index_cast %scan3A_27 : i32 to index
      %get3A_356 = arith.constant 320 : index
      %get3A_357 = tpu.vector_load %arg10[%get3A_355, %get3A_356] {strides = array<i32>} : memref<64x768xf32, #tpu.memory_space<vmem>>, vector<1x16xf32>,
      %get3A_358 = vector.shape_cast %get3A_357 : vector<1x16xf32> to vector<16xf32>
      %mul3A_359 = arith.mulf %get3A_358, %get3A_31 : vector<16xf32>
      %get3A_360 = arith.index_cast %scan3A_27 : i32 to index
      %get3A_361 = arith.constant 320 : index
      %get3A_362 = tpu.vector_load %arg11[%get3A_360, %get3A_361] {strides = array<i32>} : memref<64x768xf32, #tpu.memory_space<vmem>>, vector<1x16xf32>,
      %get3A_363 = vector.shape_cast %get3A_362 : vector<1x16xf32> to vector<16xf32>
      %mul3A_364 = arith.mulf %get3A_363, %get3A_35 : vector<16xf32>
      %add3A_365 = arith.addf %mul3A_359, %mul3A_364 : vector<16xf32>
      %swap3A_366 = arith.index_cast %scan3A_27 : i32 to index
      %swap3A_367 = arith.constant 320 : index
      %swap3A_368 = tpu.vector_load %arg10[%swap3A_366, %swap3A_367] {strides = array<i32>} : memref<64x768xf32, #tpu.memory_space<vmem>>, vector<1x16xf32>,
      %swap3A_369 = vector.shape_cast %swap3A_368 : vector<1x16xf32> to vector<16xf32>
      %swap3A_370 = vector.shape_cast %add3A_365 : vector<16xf32> to vector<1x16xf32>
      tpu.vector_store %arg10[%swap3A_366, %swap3A_367], %swap3A_370 {strides = array<i32>} : memref<64x768xf32, #tpu.memory_space<vmem>>, vector<1x16xf32>,
      %get3A_371 = arith.index_cast %scan3A_27 : i32 to index
      %get3A_372 = arith.constant 336 : index
      %get3A_373 = tpu.vector_load %arg10[%get3A_371, %get3A_372] {strides = array<i32>} : memref<64x768xf32, #tpu.memory_space<vmem>>, vector<1x16xf32>,
      %get3A_374 = vector.shape_cast %get3A_373 : vector<1x16xf32> to vector<16xf32>
      %mul3A_375 = arith.mulf %get3A_374, %get3A_31 : vector<16xf32>
      %get3A_376 = arith.index_cast %scan3A_27 : i32 to index
      %get3A_377 = arith.constant 336 : index
      %get3A_378 = tpu.vector_load %arg11[%get3A_376, %get3A_377] {strides = array<i32>} : memref<64x768xf32, #tpu.memory_space<vmem>>, vector<1x16xf32>,
      %get3A_379 = vector.shape_cast %get3A_378 : vector<1x16xf32> to vector<16xf32>
      %mul3A_380 = arith.mulf %get3A_379, %get3A_35 : vector<16xf32>
      %add3A_381 = arith.addf %mul3A_375, %mul3A_380 : vector<16xf32>
      %swap3A_382 = arith.index_cast %scan3A_27 : i32 to index
      %swap3A_383 = arith.constant 336 : index
      %swap3A_384 = tpu.vector_load %arg10[%swap3A_382, %swap3A_383] {strides = array<i32>} : memref<64x768xf32, #tpu.memory_space<vmem>>, vector<1x16xf32>,
      %swap3A_385 = vector.shape_cast %swap3A_384 : vector<1x16xf32> to vector<16xf32>
      %swap3A_386 = vector.shape_cast %add3A_381 : vector<16xf32> to vector<1x16xf32>
      tpu.vector_store %arg10[%swap3A_382, %swap3A_383], %swap3A_386 {strides = array<i32>} : memref<64x768xf32, #tpu.memory_space<vmem>>, vector<1x16xf32>,
      %get3A_387 = arith.index_cast %scan3A_27 : i32 to index
      %get3A_388 = arith.constant 352 : index
      %get3A_389 = tpu.vector_load %arg10[%get3A_387, %get3A_388] {strides = array<i32>} : memref<64x768xf32, #tpu.memory_space<vmem>>, vector<1x16xf32>,
      %get3A_390 = vector.shape_cast %get3A_389 : vector<1x16xf32> to vector<16xf32>
      %mul3A_391 = arith.mulf %get3A_390, %get3A_31 : vector<16xf32>
      %get3A_392 = arith.index_cast %scan3A_27 : i32 to index
      %get3A_393 = arith.constant 352 : index
      %get3A_394 = tpu.vector_load %arg11[%get3A_392, %get3A_393] {strides = array<i32>} : memref<64x768xf32, #tpu.memory_space<vmem>>, vector<1x16xf32>,
      %get3A_395 = vector.shape_cast %get3A_394 : vector<1x16xf32> to vector<16xf32>
      %mul3A_396 = arith.mulf %get3A_395, %get3A_35 : vector<16xf32>
      %add3A_397 = arith.addf %mul3A_391, %mul3A_396 : vector<16xf32>
      %swap3A_398 = arith.index_cast %scan3A_27 : i32 to index
      %swap3A_399 = arith.constant 352 : index
      %swap3A_400 = tpu.vector_load %arg10[%swap3A_398, %swap3A_399] {strides = array<i32>} : memref<64x768xf32, #tpu.memory_space<vmem>>, vector<1x16xf32>,
      %swap3A_401 = vector.shape_cast %swap3A_400 : vector<1x16xf32> to vector<16xf32>
      %swap3A_402 = vector.shape_cast %add3A_397 : vector<16xf32> to vector<1x16xf32>
      tpu.vector_store %arg10[%swap3A_398, %swap3A_399], %swap3A_402 {strides = array<i32>} : memref<64x768xf32, #tpu.memory_space<vmem>>, vector<1x16xf32>,
      %get3A_403 = arith.index_cast %scan3A_27 : i32 to index
      %get3A_404 = arith.constant 368 : index
      %get3A_405 = tpu.vector_load %arg10[%get3A_403, %get3A_404] {strides = array<i32>} : memref<64x768xf32, #tpu.memory_space<vmem>>, vector<1x16xf32>,
      %get3A_406 = vector.shape_cast %get3A_405 : vector<1x16xf32> to vector<16xf32>
      %mul3A_407 = arith.mulf %get3A_406, %get3A_31 : vector<16xf32>
      %get3A_408 = arith.index_cast %scan3A_27 : i32 to index
      %get3A_409 = arith.constant 368 : index
      %get3A_410 = tpu.vector_load %arg11[%get3A_408, %get3A_409] {strides = array<i32>} : memref<64x768xf32, #tpu.memory_space<vmem>>, vector<1x16xf32>,
      %get3A_411 = vector.shape_cast %get3A_410 : vector<1x16xf32> to vector<16xf32>
      %mul3A_412 = arith.mulf %get3A_411, %get3A_35 : vector<16xf32>
      %add3A_413 = arith.addf %mul3A_407, %mul3A_412 : vector<16xf32>
      %swap3A_414 = arith.index_cast %scan3A_27 : i32 to index
      %swap3A_415 = arith.constant 368 : index
      %swap3A_416 = tpu.vector_load %arg10[%swap3A_414, %swap3A_415] {strides = array<i32>} : memref<64x768xf32, #tpu.memory_space<vmem>>, vector<1x16xf32>,
      %swap3A_417 = vector.shape_cast %swap3A_416 : vector<1x16xf32> to vector<16xf32>
      %swap3A_418 = vector.shape_cast %add3A_413 : vector<16xf32> to vector<1x16xf32>
      tpu.vector_store %arg10[%swap3A_414, %swap3A_415], %swap3A_418 {strides = array<i32>} : memref<64x768xf32, #tpu.memory_space<vmem>>, vector<1x16xf32>,
      %get3A_419 = arith.index_cast %scan3A_27 : i32 to index
      %get3A_420 = arith.constant 384 : index
      %get3A_421 = tpu.vector_load %arg10[%get3A_419, %get3A_420] {strides = array<i32>} : memref<64x768xf32, #tpu.memory_space<vmem>>, vector<1x16xf32>,
      %get3A_422 = vector.shape_cast %get3A_421 : vector<1x16xf32> to vector<16xf32>
      %mul3A_423 = arith.mulf %get3A_422, %get3A_31 : vector<16xf32>
      %get3A_424 = arith.index_cast %scan3A_27 : i32 to index
      %get3A_425 = arith.constant 384 : index
      %get3A_426 = tpu.vector_load %arg11[%get3A_424, %get3A_425] {strides = array<i32>} : memref<64x768xf32, #tpu.memory_space<vmem>>, vector<1x16xf32>,
      %get3A_427 = vector.shape_cast %get3A_426 : vector<1x16xf32> to vector<16xf32>
      %mul3A_428 = arith.mulf %get3A_427, %get3A_35 : vector<16xf32>
      %add3A_429 = arith.addf %mul3A_423, %mul3A_428 : vector<16xf32>
      %swap3A_430 = arith.index_cast %scan3A_27 : i32 to index
      %swap3A_431 = arith.constant 384 : index
      %swap3A_432 = tpu.vector_load %arg10[%swap3A_430, %swap3A_431] {strides = array<i32>} : memref<64x768xf32, #tpu.memory_space<vmem>>, vector<1x16xf32>,
      %swap3A_433 = vector.shape_cast %swap3A_432 : vector<1x16xf32> to vector<16xf32>
      %swap3A_434 = vector.shape_cast %add3A_429 : vector<16xf32> to vector<1x16xf32>
      tpu.vector_store %arg10[%swap3A_430, %swap3A_431], %swap3A_434 {strides = array<i32>} : memref<64x768xf32, #tpu.memory_space<vmem>>, vector<1x16xf32>,
      %get3A_435 = arith.index_cast %scan3A_27 : i32 to index
      %get3A_436 = arith.constant 400 : index
      %get3A_437 = tpu.vector_load %arg10[%get3A_435, %get3A_436] {strides = array<i32>} : memref<64x768xf32, #tpu.memory_space<vmem>>, vector<1x16xf32>,
      %get3A_438 = vector.shape_cast %get3A_437 : vector<1x16xf32> to vector<16xf32>
      %mul3A_439 = arith.mulf %get3A_438, %get3A_31 : vector<16xf32>
      %get3A_440 = arith.index_cast %scan3A_27 : i32 to index
      %get3A_441 = arith.constant 400 : index
      %get3A_442 = tpu.vector_load %arg11[%get3A_440, %get3A_441] {strides = array<i32>} : memref<64x768xf32, #tpu.memory_space<vmem>>, vector<1x16xf32>,
      %get3A_443 = vector.shape_cast %get3A_442 : vector<1x16xf32> to vector<16xf32>
      %mul3A_444 = arith.mulf %get3A_443, %get3A_35 : vector<16xf32>
      %add3A_445 = arith.addf %mul3A_439, %mul3A_444 : vector<16xf32>
      %swap3A_446 = arith.index_cast %scan3A_27 : i32 to index
      %swap3A_447 = arith.constant 400 : index
      %swap3A_448 = tpu.vector_load %arg10[%swap3A_446, %swap3A_447] {strides = array<i32>} : memref<64x768xf32, #tpu.memory_space<vmem>>, vector<1x16xf32>,
      %swap3A_449 = vector.shape_cast %swap3A_448 : vector<1x16xf32> to vector<16xf32>
      %swap3A_450 = vector.shape_cast %add3A_445 : vector<16xf32> to vector<1x16xf32>
      tpu.vector_store %arg10[%swap3A_446, %swap3A_447], %swap3A_450 {strides = array<i32>} : memref<64x768xf32, #tpu.memory_space<vmem>>, vector<1x16xf32>,
      %get3A_451 = arith.index_cast %scan3A_27 : i32 to index
      %get3A_452 = arith.constant 416 : index
      %get3A_453 = tpu.vector_load %arg10[%get3A_451, %get3A_452] {strides = array<i32>} : memref<64x768xf32, #tpu.memory_space<vmem>>, vector<1x16xf32>,
      %get3A_454 = vector.shape_cast %get3A_453 : vector<1x16xf32> to vector<16xf32>
      %mul3A_455 = arith.mulf %get3A_454, %get3A_31 : vector<16xf32>
      %get3A_456 = arith.index_cast %scan3A_27 : i32 to index
      %get3A_457 = arith.constant 416 : index
      %get3A_458 = tpu.vector_load %arg11[%get3A_456, %get3A_457] {strides = array<i32>} : memref<64x768xf32, #tpu.memory_space<vmem>>, vector<1x16xf32>,
      %get3A_459 = vector.shape_cast %get3A_458 : vector<1x16xf32> to vector<16xf32>
      %mul3A_460 = arith.mulf %get3A_459, %get3A_35 : vector<16xf32>
      %add3A_461 = arith.addf %mul3A_455, %mul3A_460 : vector<16xf32>
      %swap3A_462 = arith.index_cast %scan3A_27 : i32 to index
      %swap3A_463 = arith.constant 416 : index
      %swap3A_464 = tpu.vector_load %arg10[%swap3A_462, %swap3A_463] {strides = array<i32>} : memref<64x768xf32, #tpu.memory_space<vmem>>, vector<1x16xf32>,
      %swap3A_465 = vector.shape_cast %swap3A_464 : vector<1x16xf32> to vector<16xf32>
      %swap3A_466 = vector.shape_cast %add3A_461 : vector<16xf32> to vector<1x16xf32>
      tpu.vector_store %arg10[%swap3A_462, %swap3A_463], %swap3A_466 {strides = array<i32>} : memref<64x768xf32, #tpu.memory_space<vmem>>, vector<1x16xf32>,
      %get3A_467 = arith.index_cast %scan3A_27 : i32 to index
      %get3A_468 = arith.constant 432 : index
      %get3A_469 = tpu.vector_load %arg10[%get3A_467, %get3A_468] {strides = array<i32>} : memref<64x768xf32, #tpu.memory_space<vmem>>, vector<1x16xf32>,
      %get3A_470 = vector.shape_cast %get3A_469 : vector<1x16xf32> to vector<16xf32>
      %mul3A_471 = arith.mulf %get3A_470, %get3A_31 : vector<16xf32>
      %get3A_472 = arith.index_cast %scan3A_27 : i32 to index
      %get3A_473 = arith.constant 432 : index
      %get3A_474 = tpu.vector_load %arg11[%get3A_472, %get3A_473] {strides = array<i32>} : memref<64x768xf32, #tpu.memory_space<vmem>>, vector<1x16xf32>,
      %get3A_475 = vector.shape_cast %get3A_474 : vector<1x16xf32> to vector<16xf32>
      %mul3A_476 = arith.mulf %get3A_475, %get3A_35 : vector<16xf32>
      %add3A_477 = arith.addf %mul3A_471, %mul3A_476 : vector<16xf32>
      %swap3A_478 = arith.index_cast %scan3A_27 : i32 to index
      %swap3A_479 = arith.constant 432 : index
      %swap3A_480 = tpu.vector_load %arg10[%swap3A_478, %swap3A_479] {strides = array<i32>} : memref<64x768xf32, #tpu.memory_space<vmem>>, vector<1x16xf32>,
      %swap3A_481 = vector.shape_cast %swap3A_480 : vector<1x16xf32> to vector<16xf32>
      %swap3A_482 = vector.shape_cast %add3A_477 : vector<16xf32> to vector<1x16xf32>
      tpu.vector_store %arg10[%swap3A_478, %swap3A_479], %swap3A_482 {strides = array<i32>} : memref<64x768xf32, #tpu.memory_space<vmem>>, vector<1x16xf32>,
      %get3A_483 = arith.index_cast %scan3A_27 : i32 to index
      %get3A_484 = arith.constant 448 : index
      %get3A_485 = tpu.vector_load %arg10[%get3A_483, %get3A_484] {strides = array<i32>} : memref<64x768xf32, #tpu.memory_space<vmem>>, vector<1x16xf32>,
      %get3A_486 = vector.shape_cast %get3A_485 : vector<1x16xf32> to vector<16xf32>
      %mul3A_487 = arith.mulf %get3A_486, %get3A_31 : vector<16xf32>
      %get3A_488 = arith.index_cast %scan3A_27 : i32 to index
      %get3A_489 = arith.constant 448 : index
      %get3A_490 = tpu.vector_load %arg11[%get3A_488, %get3A_489] {strides = array<i32>} : memref<64x768xf32, #tpu.memory_space<vmem>>, vector<1x16xf32>,
      %get3A_491 = vector.shape_cast %get3A_490 : vector<1x16xf32> to vector<16xf32>
      %mul3A_492 = arith.mulf %get3A_491, %get3A_35 : vector<16xf32>
      %add3A_493 = arith.addf %mul3A_487, %mul3A_492 : vector<16xf32>
      %swap3A_494 = arith.index_cast %scan3A_27 : i32 to index
      %swap3A_495 = arith.constant 448 : index
      %swap3A_496 = tpu.vector_load %arg10[%swap3A_494, %swap3A_495] {strides = array<i32>} : memref<64x768xf32, #tpu.memory_space<vmem>>, vector<1x16xf32>,
      %swap3A_497 = vector.shape_cast %swap3A_496 : vector<1x16xf32> to vector<16xf32>
      %swap3A_498 = vector.shape_cast %add3A_493 : vector<16xf32> to vector<1x16xf32>
      tpu.vector_store %arg10[%swap3A_494, %swap3A_495], %swap3A_498 {strides = array<i32>} : memref<64x768xf32, #tpu.memory_space<vmem>>, vector<1x16xf32>,
      %get3A_499 = arith.index_cast %scan3A_27 : i32 to index
      %get3A_500 = arith.constant 464 : index
      %get3A_501 = tpu.vector_load %arg10[%get3A_499, %get3A_500] {strides = array<i32>} : memref<64x768xf32, #tpu.memory_space<vmem>>, vector<1x16xf32>,
      %get3A_502 = vector.shape_cast %get3A_501 : vector<1x16xf32> to vector<16xf32>
      %mul3A_503 = arith.mulf %get3A_502, %get3A_31 : vector<16xf32>
      %get3A_504 = arith.index_cast %scan3A_27 : i32 to index
      %get3A_505 = arith.constant 464 : index
      %get3A_506 = tpu.vector_load %arg11[%get3A_504, %get3A_505] {strides = array<i32>} : memref<64x768xf32, #tpu.memory_space<vmem>>, vector<1x16xf32>,
      %get3A_507 = vector.shape_cast %get3A_506 : vector<1x16xf32> to vector<16xf32>
      %mul3A_508 = arith.mulf %get3A_507, %get3A_35 : vector<16xf32>
      %add3A_509 = arith.addf %mul3A_503, %mul3A_508 : vector<16xf32>
      %swap3A_510 = arith.index_cast %scan3A_27 : i32 to index
      %swap3A_511 = arith.constant 464 : index
      %swap3A_512 = tpu.vector_load %arg10[%swap3A_510, %swap3A_511] {strides = array<i32>} : memref<64x768xf32, #tpu.memory_space<vmem>>, vector<1x16xf32>,
      %swap3A_513 = vector.shape_cast %swap3A_512 : vector<1x16xf32> to vector<16xf32>
      %swap3A_514 = vector.shape_cast %add3A_509 : vector<16xf32> to vector<1x16xf32>
      tpu.vector_store %arg10[%swap3A_510, %swap3A_511], %swap3A_514 {strides = array<i32>} : memref<64x768xf32, #tpu.memory_space<vmem>>, vector<1x16xf32>,
      %get3A_515 = arith.index_cast %scan3A_27 : i32 to index
      %get3A_516 = arith.constant 480 : index
      %get3A_517 = tpu.vector_load %arg10[%get3A_515, %get3A_516] {strides = array<i32>} : memref<64x768xf32, #tpu.memory_space<vmem>>, vector<1x16xf32>,
      %get3A_518 = vector.shape_cast %get3A_517 : vector<1x16xf32> to vector<16xf32>
      %mul3A_519 = arith.mulf %get3A_518, %get3A_31 : vector<16xf32>
      %get3A_520 = arith.index_cast %scan3A_27 : i32 to index
      %get3A_521 = arith.constant 480 : index
      %get3A_522 = tpu.vector_load %arg11[%get3A_520, %get3A_521] {strides = array<i32>} : memref<64x768xf32, #tpu.memory_space<vmem>>, vector<1x16xf32>,
      %get3A_523 = vector.shape_cast %get3A_522 : vector<1x16xf32> to vector<16xf32>
      %mul3A_524 = arith.mulf %get3A_523, %get3A_35 : vector<16xf32>
      %add3A_525 = arith.addf %mul3A_519, %mul3A_524 : vector<16xf32>
      %swap3A_526 = arith.index_cast %scan3A_27 : i32 to index
      %swap3A_527 = arith.constant 480 : index
      %swap3A_528 = tpu.vector_load %arg10[%swap3A_526, %swap3A_527] {strides = array<i32>} : memref<64x768xf32, #tpu.memory_space<vmem>>, vector<1x16xf32>,
      %swap3A_529 = vector.shape_cast %swap3A_528 : vector<1x16xf32> to vector<16xf32>
      %swap3A_530 = vector.shape_cast %add3A_525 : vector<16xf32> to vector<1x16xf32>
      tpu.vector_store %arg10[%swap3A_526, %swap3A_527], %swap3A_530 {strides = array<i32>} : memref<64x768xf32, #tpu.memory_space<vmem>>, vector<1x16xf32>,
      %get3A_531 = arith.index_cast %scan3A_27 : i32 to index
      %get3A_532 = arith.constant 496 : index
      %get3A_533 = tpu.vector_load %arg10[%get3A_531, %get3A_532] {strides = array<i32>} : memref<64x768xf32, #tpu.memory_space<vmem>>, vector<1x16xf32>,
      %get3A_534 = vector.shape_cast %get3A_533 : vector<1x16xf32> to vector<16xf32>
      %mul3A_535 = arith.mulf %get3A_534, %get3A_31 : vector<16xf32>
      %get3A_536 = arith.index_cast %scan3A_27 : i32 to index
      %get3A_537 = arith.constant 496 : index
      %get3A_538 = tpu.vector_load %arg11[%get3A_536, %get3A_537] {strides = array<i32>} : memref<64x768xf32, #tpu.memory_space<vmem>>, vector<1x16xf32>,
      %get3A_539 = vector.shape_cast %get3A_538 : vector<1x16xf32> to vector<16xf32>
      %mul3A_540 = arith.mulf %get3A_539, %get3A_35 : vector<16xf32>
      %add3A_541 = arith.addf %mul3A_535, %mul3A_540 : vector<16xf32>
      %swap3A_542 = arith.index_cast %scan3A_27 : i32 to index
      %swap3A_543 = arith.constant 496 : index
      %swap3A_544 = tpu.vector_load %arg10[%swap3A_542, %swap3A_543] {strides = array<i32>} : memref<64x768xf32, #tpu.memory_space<vmem>>, vector<1x16xf32>,
      %swap3A_545 = vector.shape_cast %swap3A_544 : vector<1x16xf32> to vector<16xf32>
      %swap3A_546 = vector.shape_cast %add3A_541 : vector<16xf32> to vector<1x16xf32>
      tpu.vector_store %arg10[%swap3A_542, %swap3A_543], %swap3A_546 {strides = array<i32>} : memref<64x768xf32, #tpu.memory_space<vmem>>, vector<1x16xf32>,
      %get3A_547 = arith.index_cast %scan3A_27 : i32 to index
      %get3A_548 = arith.constant 512 : index
      %get3A_549 = tpu.vector_load %arg10[%get3A_547, %get3A_548] {strides = array<i32>} : memref<64x768xf32, #tpu.memory_space<vmem>>, vector<1x16xf32>,
      %get3A_550 = vector.shape_cast %get3A_549 : vector<1x16xf32> to vector<16xf32>
      %mul3A_551 = arith.mulf %get3A_550, %get3A_31 : vector<16xf32>
      %get3A_552 = arith.index_cast %scan3A_27 : i32 to index
      %get3A_553 = arith.constant 512 : index
      %get3A_554 = tpu.vector_load %arg11[%get3A_552, %get3A_553] {strides = array<i32>} : memref<64x768xf32, #tpu.memory_space<vmem>>, vector<1x16xf32>,
      %get3A_555 = vector.shape_cast %get3A_554 : vector<1x16xf32> to vector<16xf32>
      %mul3A_556 = arith.mulf %get3A_555, %get3A_35 : vector<16xf32>
      %add3A_557 = arith.addf %mul3A_551, %mul3A_556 : vector<16xf32>
      %swap3A_558 = arith.index_cast %scan3A_27 : i32 to index
      %swap3A_559 = arith.constant 512 : index
      %swap3A_560 = tpu.vector_load %arg10[%swap3A_558, %swap3A_559] {strides = array<i32>} : memref<64x768xf32, #tpu.memory_space<vmem>>, vector<1x16xf32>,
      %swap3A_561 = vector.shape_cast %swap3A_560 : vector<1x16xf32> to vector<16xf32>
      %swap3A_562 = vector.shape_cast %add3A_557 : vector<16xf32> to vector<1x16xf32>
      tpu.vector_store %arg10[%swap3A_558, %swap3A_559], %swap3A_562 {strides = array<i32>} : memref<64x768xf32, #tpu.memory_space<vmem>>, vector<1x16xf32>,
      %get3A_563 = arith.index_cast %scan3A_27 : i32 to index
      %get3A_564 = arith.constant 528 : index
      %get3A_565 = tpu.vector_load %arg10[%get3A_563, %get3A_564] {strides = array<i32>} : memref<64x768xf32, #tpu.memory_space<vmem>>, vector<1x16xf32>,
      %get3A_566 = vector.shape_cast %get3A_565 : vector<1x16xf32> to vector<16xf32>
      %mul3A_567 = arith.mulf %get3A_566, %get3A_31 : vector<16xf32>
      %get3A_568 = arith.index_cast %scan3A_27 : i32 to index
      %get3A_569 = arith.constant 528 : index
      %get3A_570 = tpu.vector_load %arg11[%get3A_568, %get3A_569] {strides = array<i32>} : memref<64x768xf32, #tpu.memory_space<vmem>>, vector<1x16xf32>,
      %get3A_571 = vector.shape_cast %get3A_570 : vector<1x16xf32> to vector<16xf32>
      %mul3A_572 = arith.mulf %get3A_571, %get3A_35 : vector<16xf32>
      %add3A_573 = arith.addf %mul3A_567, %mul3A_572 : vector<16xf32>
      %swap3A_574 = arith.index_cast %scan3A_27 : i32 to index
      %swap3A_575 = arith.constant 528 : index
      %swap3A_576 = tpu.vector_load %arg10[%swap3A_574, %swap3A_575] {strides = array<i32>} : memref<64x768xf32, #tpu.memory_space<vmem>>, vector<1x16xf32>,
      %swap3A_577 = vector.shape_cast %swap3A_576 : vector<1x16xf32> to vector<16xf32>
      %swap3A_578 = vector.shape_cast %add3A_573 : vector<16xf32> to vector<1x16xf32>
      tpu.vector_store %arg10[%swap3A_574, %swap3A_575], %swap3A_578 {strides = array<i32>} : memref<64x768xf32, #tpu.memory_space<vmem>>, vector<1x16xf32>,
      %get3A_579 = arith.index_cast %scan3A_27 : i32 to index
      %get3A_580 = arith.constant 544 : index
      %get3A_581 = tpu.vector_load %arg10[%get3A_579, %get3A_580] {strides = array<i32>} : memref<64x768xf32, #tpu.memory_space<vmem>>, vector<1x16xf32>,
      %get3A_582 = vector.shape_cast %get3A_581 : vector<1x16xf32> to vector<16xf32>
      %mul3A_583 = arith.mulf %get3A_582, %get3A_31 : vector<16xf32>
      %get3A_584 = arith.index_cast %scan3A_27 : i32 to index
      %get3A_585 = arith.constant 544 : index
      %get3A_586 = tpu.vector_load %arg11[%get3A_584, %get3A_585] {strides = array<i32>} : memref<64x768xf32, #tpu.memory_space<vmem>>, vector<1x16xf32>,
      %get3A_587 = vector.shape_cast %get3A_586 : vector<1x16xf32> to vector<16xf32>
      %mul3A_588 = arith.mulf %get3A_587, %get3A_35 : vector<16xf32>
      %add3A_589 = arith.addf %mul3A_583, %mul3A_588 : vector<16xf32>
      %swap3A_590 = arith.index_cast %scan3A_27 : i32 to index
      %swap3A_591 = arith.constant 544 : index
      %swap3A_592 = tpu.vector_load %arg10[%swap3A_590, %swap3A_591] {strides = array<i32>} : memref<64x768xf32, #tpu.memory_space<vmem>>, vector<1x16xf32>,
      %swap3A_593 = vector.shape_cast %swap3A_592 : vector<1x16xf32> to vector<16xf32>
      %swap3A_594 = vector.shape_cast %add3A_589 : vector<16xf32> to vector<1x16xf32>
      tpu.vector_store %arg10[%swap3A_590, %swap3A_591], %swap3A_594 {strides = array<i32>} : memref<64x768xf32, #tpu.memory_space<vmem>>, vector<1x16xf32>,
      %get3A_595 = arith.index_cast %scan3A_27 : i32 to index
      %get3A_596 = arith.constant 560 : index
      %get3A_597 = tpu.vector_load %arg10[%get3A_595, %get3A_596] {strides = array<i32>} : memref<64x768xf32, #tpu.memory_space<vmem>>, vector<1x16xf32>,
      %get3A_598 = vector.shape_cast %get3A_597 : vector<1x16xf32> to vector<16xf32>
      %mul3A_599 = arith.mulf %get3A_598, %get3A_31 : vector<16xf32>
      %get3A_600 = arith.index_cast %scan3A_27 : i32 to index
      %get3A_601 = arith.constant 560 : index
      %get3A_602 = tpu.vector_load %arg11[%get3A_600, %get3A_601] {strides = array<i32>} : memref<64x768xf32, #tpu.memory_space<vmem>>, vector<1x16xf32>,
      %get3A_603 = vector.shape_cast %get3A_602 : vector<1x16xf32> to vector<16xf32>
      %mul3A_604 = arith.mulf %get3A_603, %get3A_35 : vector<16xf32>
      %add3A_605 = arith.addf %mul3A_599, %mul3A_604 : vector<16xf32>
      %swap3A_606 = arith.index_cast %scan3A_27 : i32 to index
      %swap3A_607 = arith.constant 560 : index
      %swap3A_608 = tpu.vector_load %arg10[%swap3A_606, %swap3A_607] {strides = array<i32>} : memref<64x768xf32, #tpu.memory_space<vmem>>, vector<1x16xf32>,
      %swap3A_609 = vector.shape_cast %swap3A_608 : vector<1x16xf32> to vector<16xf32>
      %swap3A_610 = vector.shape_cast %add3A_605 : vector<16xf32> to vector<1x16xf32>
      tpu.vector_store %arg10[%swap3A_606, %swap3A_607], %swap3A_610 {strides = array<i32>} : memref<64x768xf32, #tpu.memory_space<vmem>>, vector<1x16xf32>,
      %get3A_611 = arith.index_cast %scan3A_27 : i32 to index
      %get3A_612 = arith.constant 576 : index
      %get3A_613 = tpu.vector_load %arg10[%get3A_611, %get3A_612] {strides = array<i32>} : memref<64x768xf32, #tpu.memory_space<vmem>>, vector<1x16xf32>,
      %get3A_614 = vector.shape_cast %get3A_613 : vector<1x16xf32> to vector<16xf32>
      %mul3A_615 = arith.mulf %get3A_614, %get3A_31 : vector<16xf32>
      %get3A_616 = arith.index_cast %scan3A_27 : i32 to index
      %get3A_617 = arith.constant 576 : index
      %get3A_618 = tpu.vector_load %arg11[%get3A_616, %get3A_617] {strides = array<i32>} : memref<64x768xf32, #tpu.memory_space<vmem>>, vector<1x16xf32>,
      %get3A_619 = vector.shape_cast %get3A_618 : vector<1x16xf32> to vector<16xf32>
      %mul3A_620 = arith.mulf %get3A_619, %get3A_35 : vector<16xf32>
      %add3A_621 = arith.addf %mul3A_615, %mul3A_620 : vector<16xf32>
      %swap3A_622 = arith.index_cast %scan3A_27 : i32 to index
      %swap3A_623 = arith.constant 576 : index
      %swap3A_624 = tpu.vector_load %arg10[%swap3A_622, %swap3A_623] {strides = array<i32>} : memref<64x768xf32, #tpu.memory_space<vmem>>, vector<1x16xf32>,
      %swap3A_625 = vector.shape_cast %swap3A_624 : vector<1x16xf32> to vector<16xf32>
      %swap3A_626 = vector.shape_cast %add3A_621 : vector<16xf32> to vector<1x16xf32>
      tpu.vector_store %arg10[%swap3A_622, %swap3A_623], %swap3A_626 {strides = array<i32>} : memref<64x768xf32, #tpu.memory_space<vmem>>, vector<1x16xf32>,
      %get3A_627 = arith.index_cast %scan3A_27 : i32 to index
      %get3A_628 = arith.constant 592 : index
      %get3A_629 = tpu.vector_load %arg10[%get3A_627, %get3A_628] {strides = array<i32>} : memref<64x768xf32, #tpu.memory_space<vmem>>, vector<1x16xf32>,
      %get3A_630 = vector.shape_cast %get3A_629 : vector<1x16xf32> to vector<16xf32>
      %mul3A_631 = arith.mulf %get3A_630, %get3A_31 : vector<16xf32>
      %get3A_632 = arith.index_cast %scan3A_27 : i32 to index
      %get3A_633 = arith.constant 592 : index
      %get3A_634 = tpu.vector_load %arg11[%get3A_632, %get3A_633] {strides = array<i32>} : memref<64x768xf32, #tpu.memory_space<vmem>>, vector<1x16xf32>,
      %get3A_635 = vector.shape_cast %get3A_634 : vector<1x16xf32> to vector<16xf32>
      %mul3A_636 = arith.mulf %get3A_635, %get3A_35 : vector<16xf32>
      %add3A_637 = arith.addf %mul3A_631, %mul3A_636 : vector<16xf32>
      %swap3A_638 = arith.index_cast %scan3A_27 : i32 to index
      %swap3A_639 = arith.constant 592 : index
      %swap3A_640 = tpu.vector_load %arg10[%swap3A_638, %swap3A_639] {strides = array<i32>} : memref<64x768xf32, #tpu.memory_space<vmem>>, vector<1x16xf32>,
      %swap3A_641 = vector.shape_cast %swap3A_640 : vector<1x16xf32> to vector<16xf32>
      %swap3A_642 = vector.shape_cast %add3A_637 : vector<16xf32> to vector<1x16xf32>
      tpu.vector_store %arg10[%swap3A_638, %swap3A_639], %swap3A_642 {strides = array<i32>} : memref<64x768xf32, #tpu.memory_space<vmem>>, vector<1x16xf32>,
      %get3A_643 = arith.index_cast %scan3A_27 : i32 to index
      %get3A_644 = arith.constant 608 : index
      %get3A_645 = tpu.vector_load %arg10[%get3A_643, %get3A_644] {strides = array<i32>} : memref<64x768xf32, #tpu.memory_space<vmem>>, vector<1x16xf32>,
      %get3A_646 = vector.shape_cast %get3A_645 : vector<1x16xf32> to vector<16xf32>
      %mul3A_647 = arith.mulf %get3A_646, %get3A_31 : vector<16xf32>
      %get3A_648 = arith.index_cast %scan3A_27 : i32 to index
      %get3A_649 = arith.constant 608 : index
      %get3A_650 = tpu.vector_load %arg11[%get3A_648, %get3A_649] {strides = array<i32>} : memref<64x768xf32, #tpu.memory_space<vmem>>, vector<1x16xf32>,
      %get3A_651 = vector.shape_cast %get3A_650 : vector<1x16xf32> to vector<16xf32>
      %mul3A_652 = arith.mulf %get3A_651, %get3A_35 : vector<16xf32>
      %add3A_653 = arith.addf %mul3A_647, %mul3A_652 : vector<16xf32>
      %swap3A_654 = arith.index_cast %scan3A_27 : i32 to index
      %swap3A_655 = arith.constant 608 : index
      %swap3A_656 = tpu.vector_load %arg10[%swap3A_654, %swap3A_655] {strides = array<i32>} : memref<64x768xf32, #tpu.memory_space<vmem>>, vector<1x16xf32>,
      %swap3A_657 = vector.shape_cast %swap3A_656 : vector<1x16xf32> to vector<16xf32>
      %swap3A_658 = vector.shape_cast %add3A_653 : vector<16xf32> to vector<1x16xf32>
      tpu.vector_store %arg10[%swap3A_654, %swap3A_655], %swap3A_658 {strides = array<i32>} : memref<64x768xf32, #tpu.memory_space<vmem>>, vector<1x16xf32>,
      %get3A_659 = arith.index_cast %scan3A_27 : i32 to index
      %get3A_660 = arith.constant 624 : index
      %get3A_661 = tpu.vector_load %arg10[%get3A_659, %get3A_660] {strides = array<i32>} : memref<64x768xf32, #tpu.memory_space<vmem>>, vector<1x16xf32>,
      %get3A_662 = vector.shape_cast %get3A_661 : vector<1x16xf32> to vector<16xf32>
      %mul3A_663 = arith.mulf %get3A_662, %get3A_31 : vector<16xf32>
      %get3A_664 = arith.index_cast %scan3A_27 : i32 to index
      %get3A_665 = arith.constant 624 : index
      %get3A_666 = tpu.vector_load %arg11[%get3A_664, %get3A_665] {strides = array<i32>} : memref<64x768xf32, #tpu.memory_space<vmem>>, vector<1x16xf32>,
      %get3A_667 = vector.shape_cast %get3A_666 : vector<1x16xf32> to vector<16xf32>
      %mul3A_668 = arith.mulf %get3A_667, %get3A_35 : vector<16xf32>
      %add3A_669 = arith.addf %mul3A_663, %mul3A_668 : vector<16xf32>
      %swap3A_670 = arith.index_cast %scan3A_27 : i32 to index
      %swap3A_671 = arith.constant 624 : index
      %swap3A_672 = tpu.vector_load %arg10[%swap3A_670, %swap3A_671] {strides = array<i32>} : memref<64x768xf32, #tpu.memory_space<vmem>>, vector<1x16xf32>,
      %swap3A_673 = vector.shape_cast %swap3A_672 : vector<1x16xf32> to vector<16xf32>
      %swap3A_674 = vector.shape_cast %add3A_669 : vector<16xf32> to vector<1x16xf32>
      tpu.vector_store %arg10[%swap3A_670, %swap3A_671], %swap3A_674 {strides = array<i32>} : memref<64x768xf32, #tpu.memory_space<vmem>>, vector<1x16xf32>,
      %get3A_675 = arith.index_cast %scan3A_27 : i32 to index
      %get3A_676 = arith.constant 640 : index
      %get3A_677 = tpu.vector_load %arg10[%get3A_675, %get3A_676] {strides = array<i32>} : memref<64x768xf32, #tpu.memory_space<vmem>>, vector<1x16xf32>,
      %get3A_678 = vector.shape_cast %get3A_677 : vector<1x16xf32> to vector<16xf32>
      %mul3A_679 = arith.mulf %get3A_678, %get3A_31 : vector<16xf32>
      %get3A_680 = arith.index_cast %scan3A_27 : i32 to index
      %get3A_681 = arith.constant 640 : index
      %get3A_682 = tpu.vector_load %arg11[%get3A_680, %get3A_681] {strides = array<i32>} : memref<64x768xf32, #tpu.memory_space<vmem>>, vector<1x16xf32>,
      %get3A_683 = vector.shape_cast %get3A_682 : vector<1x16xf32> to vector<16xf32>
      %mul3A_684 = arith.mulf %get3A_683, %get3A_35 : vector<16xf32>
      %add3A_685 = arith.addf %mul3A_679, %mul3A_684 : vector<16xf32>
      %swap3A_686 = arith.index_cast %scan3A_27 : i32 to index
      %swap3A_687 = arith.constant 640 : index
      %swap3A_688 = tpu.vector_load %arg10[%swap3A_686, %swap3A_687] {strides = array<i32>} : memref<64x768xf32, #tpu.memory_space<vmem>>, vector<1x16xf32>,
      %swap3A_689 = vector.shape_cast %swap3A_688 : vector<1x16xf32> to vector<16xf32>
      %swap3A_690 = vector.shape_cast %add3A_685 : vector<16xf32> to vector<1x16xf32>
      tpu.vector_store %arg10[%swap3A_686, %swap3A_687], %swap3A_690 {strides = array<i32>} : memref<64x768xf32, #tpu.memory_space<vmem>>, vector<1x16xf32>,
      %get3A_691 = arith.index_cast %scan3A_27 : i32 to index
      %get3A_692 = arith.constant 656 : index
      %get3A_693 = tpu.vector_load %arg10[%get3A_691, %get3A_692] {strides = array<i32>} : memref<64x768xf32, #tpu.memory_space<vmem>>, vector<1x16xf32>,
      %get3A_694 = vector.shape_cast %get3A_693 : vector<1x16xf32> to vector<16xf32>
      %mul3A_695 = arith.mulf %get3A_694, %get3A_31 : vector<16xf32>
      %get3A_696 = arith.index_cast %scan3A_27 : i32 to index
      %get3A_697 = arith.constant 656 : index
      %get3A_698 = tpu.vector_load %arg11[%get3A_696, %get3A_697] {strides = array<i32>} : memref<64x768xf32, #tpu.memory_space<vmem>>, vector<1x16xf32>,
      %get3A_699 = vector.shape_cast %get3A_698 : vector<1x16xf32> to vector<16xf32>
      %mul3A_700 = arith.mulf %get3A_699, %get3A_35 : vector<16xf32>
      %add3A_701 = arith.addf %mul3A_695, %mul3A_700 : vector<16xf32>
      %swap3A_702 = arith.index_cast %scan3A_27 : i32 to index
      %swap3A_703 = arith.constant 656 : index
      %swap3A_704 = tpu.vector_load %arg10[%swap3A_702, %swap3A_703] {strides = array<i32>} : memref<64x768xf32, #tpu.memory_space<vmem>>, vector<1x16xf32>,
      %swap3A_705 = vector.shape_cast %swap3A_704 : vector<1x16xf32> to vector<16xf32>
      %swap3A_706 = vector.shape_cast %add3A_701 : vector<16xf32> to vector<1x16xf32>
      tpu.vector_store %arg10[%swap3A_702, %swap3A_703], %swap3A_706 {strides = array<i32>} : memref<64x768xf32, #tpu.memory_space<vmem>>, vector<1x16xf32>,
      %get3A_707 = arith.index_cast %scan3A_27 : i32 to index
      %get3A_708 = arith.constant 672 : index
      %get3A_709 = tpu.vector_load %arg10[%get3A_707, %get3A_708] {strides = array<i32>} : memref<64x768xf32, #tpu.memory_space<vmem>>, vector<1x16xf32>,
      %get3A_710 = vector.shape_cast %get3A_709 : vector<1x16xf32> to vector<16xf32>
      %mul3A_711 = arith.mulf %get3A_710, %get3A_31 : vector<16xf32>
      %get3A_712 = arith.index_cast %scan3A_27 : i32 to index
      %get3A_713 = arith.constant 672 : index
      %get3A_714 = tpu.vector_load %arg11[%get3A_712, %get3A_713] {strides = array<i32>} : memref<64x768xf32, #tpu.memory_space<vmem>>, vector<1x16xf32>,
      %get3A_715 = vector.shape_cast %get3A_714 : vector<1x16xf32> to vector<16xf32>
      %mul3A_716 = arith.mulf %get3A_715, %get3A_35 : vector<16xf32>
      %add3A_717 = arith.addf %mul3A_711, %mul3A_716 : vector<16xf32>
      %swap3A_718 = arith.index_cast %scan3A_27 : i32 to index
      %swap3A_719 = arith.constant 672 : index
      %swap3A_720 = tpu.vector_load %arg10[%swap3A_718, %swap3A_719] {strides = array<i32>} : memref<64x768xf32, #tpu.memory_space<vmem>>, vector<1x16xf32>,
      %swap3A_721 = vector.shape_cast %swap3A_720 : vector<1x16xf32> to vector<16xf32>
      %swap3A_722 = vector.shape_cast %add3A_717 : vector<16xf32> to vector<1x16xf32>
      tpu.vector_store %arg10[%swap3A_718, %swap3A_719], %swap3A_722 {strides = array<i32>} : memref<64x768xf32, #tpu.memory_space<vmem>>, vector<1x16xf32>,
      %get3A_723 = arith.index_cast %scan3A_27 : i32 to index
      %get3A_724 = arith.constant 688 : index
      %get3A_725 = tpu.vector_load %arg10[%get3A_723, %get3A_724] {strides = array<i32>} : memref<64x768xf32, #tpu.memory_space<vmem>>, vector<1x16xf32>,
      %get3A_726 = vector.shape_cast %get3A_725 : vector<1x16xf32> to vector<16xf32>
      %mul3A_727 = arith.mulf %get3A_726, %get3A_31 : vector<16xf32>
      %get3A_728 = arith.index_cast %scan3A_27 : i32 to index
      %get3A_729 = arith.constant 688 : index
      %get3A_730 = tpu.vector_load %arg11[%get3A_728, %get3A_729] {strides = array<i32>} : memref<64x768xf32, #tpu.memory_space<vmem>>, vector<1x16xf32>,
      %get3A_731 = vector.shape_cast %get3A_730 : vector<1x16xf32> to vector<16xf32>
      %mul3A_732 = arith.mulf %get3A_731, %get3A_35 : vector<16xf32>
      %add3A_733 = arith.addf %mul3A_727, %mul3A_732 : vector<16xf32>
      %swap3A_734 = arith.index_cast %scan3A_27 : i32 to index
      %swap3A_735 = arith.constant 688 : index
      %swap3A_736 = tpu.vector_load %arg10[%swap3A_734, %swap3A_735] {strides = array<i32>} : memref<64x768xf32, #tpu.memory_space<vmem>>, vector<1x16xf32>,
      %swap3A_737 = vector.shape_cast %swap3A_736 : vector<1x16xf32> to vector<16xf32>
      %swap3A_738 = vector.shape_cast %add3A_733 : vector<16xf32> to vector<1x16xf32>
      tpu.vector_store %arg10[%swap3A_734, %swap3A_735], %swap3A_738 {strides = array<i32>} : memref<64x768xf32, #tpu.memory_space<vmem>>, vector<1x16xf32>,
      %get3A_739 = arith.index_cast %scan3A_27 : i32 to index
      %get3A_740 = arith.constant 704 : index
      %get3A_741 = tpu.vector_load %arg10[%get3A_739, %get3A_740] {strides = array<i32>} : memref<64x768xf32, #tpu.memory_space<vmem>>, vector<1x16xf32>,
      %get3A_742 = vector.shape_cast %get3A_741 : vector<1x16xf32> to vector<16xf32>
      %mul3A_743 = arith.mulf %get3A_742, %get3A_31 : vector<16xf32>
      %get3A_744 = arith.index_cast %scan3A_27 : i32 to index
      %get3A_745 = arith.constant 704 : index
      %get3A_746 = tpu.vector_load %arg11[%get3A_744, %get3A_745] {strides = array<i32>} : memref<64x768xf32, #tpu.memory_space<vmem>>, vector<1x16xf32>,
      %get3A_747 = vector.shape_cast %get3A_746 : vector<1x16xf32> to vector<16xf32>
      %mul3A_748 = arith.mulf %get3A_747, %get3A_35 : vector<16xf32>
      %add3A_749 = arith.addf %mul3A_743, %mul3A_748 : vector<16xf32>
      %swap3A_750 = arith.index_cast %scan3A_27 : i32 to index
      %swap3A_751 = arith.constant 704 : index
      %swap3A_752 = tpu.vector_load %arg10[%swap3A_750, %swap3A_751] {strides = array<i32>} : memref<64x768xf32, #tpu.memory_space<vmem>>, vector<1x16xf32>,
      %swap3A_753 = vector.shape_cast %swap3A_752 : vector<1x16xf32> to vector<16xf32>
      %swap3A_754 = vector.shape_cast %add3A_749 : vector<16xf32> to vector<1x16xf32>
      tpu.vector_store %arg10[%swap3A_750, %swap3A_751], %swap3A_754 {strides = array<i32>} : memref<64x768xf32, #tpu.memory_space<vmem>>, vector<1x16xf32>,
      %get3A_755 = arith.index_cast %scan3A_27 : i32 to index
      %get3A_756 = arith.constant 720 : index
      %get3A_757 = tpu.vector_load %arg10[%get3A_755, %get3A_756] {strides = array<i32>} : memref<64x768xf32, #tpu.memory_space<vmem>>, vector<1x16xf32>,
      %get3A_758 = vector.shape_cast %get3A_757 : vector<1x16xf32> to vector<16xf32>
      %mul3A_759 = arith.mulf %get3A_758, %get3A_31 : vector<16xf32>
      %get3A_760 = arith.index_cast %scan3A_27 : i32 to index
      %get3A_761 = arith.constant 720 : index
      %get3A_762 = tpu.vector_load %arg11[%get3A_760, %get3A_761] {strides = array<i32>} : memref<64x768xf32, #tpu.memory_space<vmem>>, vector<1x16xf32>,
      %get3A_763 = vector.shape_cast %get3A_762 : vector<1x16xf32> to vector<16xf32>
      %mul3A_764 = arith.mulf %get3A_763, %get3A_35 : vector<16xf32>
      %add3A_765 = arith.addf %mul3A_759, %mul3A_764 : vector<16xf32>
      %swap3A_766 = arith.index_cast %scan3A_27 : i32 to index
      %swap3A_767 = arith.constant 720 : index
      %swap3A_768 = tpu.vector_load %arg10[%swap3A_766, %swap3A_767] {strides = array<i32>} : memref<64x768xf32, #tpu.memory_space<vmem>>, vector<1x16xf32>,
      %swap3A_769 = vector.shape_cast %swap3A_768 : vector<1x16xf32> to vector<16xf32>
      %swap3A_770 = vector.shape_cast %add3A_765 : vector<16xf32> to vector<1x16xf32>
      tpu.vector_store %arg10[%swap3A_766, %swap3A_767], %swap3A_770 {strides = array<i32>} : memref<64x768xf32, #tpu.memory_space<vmem>>, vector<1x16xf32>,
      %get3A_771 = arith.index_cast %scan3A_27 : i32 to index
      %get3A_772 = arith.constant 736 : index
      %get3A_773 = tpu.vector_load %arg10[%get3A_771, %get3A_772] {strides = array<i32>} : memref<64x768xf32, #tpu.memory_space<vmem>>, vector<1x16xf32>,
      %get3A_774 = vector.shape_cast %get3A_773 : vector<1x16xf32> to vector<16xf32>
      %mul3A_775 = arith.mulf %get3A_774, %get3A_31 : vector<16xf32>
      %get3A_776 = arith.index_cast %scan3A_27 : i32 to index
      %get3A_777 = arith.constant 736 : index
      %get3A_778 = tpu.vector_load %arg11[%get3A_776, %get3A_777] {strides = array<i32>} : memref<64x768xf32, #tpu.memory_space<vmem>>, vector<1x16xf32>,
      %get3A_779 = vector.shape_cast %get3A_778 : vector<1x16xf32> to vector<16xf32>
      %mul3A_780 = arith.mulf %get3A_779, %get3A_35 : vector<16xf32>
      %add3A_781 = arith.addf %mul3A_775, %mul3A_780 : vector<16xf32>
      %swap3A_782 = arith.index_cast %scan3A_27 : i32 to index
      %swap3A_783 = arith.constant 736 : index
      %swap3A_784 = tpu.vector_load %arg10[%swap3A_782, %swap3A_783] {strides = array<i32>} : memref<64x768xf32, #tpu.memory_space<vmem>>, vector<1x16xf32>,
      %swap3A_785 = vector.shape_cast %swap3A_784 : vector<1x16xf32> to vector<16xf32>
      %swap3A_786 = vector.shape_cast %add3A_781 : vector<16xf32> to vector<1x16xf32>
      tpu.vector_store %arg10[%swap3A_782, %swap3A_783], %swap3A_786 {strides = array<i32>} : memref<64x768xf32, #tpu.memory_space<vmem>>, vector<1x16xf32>,
      %get3A_787 = arith.index_cast %scan3A_27 : i32 to index
      %get3A_788 = arith.constant 752 : index
      %get3A_789 = tpu.vector_load %arg10[%get3A_787, %get3A_788] {strides = array<i32>} : memref<64x768xf32, #tpu.memory_space<vmem>>, vector<1x16xf32>,
      %get3A_790 = vector.shape_cast %get3A_789 : vector<1x16xf32> to vector<16xf32>
      %mul3A_791 = arith.mulf %get3A_790, %get3A_31 : vector<16xf32>
      %get3A_792 = arith.index_cast %scan3A_27 : i32 to index
      %get3A_793 = arith.constant 752 : index
      %get3A_794 = tpu.vector_load %arg11[%get3A_792, %get3A_793] {strides = array<i32>} : memref<64x768xf32, #tpu.memory_space<vmem>>, vector<1x16xf32>,
      %get3A_795 = vector.shape_cast %get3A_794 : vector<1x16xf32> to vector<16xf32>
      %mul3A_796 = arith.mulf %get3A_795, %get3A_35 : vector<16xf32>
      %add3A_797 = arith.addf %mul3A_791, %mul3A_796 : vector<16xf32>
      %swap3A_798 = arith.index_cast %scan3A_27 : i32 to index
      %swap3A_799 = arith.constant 752 : index
      %swap3A_800 = tpu.vector_load %arg10[%swap3A_798, %swap3A_799] {strides = array<i32>} : memref<64x768xf32, #tpu.memory_space<vmem>>, vector<1x16xf32>,
      %swap3A_801 = vector.shape_cast %swap3A_800 : vector<1x16xf32> to vector<16xf32>
      %swap3A_802 = vector.shape_cast %add3A_797 : vector<16xf32> to vector<1x16xf32>
      tpu.vector_store %arg10[%swap3A_798, %swap3A_799], %swap3A_802 {strides = array<i32>} : memref<64x768xf32, #tpu.memory_space<vmem>>, vector<1x16xf32>,
      %scan3A_803 = arith.constant 0 : i32
      scf.yield %scan3A_803 : i32
    }
    %scan3A_26 = arith.constant 64 : i32
    "tpu.region"() ({
      %run_scoped3A = tpu.sem_alloc : memref<!tpu.dma_semaphore, #tpu.memory_space<semaphore_mem>>
      %dma_start3A_27 = arith.constant 0 : i32
      %dma_start3A_28 = tpu.memref_slice %arg7[%mul3A_2, %dma_start3A_27] : memref<2048x768xf32, #tpu.memory_space<hbm>> -> memref<64x768xf32, #tpu.memory_space<hbm>>
      %dma_start3A_29 = arith.constant 0 : i32
      %dma_start3A_30 = tpu.memref_slice %arg7[%mul3A_2, %dma_start3A_29] : memref<2048x768xf32, #tpu.memory_space<hbm>> -> memref<64x768xf32, #tpu.memory_space<hbm>>
      tpu.enqueue_dma source(%arg10 : memref<64x768xf32, #tpu.memory_space<vmem>>) target(%dma_start3A_30 : memref<64x768xf32, #tpu.memory_space<hbm>>) target_semaphore(%run_scoped3A : memref<!tpu.dma_semaphore, #tpu.memory_space<semaphore_mem>>)
      %dma_wait3A_31 = arith.constant 0 : i32
      %dma_wait3A_32 = tpu.memref_slice %arg7[%mul3A_2, %dma_wait3A_31] : memref<2048x768xf32, #tpu.memory_space<hbm>> -> memref<64x768xf32, #tpu.memory_space<hbm>>
      %dma_wait3A_33 = arith.constant 0 : i32
      %dma_wait3A_34 = tpu.memref_slice %arg7[%mul3A_2, %dma_wait3A_33] : memref<2048x768xf32, #tpu.memory_space<hbm>> -> memref<64x768xf32, #tpu.memory_space<hbm>>
      tpu.wait_dma2 semaphore(%run_scoped3A : memref<!tpu.dma_semaphore, #tpu.memory_space<semaphore_mem>>) src(%arg10 : memref<64x768xf32, #tpu.memory_space<vmem>>) dst(%dma_wait3A_34 : memref<64x768xf32, #tpu.memory_space<hbm>>)
      tpu.yield
    }) : () -> ()
    return
  }
}

module attributes {stable_mosaic.version = 14 : i64} {
  func.func @_route_body(%arg0: memref<2048x768xf32, #tpu.memory_space<vmem>>, %arg1: memref<8x768xf32, #tpu.memory_space<vmem>>, %arg2: memref<1x8xf32, #tpu.memory_space<vmem>>, %arg3: memref<2048x8xf32, #tpu.memory_space<vmem>>, %arg4: memref<2048x1xi32, #tpu.memory_space<vmem>>, %arg5: memref<2048x1xi32, #tpu.memory_space<vmem>>, %arg6: memref<2048x16xf32, #tpu.memory_space<vmem>>, %arg7: memref<2048x16xf32, #tpu.memory_space<vmem>>, %arg8: memref<1x128xi32, #tpu.memory_space<vmem>>) attributes {dimension_semantics = [], scalar_prefetch = 0 : i64, scratch_operands = 0 : i64, tpu.core_type = #tpu.core_type<tc>} {
    %get3A = arith.constant 0 : index
    %get3A_0 = arith.constant 0 : index
    %get3A_1 = vector.load %arg0[%get3A, %get3A_0] : memref<2048x768xf32, #tpu.memory_space<vmem>>, vector<2048x768xf32>
    %get3A_2 = arith.constant 0 : index
    %get3A_3 = arith.constant 0 : index
    %get3A_4 = vector.load %arg1[%get3A_2, %get3A_3] : memref<8x768xf32, #tpu.memory_space<vmem>>, vector<8x768xf32>
    %dot_general3A = arith.constant dense<0.000000e+00> : vector<2048x8xf32>
    %dot_general3A_5 = tpu.matmul %get3A_1, %get3A_4, %dot_general3A {dimension_numbers = #tpu.dot_dimension_numbers<[1], [1], [0], [0], [0, 0, 1, 0], [], []>, transpose_lhs_hint = false} : vector<2048x768xf32>, vector<8x768xf32>, vector<2048x8xf32> -> vector<2048x8xf32>
    %get3A_6 = arith.constant 0 : index
    %get3A_7 = arith.constant 0 : index
    %get3A_8 = vector.load %arg2[%get3A_6, %get3A_7] : memref<1x8xf32, #tpu.memory_space<vmem>>, vector<1x8xf32>
    %add3A = vector.broadcast %get3A_8 : vector<1x8xf32> to vector<2048x8xf32>
    %add3A_9 = arith.addf %dot_general3A_5, %add3A : vector<2048x8xf32>
    %swap3A = arith.constant 0 : index
    %swap3A_10 = arith.constant 0 : index
    %swap3A_11 = vector.load %arg3[%swap3A, %swap3A_10] : memref<2048x8xf32, #tpu.memory_space<vmem>>, vector<2048x8xf32>
    tpu.vector_store %arg3[%swap3A, %swap3A_10], %add3A_9 {strides = array<i32>} : memref<2048x8xf32, #tpu.memory_space<vmem>>, vector<2048x8xf32>,
    %iota3A = tpu.iota {dimensions = array<i32: 1>} : vector<2048x8xi32>
    %reduce_max3A = arith.constant dense<0xFF800000> : vector<2048xf32>
    %reduce_max3A_12 = vector.multi_reduction <maximumf>, %add3A_9, %reduce_max3A [1] : vector<2048x8xf32> to vector<2048xf32>
    %broadcast_in_dim3A = vector.shape_cast %reduce_max3A_12 : vector<2048xf32> to vector<2048x1xf32>
    %eq3A = vector.broadcast %broadcast_in_dim3A : vector<2048x1xf32> to vector<2048x8xf32>
    %eq3A_13 = arith.cmpf oeq, %add3A_9, %eq3A : vector<2048x8xf32>
    %jit3A = arith.constant 8 : i32
    %broadcast_in_dim3A_14 = vector.broadcast %jit3A : i32 to vector<2048x8xi32>
    %select_n3A = arith.select %eq3A_13, %iota3A, %broadcast_in_dim3A_14 : vector<2048x8xi1>, vector<2048x8xi32>
    %reduce_min3A = arith.constant dense<2147483647> : vector<2048xi32>
    %reduce_min3A_15 = vector.multi_reduction <minsi>, %select_n3A, %reduce_min3A [1] : vector<2048x8xi32> to vector<2048xi32>
    %broadcast_in_dim3A_16 = vector.shape_cast %reduce_min3A_15 : vector<2048xi32> to vector<2048x1xi32>
    %eq3A_17 = vector.broadcast %broadcast_in_dim3A_16 : vector<2048x1xi32> to vector<2048x8xi32>
    %eq3A_18 = arith.cmpi eq, %iota3A, %eq3A_17 : vector<2048x8xi32>
    %jit3A_19 = arith.constant 0xFF800000 : f32
    %broadcast_in_dim3A_20 = vector.broadcast %jit3A_19 : f32 to vector<2048x8xf32>
    %select_n3A_21 = arith.select %eq3A_18, %broadcast_in_dim3A_20, %add3A_9 : vector<2048x8xi1>, vector<2048x8xf32>
    %reduce_max3A_22 = arith.constant dense<0xFF800000> : vector<2048xf32>
    %reduce_max3A_23 = vector.multi_reduction <maximumf>, %select_n3A_21, %reduce_max3A_22 [1] : vector<2048x8xf32> to vector<2048xf32>
    %broadcast_in_dim3A_24 = vector.shape_cast %reduce_max3A_23 : vector<2048xf32> to vector<2048x1xf32>
    %eq3A_25 = vector.broadcast %broadcast_in_dim3A_24 : vector<2048x1xf32> to vector<2048x8xf32>
    %eq3A_26 = arith.cmpf oeq, %select_n3A_21, %eq3A_25 : vector<2048x8xf32>
    %jit3A_27 = arith.constant 8 : i32
    %broadcast_in_dim3A_28 = vector.broadcast %jit3A_27 : i32 to vector<2048x8xi32>
    %select_n3A_29 = arith.select %eq3A_26, %iota3A, %broadcast_in_dim3A_28 : vector<2048x8xi1>, vector<2048x8xi32>
    %reduce_min3A_30 = arith.constant dense<2147483647> : vector<2048xi32>
    %reduce_min3A_31 = vector.multi_reduction <minsi>, %select_n3A_29, %reduce_min3A_30 [1] : vector<2048x8xi32> to vector<2048xi32>
    %broadcast_in_dim3A_32 = vector.shape_cast %reduce_min3A_31 : vector<2048xi32> to vector<2048x1xi32>
    %sub3A = arith.subf %broadcast_in_dim3A_24, %broadcast_in_dim3A : vector<2048x1xf32>
    %exp3A = math.exp %sub3A : vector<2048x1xf32>
    %add3A_33 = arith.constant 1.000000e+00 : f32
    %add3A_34 = vector.broadcast %add3A_33 : f32 to vector<2048x1xf32>
    %add3A_35 = arith.addf %add3A_34, %exp3A : vector<2048x1xf32>
    %div3A = arith.constant 1.000000e+00 : f32
    %div3A_36 = vector.broadcast %div3A : f32 to vector<2048x1xf32>
    %div3A_37 = arith.divf %div3A_36, %add3A_35 : vector<2048x1xf32>
    %sub3A_38 = arith.constant 1.000000e+00 : f32
    %sub3A_39 = vector.broadcast %sub3A_38 : f32 to vector<2048x1xf32>
    %sub3A_40 = arith.subf %sub3A_39, %div3A_37 : vector<2048x1xf32>
    %broadcast_in_dim3A_41 = vector.shape_cast %div3A_37 : vector<2048x1xf32> to vector<2048x1xf32>
    %broadcast_in_dim3A_42 = vector.broadcast %broadcast_in_dim3A_41 : vector<2048x1xf32> to vector<2048x16xf32>
    %swap3A_43 = arith.constant 0 : index
    %swap3A_44 = arith.constant 0 : index
    %swap3A_45 = vector.load %arg6[%swap3A_43, %swap3A_44] : memref<2048x16xf32, #tpu.memory_space<vmem>>, vector<2048x16xf32>
    tpu.vector_store %arg6[%swap3A_43, %swap3A_44], %broadcast_in_dim3A_42 {strides = array<i32>} : memref<2048x16xf32, #tpu.memory_space<vmem>>, vector<2048x16xf32>,
    %broadcast_in_dim3A_46 = vector.shape_cast %sub3A_40 : vector<2048x1xf32> to vector<2048x1xf32>
    %broadcast_in_dim3A_47 = vector.broadcast %broadcast_in_dim3A_46 : vector<2048x1xf32> to vector<2048x16xf32>
    %swap3A_48 = arith.constant 0 : index
    %swap3A_49 = arith.constant 0 : index
    %swap3A_50 = vector.load %arg7[%swap3A_48, %swap3A_49] : memref<2048x16xf32, #tpu.memory_space<vmem>>, vector<2048x16xf32>
    tpu.vector_store %arg7[%swap3A_48, %swap3A_49], %broadcast_in_dim3A_47 {strides = array<i32>} : memref<2048x16xf32, #tpu.memory_space<vmem>>, vector<2048x16xf32>,
    %eq3A_51 = vector.broadcast %broadcast_in_dim3A_16 : vector<2048x1xi32> to vector<2048x8xi32>
    %eq3A_52 = arith.cmpi eq, %iota3A, %eq3A_51 : vector<2048x8xi32>
    %jit3A_53 = arith.constant 1.000000e+00 : f32
    %jit3A_54 = arith.constant 0.000000e+00 : f32
    %broadcast_in_dim3A_55 = vector.broadcast %jit3A_53 : f32 to vector<2048x8xf32>
    %broadcast_in_dim3A_56 = vector.broadcast %jit3A_54 : f32 to vector<2048x8xf32>
    %select_n3A_57 = arith.select %eq3A_52, %broadcast_in_dim3A_55, %broadcast_in_dim3A_56 : vector<2048x8xi1>, vector<2048x8xf32>
    %eq3A_58 = vector.broadcast %broadcast_in_dim3A_32 : vector<2048x1xi32> to vector<2048x8xi32>
    %eq3A_59 = arith.cmpi eq, %iota3A, %eq3A_58 : vector<2048x8xi32>
    %jit3A_60 = arith.constant 1.000000e+00 : f32
    %jit3A_61 = arith.constant 0.000000e+00 : f32
    %broadcast_in_dim3A_62 = vector.broadcast %jit3A_60 : f32 to vector<2048x8xf32>
    %broadcast_in_dim3A_63 = vector.broadcast %jit3A_61 : f32 to vector<2048x8xf32>
    %select_n3A_64 = arith.select %eq3A_59, %broadcast_in_dim3A_62, %broadcast_in_dim3A_63 : vector<2048x8xi1>, vector<2048x8xf32>
    %reduce_sum3A = arith.constant dense<0.000000e+00> : vector<8xf32>
    %reduce_sum3A_65 = vector.multi_reduction <add>, %select_n3A_57, %reduce_sum3A [0] : vector<2048x8xf32> to vector<8xf32>
    %broadcast_in_dim3A_66 = vector.shape_cast %reduce_sum3A_65 : vector<8xf32> to vector<1x8xf32>
    %reduce_sum3A_67 = arith.constant dense<0.000000e+00> : vector<8xf32>
    %reduce_sum3A_68 = vector.multi_reduction <add>, %select_n3A_64, %reduce_sum3A_67 [0] : vector<2048x8xf32> to vector<8xf32>
    %broadcast_in_dim3A_69 = vector.shape_cast %reduce_sum3A_68 : vector<8xf32> to vector<1x8xf32>
    %add3A_70 = arith.addf %broadcast_in_dim3A_66, %broadcast_in_dim3A_69 : vector<1x8xf32>
    %add3A_71 = arith.constant 2.550000e+02 : f32
    %add3A_72 = vector.broadcast %add3A_71 : f32 to vector<1x8xf32>
    %add3A_73 = arith.addf %add3A_70, %add3A_72 : vector<1x8xf32>
    %div3A_74 = arith.constant 2.560000e+02 : f32
    %div3A_75 = vector.broadcast %div3A_74 : f32 to vector<1x8xf32>
    %div3A_76 = arith.divf %add3A_73, %div3A_75 : vector<1x8xf32>
    %floor3A = math.floor %div3A_76 : vector<1x8xf32>
    %mul3A = arith.constant 2.560000e+02 : f32
    %mul3A_77 = vector.broadcast %mul3A : f32 to vector<1x8xf32>
    %mul3A_78 = arith.mulf %floor3A, %mul3A_77 : vector<1x8xf32>
    %iota3A_79 = tpu.iota {dimensions = array<i32: 0>} : vector<8x8xi32>
    %iota3A_80 = tpu.iota {dimensions = array<i32: 1>} : vector<8x8xi32>
    %lt3A = arith.cmpi slt, %iota3A_79, %iota3A_80 : vector<8x8xi32>
    %jit3A_81 = arith.constant 1.000000e+00 : f32
    %jit3A_82 = arith.constant 0.000000e+00 : f32
    %broadcast_in_dim3A_83 = vector.broadcast %jit3A_81 : f32 to vector<8x8xf32>
    %broadcast_in_dim3A_84 = vector.broadcast %jit3A_82 : f32 to vector<8x8xf32>
    %select_n3A_85 = arith.select %lt3A, %broadcast_in_dim3A_83, %broadcast_in_dim3A_84 : vector<8x8xi1>, vector<8x8xf32>
    %dot_general3A_86 = arith.constant dense<0.000000e+00> : vector<1x8xf32>
    %dot_general3A_87 = tpu.matmul %mul3A_78, %select_n3A_85, %dot_general3A_86 {dimension_numbers = #tpu.dot_dimension_numbers<[1], [0], [0], [1], [0, 0, 1, 1], [], []>, transpose_lhs_hint = false} : vector<1x8xf32>, vector<8x8xf32>, vector<1x8xf32> -> vector<1x8xf32>
    %iota3A_88 = tpu.iota {dimensions = array<i32: 1>} : vector<1x32xi32>
    %convert_element_type3A = arith.sitofp %iota3A_88 : vector<1x32xi32> to vector<1x32xf32>
    %broadcast_in_dim3A_89 = arith.constant 0.000000e+00 : f32
    %broadcast_in_dim3A_90 = vector.broadcast %broadcast_in_dim3A_89 : f32 to vector<1x32xf32>
    %slice3A = vector.extract_strided_slice %dot_general3A_87 {offsets = [0, 0], sizes = [1, 1], strides = [1, 1]} : vector<1x8xf32> to vector<1x1xf32>
    %squeeze3A = vector.extract %slice3A[0, 0] : f32 from vector<1x1xf32>
    %div3A_91 = arith.constant 2.560000e+02 : f32
    %div3A_92 = arith.divf %squeeze3A, %div3A_91 : f32
    %slice3A_93 = vector.extract_strided_slice %add3A_70 {offsets = [0, 0], sizes = [1, 1], strides = [1, 1]} : vector<1x8xf32> to vector<1x1xf32>
    %squeeze3A_94 = vector.extract %slice3A_93[0, 0] : f32 from vector<1x1xf32>
    %gt3A = arith.constant 0.000000e+00 : f32
    %gt3A_95 = arith.cmpf ogt, %squeeze3A_94, %gt3A : f32
    %broadcast_in_dim3A_96 = vector.broadcast %gt3A_95 : i1 to vector<1x32xi1>
    %ge3A = vector.broadcast %div3A_92 : f32 to vector<1x32xf32>
    %ge3A_97 = arith.cmpf oge, %convert_element_type3A, %ge3A : vector<1x32xf32>
    %and3A = arith.andi %broadcast_in_dim3A_96, %ge3A_97 : vector<1x32xi1>
    %jit3A_98 = arith.constant 0.000000e+00 : f32
    %broadcast_in_dim3A_99 = vector.broadcast %jit3A_98 : f32 to vector<1x32xf32>
    %select_n3A_100 = arith.select %and3A, %broadcast_in_dim3A_99, %broadcast_in_dim3A_90 : vector<1x32xi1>, vector<1x32xf32>
    %slice3A_101 = vector.extract_strided_slice %dot_general3A_87 {offsets = [0, 1], sizes = [1, 1], strides = [1, 1]} : vector<1x8xf32> to vector<1x1xf32>
    %squeeze3A_102 = vector.extract %slice3A_101[0, 0] : f32 from vector<1x1xf32>
    %div3A_103 = arith.constant 2.560000e+02 : f32
    %div3A_104 = arith.divf %squeeze3A_102, %div3A_103 : f32
    %slice3A_105 = vector.extract_strided_slice %add3A_70 {offsets = [0, 1], sizes = [1, 1], strides = [1, 1]} : vector<1x8xf32> to vector<1x1xf32>
    %squeeze3A_106 = vector.extract %slice3A_105[0, 0] : f32 from vector<1x1xf32>
    %gt3A_107 = arith.constant 0.000000e+00 : f32
    %gt3A_108 = arith.cmpf ogt, %squeeze3A_106, %gt3A_107 : f32
    %broadcast_in_dim3A_109 = vector.broadcast %gt3A_108 : i1 to vector<1x32xi1>
    %ge3A_110 = vector.broadcast %div3A_104 : f32 to vector<1x32xf32>
    %ge3A_111 = arith.cmpf oge, %convert_element_type3A, %ge3A_110 : vector<1x32xf32>
    %and3A_112 = arith.andi %broadcast_in_dim3A_109, %ge3A_111 : vector<1x32xi1>
    %jit3A_113 = arith.constant 1.000000e+00 : f32
    %broadcast_in_dim3A_114 = vector.broadcast %jit3A_113 : f32 to vector<1x32xf32>
    %select_n3A_115 = arith.select %and3A_112, %broadcast_in_dim3A_114, %select_n3A_100 : vector<1x32xi1>, vector<1x32xf32>
    %slice3A_116 = vector.extract_strided_slice %dot_general3A_87 {offsets = [0, 2], sizes = [1, 1], strides = [1, 1]} : vector<1x8xf32> to vector<1x1xf32>
    %squeeze3A_117 = vector.extract %slice3A_116[0, 0] : f32 from vector<1x1xf32>
    %div3A_118 = arith.constant 2.560000e+02 : f32
    %div3A_119 = arith.divf %squeeze3A_117, %div3A_118 : f32
    %slice3A_120 = vector.extract_strided_slice %add3A_70 {offsets = [0, 2], sizes = [1, 1], strides = [1, 1]} : vector<1x8xf32> to vector<1x1xf32>
    %squeeze3A_121 = vector.extract %slice3A_120[0, 0] : f32 from vector<1x1xf32>
    %gt3A_122 = arith.constant 0.000000e+00 : f32
    %gt3A_123 = arith.cmpf ogt, %squeeze3A_121, %gt3A_122 : f32
    %broadcast_in_dim3A_124 = vector.broadcast %gt3A_123 : i1 to vector<1x32xi1>
    %ge3A_125 = vector.broadcast %div3A_119 : f32 to vector<1x32xf32>
    %ge3A_126 = arith.cmpf oge, %convert_element_type3A, %ge3A_125 : vector<1x32xf32>
    %and3A_127 = arith.andi %broadcast_in_dim3A_124, %ge3A_126 : vector<1x32xi1>
    %jit3A_128 = arith.constant 2.000000e+00 : f32
    %broadcast_in_dim3A_129 = vector.broadcast %jit3A_128 : f32 to vector<1x32xf32>
    %select_n3A_130 = arith.select %and3A_127, %broadcast_in_dim3A_129, %select_n3A_115 : vector<1x32xi1>, vector<1x32xf32>
    %slice3A_131 = vector.extract_strided_slice %dot_general3A_87 {offsets = [0, 3], sizes = [1, 1], strides = [1, 1]} : vector<1x8xf32> to vector<1x1xf32>
    %squeeze3A_132 = vector.extract %slice3A_131[0, 0] : f32 from vector<1x1xf32>
    %div3A_133 = arith.constant 2.560000e+02 : f32
    %div3A_134 = arith.divf %squeeze3A_132, %div3A_133 : f32
    %slice3A_135 = vector.extract_strided_slice %add3A_70 {offsets = [0, 3], sizes = [1, 1], strides = [1, 1]} : vector<1x8xf32> to vector<1x1xf32>
    %squeeze3A_136 = vector.extract %slice3A_135[0, 0] : f32 from vector<1x1xf32>
    %gt3A_137 = arith.constant 0.000000e+00 : f32
    %gt3A_138 = arith.cmpf ogt, %squeeze3A_136, %gt3A_137 : f32
    %broadcast_in_dim3A_139 = vector.broadcast %gt3A_138 : i1 to vector<1x32xi1>
    %ge3A_140 = vector.broadcast %div3A_134 : f32 to vector<1x32xf32>
    %ge3A_141 = arith.cmpf oge, %convert_element_type3A, %ge3A_140 : vector<1x32xf32>
    %and3A_142 = arith.andi %broadcast_in_dim3A_139, %ge3A_141 : vector<1x32xi1>
    %jit3A_143 = arith.constant 3.000000e+00 : f32
    %broadcast_in_dim3A_144 = vector.broadcast %jit3A_143 : f32 to vector<1x32xf32>
    %select_n3A_145 = arith.select %and3A_142, %broadcast_in_dim3A_144, %select_n3A_130 : vector<1x32xi1>, vector<1x32xf32>
    %slice3A_146 = vector.extract_strided_slice %dot_general3A_87 {offsets = [0, 4], sizes = [1, 1], strides = [1, 1]} : vector<1x8xf32> to vector<1x1xf32>
    %squeeze3A_147 = vector.extract %slice3A_146[0, 0] : f32 from vector<1x1xf32>
    %div3A_148 = arith.constant 2.560000e+02 : f32
    %div3A_149 = arith.divf %squeeze3A_147, %div3A_148 : f32
    %slice3A_150 = vector.extract_strided_slice %add3A_70 {offsets = [0, 4], sizes = [1, 1], strides = [1, 1]} : vector<1x8xf32> to vector<1x1xf32>
    %squeeze3A_151 = vector.extract %slice3A_150[0, 0] : f32 from vector<1x1xf32>
    %gt3A_152 = arith.constant 0.000000e+00 : f32
    %gt3A_153 = arith.cmpf ogt, %squeeze3A_151, %gt3A_152 : f32
    %broadcast_in_dim3A_154 = vector.broadcast %gt3A_153 : i1 to vector<1x32xi1>
    %ge3A_155 = vector.broadcast %div3A_149 : f32 to vector<1x32xf32>
    %ge3A_156 = arith.cmpf oge, %convert_element_type3A, %ge3A_155 : vector<1x32xf32>
    %and3A_157 = arith.andi %broadcast_in_dim3A_154, %ge3A_156 : vector<1x32xi1>
    %jit3A_158 = arith.constant 4.000000e+00 : f32
    %broadcast_in_dim3A_159 = vector.broadcast %jit3A_158 : f32 to vector<1x32xf32>
    %select_n3A_160 = arith.select %and3A_157, %broadcast_in_dim3A_159, %select_n3A_145 : vector<1x32xi1>, vector<1x32xf32>
    %slice3A_161 = vector.extract_strided_slice %dot_general3A_87 {offsets = [0, 5], sizes = [1, 1], strides = [1, 1]} : vector<1x8xf32> to vector<1x1xf32>
    %squeeze3A_162 = vector.extract %slice3A_161[0, 0] : f32 from vector<1x1xf32>
    %div3A_163 = arith.constant 2.560000e+02 : f32
    %div3A_164 = arith.divf %squeeze3A_162, %div3A_163 : f32
    %slice3A_165 = vector.extract_strided_slice %add3A_70 {offsets = [0, 5], sizes = [1, 1], strides = [1, 1]} : vector<1x8xf32> to vector<1x1xf32>
    %squeeze3A_166 = vector.extract %slice3A_165[0, 0] : f32 from vector<1x1xf32>
    %gt3A_167 = arith.constant 0.000000e+00 : f32
    %gt3A_168 = arith.cmpf ogt, %squeeze3A_166, %gt3A_167 : f32
    %broadcast_in_dim3A_169 = vector.broadcast %gt3A_168 : i1 to vector<1x32xi1>
    %ge3A_170 = vector.broadcast %div3A_164 : f32 to vector<1x32xf32>
    %ge3A_171 = arith.cmpf oge, %convert_element_type3A, %ge3A_170 : vector<1x32xf32>
    %and3A_172 = arith.andi %broadcast_in_dim3A_169, %ge3A_171 : vector<1x32xi1>
    %jit3A_173 = arith.constant 5.000000e+00 : f32
    %broadcast_in_dim3A_174 = vector.broadcast %jit3A_173 : f32 to vector<1x32xf32>
    %select_n3A_175 = arith.select %and3A_172, %broadcast_in_dim3A_174, %select_n3A_160 : vector<1x32xi1>, vector<1x32xf32>
    %slice3A_176 = vector.extract_strided_slice %dot_general3A_87 {offsets = [0, 6], sizes = [1, 1], strides = [1, 1]} : vector<1x8xf32> to vector<1x1xf32>
    %squeeze3A_177 = vector.extract %slice3A_176[0, 0] : f32 from vector<1x1xf32>
    %div3A_178 = arith.constant 2.560000e+02 : f32
    %div3A_179 = arith.divf %squeeze3A_177, %div3A_178 : f32
    %slice3A_180 = vector.extract_strided_slice %add3A_70 {offsets = [0, 6], sizes = [1, 1], strides = [1, 1]} : vector<1x8xf32> to vector<1x1xf32>
    %squeeze3A_181 = vector.extract %slice3A_180[0, 0] : f32 from vector<1x1xf32>
    %gt3A_182 = arith.constant 0.000000e+00 : f32
    %gt3A_183 = arith.cmpf ogt, %squeeze3A_181, %gt3A_182 : f32
    %broadcast_in_dim3A_184 = vector.broadcast %gt3A_183 : i1 to vector<1x32xi1>
    %ge3A_185 = vector.broadcast %div3A_179 : f32 to vector<1x32xf32>
    %ge3A_186 = arith.cmpf oge, %convert_element_type3A, %ge3A_185 : vector<1x32xf32>
    %and3A_187 = arith.andi %broadcast_in_dim3A_184, %ge3A_186 : vector<1x32xi1>
    %jit3A_188 = arith.constant 6.000000e+00 : f32
    %broadcast_in_dim3A_189 = vector.broadcast %jit3A_188 : f32 to vector<1x32xf32>
    %select_n3A_190 = arith.select %and3A_187, %broadcast_in_dim3A_189, %select_n3A_175 : vector<1x32xi1>, vector<1x32xf32>
    %slice3A_191 = vector.extract_strided_slice %dot_general3A_87 {offsets = [0, 7], sizes = [1, 1], strides = [1, 1]} : vector<1x8xf32> to vector<1x1xf32>
    %squeeze3A_192 = vector.extract %slice3A_191[0, 0] : f32 from vector<1x1xf32>
    %div3A_193 = arith.constant 2.560000e+02 : f32
    %div3A_194 = arith.divf %squeeze3A_192, %div3A_193 : f32
    %slice3A_195 = vector.extract_strided_slice %add3A_70 {offsets = [0, 7], sizes = [1, 1], strides = [1, 1]} : vector<1x8xf32> to vector<1x1xf32>
    %squeeze3A_196 = vector.extract %slice3A_195[0, 0] : f32 from vector<1x1xf32>
    %gt3A_197 = arith.constant 0.000000e+00 : f32
    %gt3A_198 = arith.cmpf ogt, %squeeze3A_196, %gt3A_197 : f32
    %broadcast_in_dim3A_199 = vector.broadcast %gt3A_198 : i1 to vector<1x32xi1>
    %ge3A_200 = vector.broadcast %div3A_194 : f32 to vector<1x32xf32>
    %ge3A_201 = arith.cmpf oge, %convert_element_type3A, %ge3A_200 : vector<1x32xf32>
    %and3A_202 = arith.andi %broadcast_in_dim3A_199, %ge3A_201 : vector<1x32xi1>
    %jit3A_203 = arith.constant 7.000000e+00 : f32
    %broadcast_in_dim3A_204 = vector.broadcast %jit3A_203 : f32 to vector<1x32xf32>
    %select_n3A_205 = arith.select %and3A_202, %broadcast_in_dim3A_204, %select_n3A_190 : vector<1x32xi1>, vector<1x32xf32>
    %reduce_sum3A_206 = vector.shape_cast %mul3A_78 : vector<1x8xf32> to vector<1x1x8xf32>
    %reduce_sum3A_207 = arith.constant dense<0.000000e+00> : vector<1xf32>
    %reduce_sum3A_208 = vector.multi_reduction <add>, %reduce_sum3A_206, %reduce_sum3A_207 [1, 2] : vector<1x1x8xf32> to vector<1xf32>
    %reduce_sum3A_209 = vector.shape_cast %reduce_sum3A_208 : vector<1xf32> to vector<1x1x1xf32>
    %reduce_sum3A_210 = vector.extract %reduce_sum3A_209[0, 0, 0] : f32 from vector<1x1x1xf32>
    %div3A_211 = arith.constant 2.560000e+02 : f32
    %div3A_212 = arith.divf %reduce_sum3A_210, %div3A_211 : f32
    %eq3A_213 = arith.constant 24 : i32
    %eq3A_214 = vector.broadcast %eq3A_213 : i32 to vector<1x32xi32>
    %eq3A_215 = arith.cmpi eq, %iota3A_88, %eq3A_214 : vector<1x32xi32>
    %broadcast_in_dim3A_216 = vector.broadcast %div3A_212 : f32 to vector<1x32xf32>
    %select_n3A_217 = arith.select %eq3A_215, %broadcast_in_dim3A_216, %select_n3A_205 : vector<1x32xi1>, vector<1x32xf32>
    %slice3A_218 = vector.extract_strided_slice %select_n3A_205 {offsets = [0, 0], sizes = [1, 1], strides = [1, 1]} : vector<1x32xf32> to vector<1x1xf32>
    %slice3A_219 = vector.extract_strided_slice %select_n3A_205 {offsets = [0, 0], sizes = [1, 31], strides = [1, 1]} : vector<1x32xf32> to vector<1x31xf32>
    %concatenate3A = tpu.concatenate %slice3A_218, %slice3A_219 in 1 : vector<1x1xf32>, vector<1x31xf32> -> vector<1x32xf32>
    %ne3A = arith.cmpf one, %select_n3A_205, %concatenate3A : vector<1x32xf32>
    %jit3A_220 = arith.constant 1.000000e+00 : f32
    %jit3A_221 = arith.constant 0.000000e+00 : f32
    %broadcast_in_dim3A_222 = vector.broadcast %jit3A_220 : f32 to vector<1x32xf32>
    %broadcast_in_dim3A_223 = vector.broadcast %jit3A_221 : f32 to vector<1x32xf32>
    %select_n3A_224 = arith.select %ne3A, %broadcast_in_dim3A_222, %broadcast_in_dim3A_223 : vector<1x32xi1>, vector<1x32xf32>
    %eq3A_225 = arith.constant 0 : i32
    %eq3A_226 = vector.broadcast %eq3A_225 : i32 to vector<1x32xi32>
    %eq3A_227 = arith.cmpi eq, %iota3A_88, %eq3A_226 : vector<1x32xi32>
    %jit3A_228 = arith.constant 1.000000e+00 : f32
    %broadcast_in_dim3A_229 = vector.broadcast %jit3A_228 : f32 to vector<1x32xf32>
    %select_n3A_230 = arith.select %eq3A_227, %broadcast_in_dim3A_229, %select_n3A_224 : vector<1x32xi1>, vector<1x32xf32>
    %iota3A_231 = tpu.iota {dimensions = array<i32: 0>} : vector<32x32xi32>
    %iota3A_232 = tpu.iota {dimensions = array<i32: 1>} : vector<32x32xi32>
    %le3A = arith.cmpi sle, %iota3A_231, %iota3A_232 : vector<32x32xi32>
    %jit3A_233 = arith.constant 1.000000e+00 : f32
    %jit3A_234 = arith.constant 0.000000e+00 : f32
    %broadcast_in_dim3A_235 = vector.broadcast %jit3A_233 : f32 to vector<32x32xf32>
    %broadcast_in_dim3A_236 = vector.broadcast %jit3A_234 : f32 to vector<32x32xf32>
    %select_n3A_237 = arith.select %le3A, %broadcast_in_dim3A_235, %broadcast_in_dim3A_236 : vector<32x32xi1>, vector<32x32xf32>
    %dot_general3A_238 = arith.constant dense<0.000000e+00> : vector<1x32xf32>
    %dot_general3A_239 = tpu.matmul %select_n3A_230, %select_n3A_237, %dot_general3A_238 {dimension_numbers = #tpu.dot_dimension_numbers<[1], [0], [0], [1], [0, 0, 1, 1], [], []>, transpose_lhs_hint = false} : vector<1x32xf32>, vector<32x32xf32>, vector<1x32xf32> -> vector<1x32xf32>
    %sub3A_240 = arith.constant 1.000000e+00 : f32
    %sub3A_241 = vector.broadcast %sub3A_240 : f32 to vector<1x32xf32>
    %sub3A_242 = arith.subf %dot_general3A_239, %sub3A_241 : vector<1x32xf32>
    %mul3A_243 = arith.constant 5.000000e-01 : f32
    %mul3A_244 = vector.broadcast %mul3A_243 : f32 to vector<1x32xf32>
    %mul3A_245 = arith.mulf %sub3A_242, %mul3A_244 : vector<1x32xf32>
    %floor3A_246 = math.floor %mul3A_245 : vector<1x32xf32>
    %mul3A_247 = arith.constant 2.000000e+00 : f32
    %mul3A_248 = vector.broadcast %mul3A_247 : f32 to vector<1x32xf32>
    %mul3A_249 = arith.mulf %mul3A_248, %floor3A_246 : vector<1x32xf32>
    %sub3A_250 = arith.subf %sub3A_242, %mul3A_249 : vector<1x32xf32>
    %broadcast_in_dim3A_251 = arith.constant 0.000000e+00 : f32
    %broadcast_in_dim3A_252 = vector.broadcast %broadcast_in_dim3A_251 : f32 to vector<1x32xf32>
    %sub3A_253 = arith.constant 1.000000e+00 : f32
    %sub3A_254 = vector.broadcast %sub3A_253 : f32 to vector<1x32xf32>
    %sub3A_255 = arith.subf %broadcast_in_dim3A_252, %sub3A_254 : vector<1x32xf32>
    %slice3A_256 = vector.extract_strided_slice %add3A_70 {offsets = [0, 7], sizes = [1, 1], strides = [1, 1]} : vector<1x8xf32> to vector<1x1xf32>
    %squeeze3A_257 = vector.extract %slice3A_256[0, 0] : f32 from vector<1x1xf32>
    %gt3A_258 = arith.constant 0.000000e+00 : f32
    %gt3A_259 = arith.cmpf ogt, %squeeze3A_257, %gt3A_258 : f32
    %broadcast_in_dim3A_260 = vector.broadcast %gt3A_259 : i1 to vector<1x32xi1>
    %lt3A_261 = arith.constant 7.000000e+00 : f32
    %lt3A_262 = vector.broadcast %lt3A_261 : f32 to vector<1x32xf32>
    %lt3A_263 = arith.cmpf olt, %select_n3A_205, %lt3A_262 : vector<1x32xf32>
    %and3A_264 = arith.andi %broadcast_in_dim3A_260, %lt3A_263 : vector<1x32xi1>
    %jit3A_265 = arith.constant 7.000000e+00 : f32
    %broadcast_in_dim3A_266 = vector.broadcast %jit3A_265 : f32 to vector<1x32xf32>
    %select_n3A_267 = arith.select %and3A_264, %broadcast_in_dim3A_266, %sub3A_255 : vector<1x32xi1>, vector<1x32xf32>
    %slice3A_268 = vector.extract_strided_slice %add3A_70 {offsets = [0, 6], sizes = [1, 1], strides = [1, 1]} : vector<1x8xf32> to vector<1x1xf32>
    %squeeze3A_269 = vector.extract %slice3A_268[0, 0] : f32 from vector<1x1xf32>
    %gt3A_270 = arith.constant 0.000000e+00 : f32
    %gt3A_271 = arith.cmpf ogt, %squeeze3A_269, %gt3A_270 : f32
    %broadcast_in_dim3A_272 = vector.broadcast %gt3A_271 : i1 to vector<1x32xi1>
    %lt3A_273 = arith.constant 6.000000e+00 : f32
    %lt3A_274 = vector.broadcast %lt3A_273 : f32 to vector<1x32xf32>
    %lt3A_275 = arith.cmpf olt, %select_n3A_205, %lt3A_274 : vector<1x32xf32>
    %and3A_276 = arith.andi %broadcast_in_dim3A_272, %lt3A_275 : vector<1x32xi1>
    %jit3A_277 = arith.constant 6.000000e+00 : f32
    %broadcast_in_dim3A_278 = vector.broadcast %jit3A_277 : f32 to vector<1x32xf32>
    %select_n3A_279 = arith.select %and3A_276, %broadcast_in_dim3A_278, %select_n3A_267 : vector<1x32xi1>, vector<1x32xf32>
    %slice3A_280 = vector.extract_strided_slice %add3A_70 {offsets = [0, 5], sizes = [1, 1], strides = [1, 1]} : vector<1x8xf32> to vector<1x1xf32>
    %squeeze3A_281 = vector.extract %slice3A_280[0, 0] : f32 from vector<1x1xf32>
    %gt3A_282 = arith.constant 0.000000e+00 : f32
    %gt3A_283 = arith.cmpf ogt, %squeeze3A_281, %gt3A_282 : f32
    %broadcast_in_dim3A_284 = vector.broadcast %gt3A_283 : i1 to vector<1x32xi1>
    %lt3A_285 = arith.constant 5.000000e+00 : f32
    %lt3A_286 = vector.broadcast %lt3A_285 : f32 to vector<1x32xf32>
    %lt3A_287 = arith.cmpf olt, %select_n3A_205, %lt3A_286 : vector<1x32xf32>
    %and3A_288 = arith.andi %broadcast_in_dim3A_284, %lt3A_287 : vector<1x32xi1>
    %jit3A_289 = arith.constant 5.000000e+00 : f32
    %broadcast_in_dim3A_290 = vector.broadcast %jit3A_289 : f32 to vector<1x32xf32>
    %select_n3A_291 = arith.select %and3A_288, %broadcast_in_dim3A_290, %select_n3A_279 : vector<1x32xi1>, vector<1x32xf32>
    %slice3A_292 = vector.extract_strided_slice %add3A_70 {offsets = [0, 4], sizes = [1, 1], strides = [1, 1]} : vector<1x8xf32> to vector<1x1xf32>
    %squeeze3A_293 = vector.extract %slice3A_292[0, 0] : f32 from vector<1x1xf32>
    %gt3A_294 = arith.constant 0.000000e+00 : f32
    %gt3A_295 = arith.cmpf ogt, %squeeze3A_293, %gt3A_294 : f32
    %broadcast_in_dim3A_296 = vector.broadcast %gt3A_295 : i1 to vector<1x32xi1>
    %lt3A_297 = arith.constant 4.000000e+00 : f32
    %lt3A_298 = vector.broadcast %lt3A_297 : f32 to vector<1x32xf32>
    %lt3A_299 = arith.cmpf olt, %select_n3A_205, %lt3A_298 : vector<1x32xf32>
    %and3A_300 = arith.andi %broadcast_in_dim3A_296, %lt3A_299 : vector<1x32xi1>
    %jit3A_301 = arith.constant 4.000000e+00 : f32
    %broadcast_in_dim3A_302 = vector.broadcast %jit3A_301 : f32 to vector<1x32xf32>
    %select_n3A_303 = arith.select %and3A_300, %broadcast_in_dim3A_302, %select_n3A_291 : vector<1x32xi1>, vector<1x32xf32>
    %slice3A_304 = vector.extract_strided_slice %add3A_70 {offsets = [0, 3], sizes = [1, 1], strides = [1, 1]} : vector<1x8xf32> to vector<1x1xf32>
    %squeeze3A_305 = vector.extract %slice3A_304[0, 0] : f32 from vector<1x1xf32>
    %gt3A_306 = arith.constant 0.000000e+00 : f32
    %gt3A_307 = arith.cmpf ogt, %squeeze3A_305, %gt3A_306 : f32
    %broadcast_in_dim3A_308 = vector.broadcast %gt3A_307 : i1 to vector<1x32xi1>
    %lt3A_309 = arith.constant 3.000000e+00 : f32
    %lt3A_310 = vector.broadcast %lt3A_309 : f32 to vector<1x32xf32>
    %lt3A_311 = arith.cmpf olt, %select_n3A_205, %lt3A_310 : vector<1x32xf32>
    %and3A_312 = arith.andi %broadcast_in_dim3A_308, %lt3A_311 : vector<1x32xi1>
    %jit3A_313 = arith.constant 3.000000e+00 : f32
    %broadcast_in_dim3A_314 = vector.broadcast %jit3A_313 : f32 to vector<1x32xf32>
    %select_n3A_315 = arith.select %and3A_312, %broadcast_in_dim3A_314, %select_n3A_303 : vector<1x32xi1>, vector<1x32xf32>
    %slice3A_316 = vector.extract_strided_slice %add3A_70 {offsets = [0, 2], sizes = [1, 1], strides = [1, 1]} : vector<1x8xf32> to vector<1x1xf32>
    %squeeze3A_317 = vector.extract %slice3A_316[0, 0] : f32 from vector<1x1xf32>
    %gt3A_318 = arith.constant 0.000000e+00 : f32
    %gt3A_319 = arith.cmpf ogt, %squeeze3A_317, %gt3A_318 : f32
    %broadcast_in_dim3A_320 = vector.broadcast %gt3A_319 : i1 to vector<1x32xi1>
    %lt3A_321 = arith.constant 2.000000e+00 : f32
    %lt3A_322 = vector.broadcast %lt3A_321 : f32 to vector<1x32xf32>
    %lt3A_323 = arith.cmpf olt, %select_n3A_205, %lt3A_322 : vector<1x32xf32>
    %and3A_324 = arith.andi %broadcast_in_dim3A_320, %lt3A_323 : vector<1x32xi1>
    %jit3A_325 = arith.constant 2.000000e+00 : f32
    %broadcast_in_dim3A_326 = vector.broadcast %jit3A_325 : f32 to vector<1x32xf32>
    %select_n3A_327 = arith.select %and3A_324, %broadcast_in_dim3A_326, %select_n3A_315 : vector<1x32xi1>, vector<1x32xf32>
    %slice3A_328 = vector.extract_strided_slice %add3A_70 {offsets = [0, 1], sizes = [1, 1], strides = [1, 1]} : vector<1x8xf32> to vector<1x1xf32>
    %squeeze3A_329 = vector.extract %slice3A_328[0, 0] : f32 from vector<1x1xf32>
    %gt3A_330 = arith.constant 0.000000e+00 : f32
    %gt3A_331 = arith.cmpf ogt, %squeeze3A_329, %gt3A_330 : f32
    %broadcast_in_dim3A_332 = vector.broadcast %gt3A_331 : i1 to vector<1x32xi1>
    %lt3A_333 = arith.constant 1.000000e+00 : f32
    %lt3A_334 = vector.broadcast %lt3A_333 : f32 to vector<1x32xf32>
    %lt3A_335 = arith.cmpf olt, %select_n3A_205, %lt3A_334 : vector<1x32xf32>
    %and3A_336 = arith.andi %broadcast_in_dim3A_332, %lt3A_335 : vector<1x32xi1>
    %jit3A_337 = arith.constant 1.000000e+00 : f32
    %broadcast_in_dim3A_338 = vector.broadcast %jit3A_337 : f32 to vector<1x32xf32>
    %select_n3A_339 = arith.select %and3A_336, %broadcast_in_dim3A_338, %select_n3A_327 : vector<1x32xi1>, vector<1x32xf32>
    %slice3A_340 = vector.extract_strided_slice %add3A_70 {offsets = [0, 0], sizes = [1, 1], strides = [1, 1]} : vector<1x8xf32> to vector<1x1xf32>
    %squeeze3A_341 = vector.extract %slice3A_340[0, 0] : f32 from vector<1x1xf32>
    %gt3A_342 = arith.constant 0.000000e+00 : f32
    %gt3A_343 = arith.cmpf ogt, %squeeze3A_341, %gt3A_342 : f32
    %broadcast_in_dim3A_344 = vector.broadcast %gt3A_343 : i1 to vector<1x32xi1>
    %lt3A_345 = arith.constant 0.000000e+00 : f32
    %lt3A_346 = vector.broadcast %lt3A_345 : f32 to vector<1x32xf32>
    %lt3A_347 = arith.cmpf olt, %select_n3A_205, %lt3A_346 : vector<1x32xf32>
    %and3A_348 = arith.andi %broadcast_in_dim3A_344, %lt3A_347 : vector<1x32xi1>
    %jit3A_349 = arith.constant 0.000000e+00 : f32
    %broadcast_in_dim3A_350 = vector.broadcast %jit3A_349 : f32 to vector<1x32xf32>
    %select_n3A_351 = arith.select %and3A_348, %broadcast_in_dim3A_350, %select_n3A_339 : vector<1x32xi1>, vector<1x32xf32>
    %concatenate3A_352 = tpu.concatenate %select_n3A_217, %sub3A_250, %select_n3A_230, %select_n3A_351 in 1 : vector<1x32xf32>, vector<1x32xf32>, vector<1x32xf32>, vector<1x32xf32> -> vector<1x128xf32>
    %convert_element_type3A_353 = arith.fptosi %concatenate3A_352 : vector<1x128xf32> to vector<1x128xi32>
    %swap3A_354 = arith.constant 0 : index
    %swap3A_355 = arith.constant 0 : index
    %swap3A_356 = vector.load %arg8[%swap3A_354, %swap3A_355] : memref<1x128xi32, #tpu.memory_space<vmem>>, vector<1x128xi32>
    tpu.vector_store %arg8[%swap3A_354, %swap3A_355], %convert_element_type3A_353 {strides = array<i32>} : memref<1x128xi32, #tpu.memory_space<vmem>>, vector<1x128xi32>,
    %iota3A_357 = tpu.iota {dimensions = array<i32: 0>} : vector<512x512xi32>
    %iota3A_358 = tpu.iota {dimensions = array<i32: 1>} : vector<512x512xi32>
    %lt3A_359 = arith.cmpi slt, %iota3A_358, %iota3A_357 : vector<512x512xi32>
    %jit3A_360 = arith.constant 1.000000e+00 : f32
    %jit3A_361 = arith.constant 0.000000e+00 : f32
    %broadcast_in_dim3A_362 = vector.broadcast %jit3A_360 : f32 to vector<512x512xf32>
    %broadcast_in_dim3A_363 = vector.broadcast %jit3A_361 : f32 to vector<512x512xf32>
    %select_n3A_364 = arith.select %lt3A_359, %broadcast_in_dim3A_362, %broadcast_in_dim3A_363 : vector<512x512xi1>, vector<512x512xf32>
    %broadcast_in_dim3A_365 = vector.shape_cast %dot_general3A_87 : vector<1x8xf32> to vector<1x8xf32>
    %broadcast_in_dim3A_366 = vector.broadcast %broadcast_in_dim3A_365 : vector<1x8xf32> to vector<512x8xf32>
    %broadcast_in_dim3A_367 = arith.constant 0.000000e+00 : f32
    %broadcast_in_dim3A_368 = vector.broadcast %broadcast_in_dim3A_367 : f32 to vector<1x8xf32>
    %slice3A_369 = vector.extract_strided_slice %select_n3A_57 {offsets = [0, 0], sizes = [512, 8], strides = [1, 1]} : vector<2048x8xf32> to vector<512x8xf32>
    %slice3A_370 = vector.extract_strided_slice %select_n3A_64 {offsets = [0, 0], sizes = [512, 8], strides = [1, 1]} : vector<2048x8xf32> to vector<512x8xf32>
    %dot_general3A_371 = arith.constant dense<0.000000e+00> : vector<512x8xf32>
    %dot_general3A_372 = tpu.matmul %select_n3A_364, %slice3A_369, %dot_general3A_371 {dimension_numbers = #tpu.dot_dimension_numbers<[1], [0], [0], [1], [0, 0, 1, 1], [], []>, transpose_lhs_hint = false} : vector<512x512xf32>, vector<512x8xf32>, vector<512x8xf32> -> vector<512x8xf32>
    %add3A_373 = vector.broadcast %broadcast_in_dim3A_368 : vector<1x8xf32> to vector<512x8xf32>
    %add3A_374 = arith.addf %dot_general3A_372, %add3A_373 : vector<512x8xf32>
    %dot_general3A_375 = arith.constant dense<0.000000e+00> : vector<512x8xf32>
    %dot_general3A_376 = tpu.matmul %select_n3A_364, %slice3A_370, %dot_general3A_375 {dimension_numbers = #tpu.dot_dimension_numbers<[1], [0], [0], [1], [0, 0, 1, 1], [], []>, transpose_lhs_hint = false} : vector<512x512xf32>, vector<512x8xf32>, vector<512x8xf32> -> vector<512x8xf32>
    %add3A_377 = vector.broadcast %broadcast_in_dim3A_66 : vector<1x8xf32> to vector<512x8xf32>
    %add3A_378 = arith.addf %dot_general3A_376, %add3A_377 : vector<512x8xf32>
    %add3A_379 = arith.addf %add3A_374, %broadcast_in_dim3A_366 : vector<512x8xf32>
    %mul3A_380 = arith.mulf %slice3A_369, %add3A_379 : vector<512x8xf32>
    %reduce_sum3A_381 = arith.constant dense<0.000000e+00> : vector<512xf32>
    %reduce_sum3A_382 = vector.multi_reduction <add>, %mul3A_380, %reduce_sum3A_381 [1] : vector<512x8xf32> to vector<512xf32>
    %broadcast_in_dim3A_383 = vector.shape_cast %reduce_sum3A_382 : vector<512xf32> to vector<512x1xf32>
    %add3A_384 = arith.addf %add3A_378, %broadcast_in_dim3A_366 : vector<512x8xf32>
    %mul3A_385 = arith.mulf %slice3A_370, %add3A_384 : vector<512x8xf32>
    %reduce_sum3A_386 = arith.constant dense<0.000000e+00> : vector<512xf32>
    %reduce_sum3A_387 = vector.multi_reduction <add>, %mul3A_385, %reduce_sum3A_386 [1] : vector<512x8xf32> to vector<512xf32>
    %broadcast_in_dim3A_388 = vector.shape_cast %reduce_sum3A_387 : vector<512xf32> to vector<512x1xf32>
    %convert_element_type3A_389 = arith.fptosi %broadcast_in_dim3A_383 : vector<512x1xf32> to vector<512x1xi32>
    %swap3A_390 = arith.constant 0 : index
    %swap3A_391 = arith.constant 0 : index
    %swap3A_392 = vector.load %arg4[%swap3A_390, %swap3A_391] : memref<2048x1xi32, #tpu.memory_space<vmem>>, vector<512x1xi32>
    tpu.vector_store %arg4[%swap3A_390, %swap3A_391], %convert_element_type3A_389 {strides = array<i32>} : memref<2048x1xi32, #tpu.memory_space<vmem>>, vector<512x1xi32>,
    %convert_element_type3A_393 = arith.fptosi %broadcast_in_dim3A_388 : vector<512x1xf32> to vector<512x1xi32>
    %swap3A_394 = arith.constant 0 : index
    %swap3A_395 = arith.constant 0 : index
    %swap3A_396 = vector.load %arg5[%swap3A_394, %swap3A_395] : memref<2048x1xi32, #tpu.memory_space<vmem>>, vector<512x1xi32>
    tpu.vector_store %arg5[%swap3A_394, %swap3A_395], %convert_element_type3A_393 {strides = array<i32>} : memref<2048x1xi32, #tpu.memory_space<vmem>>, vector<512x1xi32>,
    %reduce_sum3A_397 = arith.constant dense<0.000000e+00> : vector<8xf32>
    %reduce_sum3A_398 = vector.multi_reduction <add>, %slice3A_369, %reduce_sum3A_397 [0] : vector<512x8xf32> to vector<8xf32>
    %broadcast_in_dim3A_399 = vector.shape_cast %reduce_sum3A_398 : vector<8xf32> to vector<1x8xf32>
    %add3A_400 = arith.addf %broadcast_in_dim3A_368, %broadcast_in_dim3A_399 : vector<1x8xf32>
    %reduce_sum3A_401 = arith.constant dense<0.000000e+00> : vector<8xf32>
    %reduce_sum3A_402 = vector.multi_reduction <add>, %slice3A_370, %reduce_sum3A_401 [0] : vector<512x8xf32> to vector<8xf32>
    %broadcast_in_dim3A_403 = vector.shape_cast %reduce_sum3A_402 : vector<8xf32> to vector<1x8xf32>
    %add3A_404 = arith.addf %broadcast_in_dim3A_66, %broadcast_in_dim3A_403 : vector<1x8xf32>
    %slice3A_405 = vector.extract_strided_slice %select_n3A_57 {offsets = [512, 0], sizes = [512, 8], strides = [1, 1]} : vector<2048x8xf32> to vector<512x8xf32>
    %slice3A_406 = vector.extract_strided_slice %select_n3A_64 {offsets = [512, 0], sizes = [512, 8], strides = [1, 1]} : vector<2048x8xf32> to vector<512x8xf32>
    %dot_general3A_407 = arith.constant dense<0.000000e+00> : vector<512x8xf32>
    %dot_general3A_408 = tpu.matmul %select_n3A_364, %slice3A_405, %dot_general3A_407 {dimension_numbers = #tpu.dot_dimension_numbers<[1], [0], [0], [1], [0, 0, 1, 1], [], []>, transpose_lhs_hint = false} : vector<512x512xf32>, vector<512x8xf32>, vector<512x8xf32> -> vector<512x8xf32>
    %add3A_409 = vector.broadcast %add3A_400 : vector<1x8xf32> to vector<512x8xf32>
    %add3A_410 = arith.addf %dot_general3A_408, %add3A_409 : vector<512x8xf32>
    %dot_general3A_411 = arith.constant dense<0.000000e+00> : vector<512x8xf32>
    %dot_general3A_412 = tpu.matmul %select_n3A_364, %slice3A_406, %dot_general3A_411 {dimension_numbers = #tpu.dot_dimension_numbers<[1], [0], [0], [1], [0, 0, 1, 1], [], []>, transpose_lhs_hint = false} : vector<512x512xf32>, vector<512x8xf32>, vector<512x8xf32> -> vector<512x8xf32>
    %add3A_413 = vector.broadcast %add3A_404 : vector<1x8xf32> to vector<512x8xf32>
    %add3A_414 = arith.addf %dot_general3A_412, %add3A_413 : vector<512x8xf32>
    %add3A_415 = arith.addf %add3A_410, %broadcast_in_dim3A_366 : vector<512x8xf32>
    %mul3A_416 = arith.mulf %slice3A_405, %add3A_415 : vector<512x8xf32>
    %reduce_sum3A_417 = arith.constant dense<0.000000e+00> : vector<512xf32>
    %reduce_sum3A_418 = vector.multi_reduction <add>, %mul3A_416, %reduce_sum3A_417 [1] : vector<512x8xf32> to vector<512xf32>
    %broadcast_in_dim3A_419 = vector.shape_cast %reduce_sum3A_418 : vector<512xf32> to vector<512x1xf32>
    %add3A_420 = arith.addf %add3A_414, %broadcast_in_dim3A_366 : vector<512x8xf32>
    %mul3A_421 = arith.mulf %slice3A_406, %add3A_420 : vector<512x8xf32>
    %reduce_sum3A_422 = arith.constant dense<0.000000e+00> : vector<512xf32>
    %reduce_sum3A_423 = vector.multi_reduction <add>, %mul3A_421, %reduce_sum3A_422 [1] : vector<512x8xf32> to vector<512xf32>
    %broadcast_in_dim3A_424 = vector.shape_cast %reduce_sum3A_423 : vector<512xf32> to vector<512x1xf32>
    %convert_element_type3A_425 = arith.fptosi %broadcast_in_dim3A_419 : vector<512x1xf32> to vector<512x1xi32>
    %swap3A_426 = arith.constant 512 : index
    %swap3A_427 = arith.constant 0 : index
    %swap3A_428 = vector.load %arg4[%swap3A_426, %swap3A_427] : memref<2048x1xi32, #tpu.memory_space<vmem>>, vector<512x1xi32>
    tpu.vector_store %arg4[%swap3A_426, %swap3A_427], %convert_element_type3A_425 {strides = array<i32>} : memref<2048x1xi32, #tpu.memory_space<vmem>>, vector<512x1xi32>,
    %convert_element_type3A_429 = arith.fptosi %broadcast_in_dim3A_424 : vector<512x1xf32> to vector<512x1xi32>
    %swap3A_430 = arith.constant 512 : index
    %swap3A_431 = arith.constant 0 : index
    %swap3A_432 = vector.load %arg5[%swap3A_430, %swap3A_431] : memref<2048x1xi32, #tpu.memory_space<vmem>>, vector<512x1xi32>
    tpu.vector_store %arg5[%swap3A_430, %swap3A_431], %convert_element_type3A_429 {strides = array<i32>} : memref<2048x1xi32, #tpu.memory_space<vmem>>, vector<512x1xi32>,
    %reduce_sum3A_433 = arith.constant dense<0.000000e+00> : vector<8xf32>
    %reduce_sum3A_434 = vector.multi_reduction <add>, %slice3A_405, %reduce_sum3A_433 [0] : vector<512x8xf32> to vector<8xf32>
    %broadcast_in_dim3A_435 = vector.shape_cast %reduce_sum3A_434 : vector<8xf32> to vector<1x8xf32>
    %add3A_436 = arith.addf %add3A_400, %broadcast_in_dim3A_435 : vector<1x8xf32>
    %reduce_sum3A_437 = arith.constant dense<0.000000e+00> : vector<8xf32>
    %reduce_sum3A_438 = vector.multi_reduction <add>, %slice3A_406, %reduce_sum3A_437 [0] : vector<512x8xf32> to vector<8xf32>
    %broadcast_in_dim3A_439 = vector.shape_cast %reduce_sum3A_438 : vector<8xf32> to vector<1x8xf32>
    %add3A_440 = arith.addf %add3A_404, %broadcast_in_dim3A_439 : vector<1x8xf32>
    %slice3A_441 = vector.extract_strided_slice %select_n3A_57 {offsets = [1024, 0], sizes = [512, 8], strides = [1, 1]} : vector<2048x8xf32> to vector<512x8xf32>
    %slice3A_442 = vector.extract_strided_slice %select_n3A_64 {offsets = [1024, 0], sizes = [512, 8], strides = [1, 1]} : vector<2048x8xf32> to vector<512x8xf32>
    %dot_general3A_443 = arith.constant dense<0.000000e+00> : vector<512x8xf32>
    %dot_general3A_444 = tpu.matmul %select_n3A_364, %slice3A_441, %dot_general3A_443 {dimension_numbers = #tpu.dot_dimension_numbers<[1], [0], [0], [1], [0, 0, 1, 1], [], []>, transpose_lhs_hint = false} : vector<512x512xf32>, vector<512x8xf32>, vector<512x8xf32> -> vector<512x8xf32>
    %add3A_445 = vector.broadcast %add3A_436 : vector<1x8xf32> to vector<512x8xf32>
    %add3A_446 = arith.addf %dot_general3A_444, %add3A_445 : vector<512x8xf32>
    %dot_general3A_447 = arith.constant dense<0.000000e+00> : vector<512x8xf32>
    %dot_general3A_448 = tpu.matmul %select_n3A_364, %slice3A_442, %dot_general3A_447 {dimension_numbers = #tpu.dot_dimension_numbers<[1], [0], [0], [1], [0, 0, 1, 1], [], []>, transpose_lhs_hint = false} : vector<512x512xf32>, vector<512x8xf32>, vector<512x8xf32> -> vector<512x8xf32>
    %add3A_449 = vector.broadcast %add3A_440 : vector<1x8xf32> to vector<512x8xf32>
    %add3A_450 = arith.addf %dot_general3A_448, %add3A_449 : vector<512x8xf32>
    %add3A_451 = arith.addf %add3A_446, %broadcast_in_dim3A_366 : vector<512x8xf32>
    %mul3A_452 = arith.mulf %slice3A_441, %add3A_451 : vector<512x8xf32>
    %reduce_sum3A_453 = arith.constant dense<0.000000e+00> : vector<512xf32>
    %reduce_sum3A_454 = vector.multi_reduction <add>, %mul3A_452, %reduce_sum3A_453 [1] : vector<512x8xf32> to vector<512xf32>
    %broadcast_in_dim3A_455 = vector.shape_cast %reduce_sum3A_454 : vector<512xf32> to vector<512x1xf32>
    %add3A_456 = arith.addf %add3A_450, %broadcast_in_dim3A_366 : vector<512x8xf32>
    %mul3A_457 = arith.mulf %slice3A_442, %add3A_456 : vector<512x8xf32>
    %reduce_sum3A_458 = arith.constant dense<0.000000e+00> : vector<512xf32>
    %reduce_sum3A_459 = vector.multi_reduction <add>, %mul3A_457, %reduce_sum3A_458 [1] : vector<512x8xf32> to vector<512xf32>
    %broadcast_in_dim3A_460 = vector.shape_cast %reduce_sum3A_459 : vector<512xf32> to vector<512x1xf32>
    %convert_element_type3A_461 = arith.fptosi %broadcast_in_dim3A_455 : vector<512x1xf32> to vector<512x1xi32>
    %swap3A_462 = arith.constant 1024 : index
    %swap3A_463 = arith.constant 0 : index
    %swap3A_464 = vector.load %arg4[%swap3A_462, %swap3A_463] : memref<2048x1xi32, #tpu.memory_space<vmem>>, vector<512x1xi32>
    tpu.vector_store %arg4[%swap3A_462, %swap3A_463], %convert_element_type3A_461 {strides = array<i32>} : memref<2048x1xi32, #tpu.memory_space<vmem>>, vector<512x1xi32>,
    %convert_element_type3A_465 = arith.fptosi %broadcast_in_dim3A_460 : vector<512x1xf32> to vector<512x1xi32>
    %swap3A_466 = arith.constant 1024 : index
    %swap3A_467 = arith.constant 0 : index
    %swap3A_468 = vector.load %arg5[%swap3A_466, %swap3A_467] : memref<2048x1xi32, #tpu.memory_space<vmem>>, vector<512x1xi32>
    tpu.vector_store %arg5[%swap3A_466, %swap3A_467], %convert_element_type3A_465 {strides = array<i32>} : memref<2048x1xi32, #tpu.memory_space<vmem>>, vector<512x1xi32>,
    %reduce_sum3A_469 = arith.constant dense<0.000000e+00> : vector<8xf32>
    %reduce_sum3A_470 = vector.multi_reduction <add>, %slice3A_441, %reduce_sum3A_469 [0] : vector<512x8xf32> to vector<8xf32>
    %broadcast_in_dim3A_471 = vector.shape_cast %reduce_sum3A_470 : vector<8xf32> to vector<1x8xf32>
    %add3A_472 = arith.addf %add3A_436, %broadcast_in_dim3A_471 : vector<1x8xf32>
    %reduce_sum3A_473 = arith.constant dense<0.000000e+00> : vector<8xf32>
    %reduce_sum3A_474 = vector.multi_reduction <add>, %slice3A_442, %reduce_sum3A_473 [0] : vector<512x8xf32> to vector<8xf32>
    %broadcast_in_dim3A_475 = vector.shape_cast %reduce_sum3A_474 : vector<8xf32> to vector<1x8xf32>
    %add3A_476 = arith.addf %add3A_440, %broadcast_in_dim3A_475 : vector<1x8xf32>
    %slice3A_477 = vector.extract_strided_slice %select_n3A_57 {offsets = [1536, 0], sizes = [512, 8], strides = [1, 1]} : vector<2048x8xf32> to vector<512x8xf32>
    %slice3A_478 = vector.extract_strided_slice %select_n3A_64 {offsets = [1536, 0], sizes = [512, 8], strides = [1, 1]} : vector<2048x8xf32> to vector<512x8xf32>
    %dot_general3A_479 = arith.constant dense<0.000000e+00> : vector<512x8xf32>
    %dot_general3A_480 = tpu.matmul %select_n3A_364, %slice3A_477, %dot_general3A_479 {dimension_numbers = #tpu.dot_dimension_numbers<[1], [0], [0], [1], [0, 0, 1, 1], [], []>, transpose_lhs_hint = false} : vector<512x512xf32>, vector<512x8xf32>, vector<512x8xf32> -> vector<512x8xf32>
    %add3A_481 = vector.broadcast %add3A_472 : vector<1x8xf32> to vector<512x8xf32>
    %add3A_482 = arith.addf %dot_general3A_480, %add3A_481 : vector<512x8xf32>
    %dot_general3A_483 = arith.constant dense<0.000000e+00> : vector<512x8xf32>
    %dot_general3A_484 = tpu.matmul %select_n3A_364, %slice3A_478, %dot_general3A_483 {dimension_numbers = #tpu.dot_dimension_numbers<[1], [0], [0], [1], [0, 0, 1, 1], [], []>, transpose_lhs_hint = false} : vector<512x512xf32>, vector<512x8xf32>, vector<512x8xf32> -> vector<512x8xf32>
    %add3A_485 = vector.broadcast %add3A_476 : vector<1x8xf32> to vector<512x8xf32>
    %add3A_486 = arith.addf %dot_general3A_484, %add3A_485 : vector<512x8xf32>
    %add3A_487 = arith.addf %add3A_482, %broadcast_in_dim3A_366 : vector<512x8xf32>
    %mul3A_488 = arith.mulf %slice3A_477, %add3A_487 : vector<512x8xf32>
    %reduce_sum3A_489 = arith.constant dense<0.000000e+00> : vector<512xf32>
    %reduce_sum3A_490 = vector.multi_reduction <add>, %mul3A_488, %reduce_sum3A_489 [1] : vector<512x8xf32> to vector<512xf32>
    %broadcast_in_dim3A_491 = vector.shape_cast %reduce_sum3A_490 : vector<512xf32> to vector<512x1xf32>
    %add3A_492 = arith.addf %add3A_486, %broadcast_in_dim3A_366 : vector<512x8xf32>
    %mul3A_493 = arith.mulf %slice3A_478, %add3A_492 : vector<512x8xf32>
    %reduce_sum3A_494 = arith.constant dense<0.000000e+00> : vector<512xf32>
    %reduce_sum3A_495 = vector.multi_reduction <add>, %mul3A_493, %reduce_sum3A_494 [1] : vector<512x8xf32> to vector<512xf32>
    %broadcast_in_dim3A_496 = vector.shape_cast %reduce_sum3A_495 : vector<512xf32> to vector<512x1xf32>
    %convert_element_type3A_497 = arith.fptosi %broadcast_in_dim3A_491 : vector<512x1xf32> to vector<512x1xi32>
    %swap3A_498 = arith.constant 1536 : index
    %swap3A_499 = arith.constant 0 : index
    %swap3A_500 = vector.load %arg4[%swap3A_498, %swap3A_499] : memref<2048x1xi32, #tpu.memory_space<vmem>>, vector<512x1xi32>
    tpu.vector_store %arg4[%swap3A_498, %swap3A_499], %convert_element_type3A_497 {strides = array<i32>} : memref<2048x1xi32, #tpu.memory_space<vmem>>, vector<512x1xi32>,
    %convert_element_type3A_501 = arith.fptosi %broadcast_in_dim3A_496 : vector<512x1xf32> to vector<512x1xi32>
    %swap3A_502 = arith.constant 1536 : index
    %swap3A_503 = arith.constant 0 : index
    %swap3A_504 = vector.load %arg5[%swap3A_502, %swap3A_503] : memref<2048x1xi32, #tpu.memory_space<vmem>>, vector<512x1xi32>
    tpu.vector_store %arg5[%swap3A_502, %swap3A_503], %convert_element_type3A_501 {strides = array<i32>} : memref<2048x1xi32, #tpu.memory_space<vmem>>, vector<512x1xi32>,
    return
  }
}

module attributes {stable_mosaic.version = 14 : i64} {
  func.func @_ffn_body(%arg0: i32, %arg1: memref<128xi32, #tpu.memory_space<smem>>, %arg2: memref<256x768xf32, #tpu.memory_space<vmem>>, %arg3: memref<8x3072x768xf32, #tpu.memory_space<any>>, %arg4: memref<8x3072x768xf32, #tpu.memory_space<any>>, %arg5: memref<8x768x3072xf32, #tpu.memory_space<any>>, %arg6: memref<256x768xf32, #tpu.memory_space<vmem>>, %arg7: memref<2x3072x768xf32, #tpu.memory_space<vmem>>, %arg8: memref<2x3072x768xf32, #tpu.memory_space<vmem>>, %arg9: memref<2x768x3072xf32, #tpu.memory_space<vmem>>, %arg10: memref<!tpu.dma_semaphore, #tpu.memory_space<semaphore_mem>>, %arg11: memref<!tpu.dma_semaphore, #tpu.memory_space<semaphore_mem>>) attributes {dimension_semantics = [#tpu.dimension_semantics<arbitrary>], iteration_bounds = array<i64: 24>, scalar_prefetch = 1 : i64, scratch_operands = 5 : i64, tpu.core_type = #tpu.core_type<tc>, window_params = [{transform_indices = @transform_0, window_bounds = array<i64: 256, 768>}, {}, {}, {}, {transform_indices = @transform_4, window_bounds = array<i64: 256, 768>}]} {
    %get3A = arith.index_cast %arg0 : i32 to index
    %get3A_0 = memref.load %arg1[%get3A] : memref<128xi32, #tpu.memory_space<smem>>
    %get3A_1 = arith.constant 24 : index
    %get3A_2 = memref.load %arg1[%get3A_1] : memref<128xi32, #tpu.memory_space<smem>>
    %add3A = arith.constant 32 : i32
    %add3A_3 = arith.addi %add3A, %arg0 : i32
    %get3A_4 = arith.index_cast %add3A_3 : i32 to index
    %get3A_5 = memref.load %arg1[%get3A_4] : memref<128xi32, #tpu.memory_space<smem>>
    %add3A_6 = arith.constant 64 : i32
    %add3A_7 = arith.addi %add3A_6, %arg0 : i32
    %get3A_8 = arith.index_cast %add3A_7 : i32 to index
    %get3A_9 = memref.load %arg1[%get3A_8] : memref<128xi32, #tpu.memory_space<smem>>
    %add3A_10 = arith.constant 96 : i32
    %add3A_11 = arith.addi %add3A_10, %arg0 : i32
    %get3A_12 = arith.index_cast %add3A_11 : i32 to index
    %get3A_13 = memref.load %arg1[%get3A_12] : memref<128xi32, #tpu.memory_space<smem>>
    %eq3A = arith.constant 0 : i32
    %eq3A_14 = arith.cmpi eq, %arg0, %eq3A : i32
    %convert_element_type3A = arith.extui %eq3A_14 : i1 to i32
    %cond3A = arith.constant 0 : i32
    %cond3A_15 = arith.cmpi ne, %convert_element_type3A, %cond3A : i32
    scf.if %cond3A_15 {
      %dma_start3A = arith.constant 0 : i32
      %dma_start3A_25 = arith.constant 0 : i32
      %dma_start3A_26 = arith.constant 0 : i32
      %dma_start3A_27 = tpu.memref_slice %arg7[%dma_start3A, %dma_start3A_25, %dma_start3A_26] : memref<2x3072x768xf32, #tpu.memory_space<vmem>> -> memref<1x3072x768xf32, #tpu.memory_space<vmem>>
      %dma_start3A_28 = tpu.memref_squeeze %dma_start3A_27 : memref<1x3072x768xf32, #tpu.memory_space<vmem>> -> memref<3072x768xf32, #tpu.memory_space<vmem>>
      %dma_start3A_29 = arith.constant 0 : i32
      %dma_start3A_30 = arith.constant 0 : i32
      %dma_start3A_31 = tpu.memref_slice %arg3[%get3A_0, %dma_start3A_29, %dma_start3A_30] : memref<8x3072x768xf32, #tpu.memory_space<any>> -> memref<1x3072x768xf32, #tpu.memory_space<any>>
      %dma_start3A_32 = tpu.memref_squeeze %dma_start3A_31 : memref<1x3072x768xf32, #tpu.memory_space<any>> -> memref<3072x768xf32, #tpu.memory_space<any>>
      tpu.enqueue_dma source(%dma_start3A_32 : memref<3072x768xf32, #tpu.memory_space<any>>) target(%dma_start3A_28 : memref<3072x768xf32, #tpu.memory_space<vmem>>) target_semaphore(%arg10 : memref<!tpu.dma_semaphore, #tpu.memory_space<semaphore_mem>>)
      %dma_start3A_33 = arith.constant 0 : i32
      %dma_start3A_34 = arith.constant 0 : i32
      %dma_start3A_35 = arith.constant 0 : i32
      %dma_start3A_36 = tpu.memref_slice %arg8[%dma_start3A_33, %dma_start3A_34, %dma_start3A_35] : memref<2x3072x768xf32, #tpu.memory_space<vmem>> -> memref<1x3072x768xf32, #tpu.memory_space<vmem>>
      %dma_start3A_37 = tpu.memref_squeeze %dma_start3A_36 : memref<1x3072x768xf32, #tpu.memory_space<vmem>> -> memref<3072x768xf32, #tpu.memory_space<vmem>>
      %dma_start3A_38 = arith.constant 0 : i32
      %dma_start3A_39 = arith.constant 0 : i32
      %dma_start3A_40 = tpu.memref_slice %arg4[%get3A_0, %dma_start3A_38, %dma_start3A_39] : memref<8x3072x768xf32, #tpu.memory_space<any>> -> memref<1x3072x768xf32, #tpu.memory_space<any>>
      %dma_start3A_41 = tpu.memref_squeeze %dma_start3A_40 : memref<1x3072x768xf32, #tpu.memory_space<any>> -> memref<3072x768xf32, #tpu.memory_space<any>>
      tpu.enqueue_dma source(%dma_start3A_41 : memref<3072x768xf32, #tpu.memory_space<any>>) target(%dma_start3A_37 : memref<3072x768xf32, #tpu.memory_space<vmem>>) target_semaphore(%arg10 : memref<!tpu.dma_semaphore, #tpu.memory_space<semaphore_mem>>)
      %dma_start3A_42 = arith.constant 0 : i32
      %dma_start3A_43 = arith.constant 0 : i32
      %dma_start3A_44 = arith.constant 0 : i32
      %dma_start3A_45 = tpu.memref_slice %arg9[%dma_start3A_42, %dma_start3A_43, %dma_start3A_44] : memref<2x768x3072xf32, #tpu.memory_space<vmem>> -> memref<1x768x3072xf32, #tpu.memory_space<vmem>>
      %dma_start3A_46 = tpu.memref_squeeze %dma_start3A_45 : memref<1x768x3072xf32, #tpu.memory_space<vmem>> -> memref<768x3072xf32, #tpu.memory_space<vmem>>
      %dma_start3A_47 = arith.constant 0 : i32
      %dma_start3A_48 = arith.constant 0 : i32
      %dma_start3A_49 = tpu.memref_slice %arg5[%get3A_0, %dma_start3A_47, %dma_start3A_48] : memref<8x768x3072xf32, #tpu.memory_space<any>> -> memref<1x768x3072xf32, #tpu.memory_space<any>>
      %dma_start3A_50 = tpu.memref_squeeze %dma_start3A_49 : memref<1x768x3072xf32, #tpu.memory_space<any>> -> memref<768x3072xf32, #tpu.memory_space<any>>
      tpu.enqueue_dma source(%dma_start3A_50 : memref<768x3072xf32, #tpu.memory_space<any>>) target(%dma_start3A_46 : memref<768x3072xf32, #tpu.memory_space<vmem>>) target_semaphore(%arg10 : memref<!tpu.dma_semaphore, #tpu.memory_space<semaphore_mem>>)
      %ge3A = arith.constant 0 : i32
      %ge3A_51 = arith.cmpi sge, %get3A_13, %ge3A : i32
      %convert_element_type3A_52 = arith.extui %ge3A_51 : i1 to i32
      %cond3A_53 = arith.constant 0 : i32
      %cond3A_54 = arith.cmpi ne, %convert_element_type3A_52, %cond3A_53 : i32
      scf.if %cond3A_54 {
        %dma_start3A_84 = arith.constant 1 : i32
        %dma_start3A_85 = arith.constant 0 : i32
        %dma_start3A_86 = arith.constant 0 : i32
        %dma_start3A_87 = tpu.memref_slice %arg7[%dma_start3A_84, %dma_start3A_85, %dma_start3A_86] : memref<2x3072x768xf32, #tpu.memory_space<vmem>> -> memref<1x3072x768xf32, #tpu.memory_space<vmem>>
        %dma_start3A_88 = tpu.memref_squeeze %dma_start3A_87 : memref<1x3072x768xf32, #tpu.memory_space<vmem>> -> memref<3072x768xf32, #tpu.memory_space<vmem>>
        %dma_start3A_89 = arith.constant 0 : i32
        %dma_start3A_90 = arith.constant 0 : i32
        %dma_start3A_91 = tpu.memref_slice %arg3[%get3A_13, %dma_start3A_89, %dma_start3A_90] : memref<8x3072x768xf32, #tpu.memory_space<any>> -> memref<1x3072x768xf32, #tpu.memory_space<any>>
        %dma_start3A_92 = tpu.memref_squeeze %dma_start3A_91 : memref<1x3072x768xf32, #tpu.memory_space<any>> -> memref<3072x768xf32, #tpu.memory_space<any>>
        tpu.enqueue_dma source(%dma_start3A_92 : memref<3072x768xf32, #tpu.memory_space<any>>) target(%dma_start3A_88 : memref<3072x768xf32, #tpu.memory_space<vmem>>) target_semaphore(%arg11 : memref<!tpu.dma_semaphore, #tpu.memory_space<semaphore_mem>>)
        %dma_start3A_93 = arith.constant 1 : i32
        %dma_start3A_94 = arith.constant 0 : i32
        %dma_start3A_95 = arith.constant 0 : i32
        %dma_start3A_96 = tpu.memref_slice %arg8[%dma_start3A_93, %dma_start3A_94, %dma_start3A_95] : memref<2x3072x768xf32, #tpu.memory_space<vmem>> -> memref<1x3072x768xf32, #tpu.memory_space<vmem>>
        %dma_start3A_97 = tpu.memref_squeeze %dma_start3A_96 : memref<1x3072x768xf32, #tpu.memory_space<vmem>> -> memref<3072x768xf32, #tpu.memory_space<vmem>>
        %dma_start3A_98 = arith.constant 0 : i32
        %dma_start3A_99 = arith.constant 0 : i32
        %dma_start3A_100 = tpu.memref_slice %arg4[%get3A_13, %dma_start3A_98, %dma_start3A_99] : memref<8x3072x768xf32, #tpu.memory_space<any>> -> memref<1x3072x768xf32, #tpu.memory_space<any>>
        %dma_start3A_101 = tpu.memref_squeeze %dma_start3A_100 : memref<1x3072x768xf32, #tpu.memory_space<any>> -> memref<3072x768xf32, #tpu.memory_space<any>>
        tpu.enqueue_dma source(%dma_start3A_101 : memref<3072x768xf32, #tpu.memory_space<any>>) target(%dma_start3A_97 : memref<3072x768xf32, #tpu.memory_space<vmem>>) target_semaphore(%arg11 : memref<!tpu.dma_semaphore, #tpu.memory_space<semaphore_mem>>)
        %dma_start3A_102 = arith.constant 1 : i32
        %dma_start3A_103 = arith.constant 0 : i32
        %dma_start3A_104 = arith.constant 0 : i32
        %dma_start3A_105 = tpu.memref_slice %arg9[%dma_start3A_102, %dma_start3A_103, %dma_start3A_104] : memref<2x768x3072xf32, #tpu.memory_space<vmem>> -> memref<1x768x3072xf32, #tpu.memory_space<vmem>>
        %dma_start3A_106 = tpu.memref_squeeze %dma_start3A_105 : memref<1x768x3072xf32, #tpu.memory_space<vmem>> -> memref<768x3072xf32, #tpu.memory_space<vmem>>
        %dma_start3A_107 = arith.constant 0 : i32
        %dma_start3A_108 = arith.constant 0 : i32
        %dma_start3A_109 = tpu.memref_slice %arg5[%get3A_13, %dma_start3A_107, %dma_start3A_108] : memref<8x768x3072xf32, #tpu.memory_space<any>> -> memref<1x768x3072xf32, #tpu.memory_space<any>>
        %dma_start3A_110 = tpu.memref_squeeze %dma_start3A_109 : memref<1x768x3072xf32, #tpu.memory_space<any>> -> memref<768x3072xf32, #tpu.memory_space<any>>
        tpu.enqueue_dma source(%dma_start3A_110 : memref<768x3072xf32, #tpu.memory_space<any>>) target(%dma_start3A_106 : memref<768x3072xf32, #tpu.memory_space<vmem>>) target_semaphore(%arg11 : memref<!tpu.dma_semaphore, #tpu.memory_space<semaphore_mem>>)
      } else {
      }
      %dma_wait3A = arith.constant 0 : i32
      %dma_wait3A_55 = arith.constant 0 : i32
      %dma_wait3A_56 = arith.constant 0 : i32
      %dma_wait3A_57 = arith.constant 0 : i32
      %dma_wait3A_58 = tpu.memref_slice %arg7[%dma_wait3A_55, %dma_wait3A_56, %dma_wait3A_57] : memref<2x3072x768xf32, #tpu.memory_space<vmem>> -> memref<1x3072x768xf32, #tpu.memory_space<vmem>>
      %dma_wait3A_59 = tpu.memref_squeeze %dma_wait3A_58 : memref<1x3072x768xf32, #tpu.memory_space<vmem>> -> memref<3072x768xf32, #tpu.memory_space<vmem>>
      %dma_wait3A_60 = arith.constant 0 : i32
      %dma_wait3A_61 = arith.constant 0 : i32
      %dma_wait3A_62 = tpu.memref_slice %arg3[%dma_wait3A, %dma_wait3A_60, %dma_wait3A_61] : memref<8x3072x768xf32, #tpu.memory_space<any>> -> memref<1x3072x768xf32, #tpu.memory_space<any>>
      %dma_wait3A_63 = tpu.memref_squeeze %dma_wait3A_62 : memref<1x3072x768xf32, #tpu.memory_space<any>> -> memref<3072x768xf32, #tpu.memory_space<any>>
      tpu.wait_dma2 semaphore(%arg10 : memref<!tpu.dma_semaphore, #tpu.memory_space<semaphore_mem>>) src(%dma_wait3A_63 : memref<3072x768xf32, #tpu.memory_space<any>>) dst(%dma_wait3A_59 : memref<3072x768xf32, #tpu.memory_space<vmem>>)
      %dma_wait3A_64 = arith.constant 0 : i32
      %dma_wait3A_65 = arith.constant 0 : i32
      %dma_wait3A_66 = arith.constant 0 : i32
      %dma_wait3A_67 = arith.constant 0 : i32
      %dma_wait3A_68 = tpu.memref_slice %arg8[%dma_wait3A_65, %dma_wait3A_66, %dma_wait3A_67] : memref<2x3072x768xf32, #tpu.memory_space<vmem>> -> memref<1x3072x768xf32, #tpu.memory_space<vmem>>
      %dma_wait3A_69 = tpu.memref_squeeze %dma_wait3A_68 : memref<1x3072x768xf32, #tpu.memory_space<vmem>> -> memref<3072x768xf32, #tpu.memory_space<vmem>>
      %dma_wait3A_70 = arith.constant 0 : i32
      %dma_wait3A_71 = arith.constant 0 : i32
      %dma_wait3A_72 = tpu.memref_slice %arg4[%dma_wait3A_64, %dma_wait3A_70, %dma_wait3A_71] : memref<8x3072x768xf32, #tpu.memory_space<any>> -> memref<1x3072x768xf32, #tpu.memory_space<any>>
      %dma_wait3A_73 = tpu.memref_squeeze %dma_wait3A_72 : memref<1x3072x768xf32, #tpu.memory_space<any>> -> memref<3072x768xf32, #tpu.memory_space<any>>
      tpu.wait_dma2 semaphore(%arg10 : memref<!tpu.dma_semaphore, #tpu.memory_space<semaphore_mem>>) src(%dma_wait3A_73 : memref<3072x768xf32, #tpu.memory_space<any>>) dst(%dma_wait3A_69 : memref<3072x768xf32, #tpu.memory_space<vmem>>)
      %dma_wait3A_74 = arith.constant 0 : i32
      %dma_wait3A_75 = arith.constant 0 : i32
      %dma_wait3A_76 = arith.constant 0 : i32
      %dma_wait3A_77 = arith.constant 0 : i32
      %dma_wait3A_78 = tpu.memref_slice %arg9[%dma_wait3A_75, %dma_wait3A_76, %dma_wait3A_77] : memref<2x768x3072xf32, #tpu.memory_space<vmem>> -> memref<1x768x3072xf32, #tpu.memory_space<vmem>>
      %dma_wait3A_79 = tpu.memref_squeeze %dma_wait3A_78 : memref<1x768x3072xf32, #tpu.memory_space<vmem>> -> memref<768x3072xf32, #tpu.memory_space<vmem>>
      %dma_wait3A_80 = arith.constant 0 : i32
      %dma_wait3A_81 = arith.constant 0 : i32
      %dma_wait3A_82 = tpu.memref_slice %arg5[%dma_wait3A_74, %dma_wait3A_80, %dma_wait3A_81] : memref<8x768x3072xf32, #tpu.memory_space<any>> -> memref<1x768x3072xf32, #tpu.memory_space<any>>
      %dma_wait3A_83 = tpu.memref_squeeze %dma_wait3A_82 : memref<1x768x3072xf32, #tpu.memory_space<any>> -> memref<768x3072xf32, #tpu.memory_space<any>>
      tpu.wait_dma2 semaphore(%arg10 : memref<!tpu.dma_semaphore, #tpu.memory_space<semaphore_mem>>) src(%dma_wait3A_83 : memref<768x3072xf32, #tpu.memory_space<any>>) dst(%dma_wait3A_79 : memref<768x3072xf32, #tpu.memory_space<vmem>>)
    } else {
    }
    %gt3A = arith.constant 0 : i32
    %gt3A_16 = arith.cmpi sgt, %arg0, %gt3A : i32
    %eq3A_17 = arith.constant 1 : i32
    %eq3A_18 = arith.cmpi eq, %get3A_9, %eq3A_17 : i32
    %and3A = arith.andi %gt3A_16, %eq3A_18 : i1
    %convert_element_type3A_19 = arith.extui %and3A : i1 to i32
    %cond3A_20 = arith.constant 0 : i32
    %cond3A_21 = arith.cmpi ne, %convert_element_type3A_19, %cond3A_20 : i32
    scf.if %cond3A_21 {
      %eq3A_25 = arith.constant 0 : i32
      %eq3A_26 = arith.cmpi eq, %get3A_5, %eq3A_25 : i32
      %convert_element_type3A_27 = arith.extui %eq3A_26 : i1 to i32
      %cond3A_28 = arith.constant 0 : i32
      %cond3A_29 = arith.cmpi ne, %convert_element_type3A_27, %cond3A_28 : i32
      scf.if %cond3A_29 {
        %dma_wait3A = arith.constant 0 : i32
        %dma_wait3A_35 = arith.constant 0 : i32
        %dma_wait3A_36 = arith.constant 0 : i32
        %dma_wait3A_37 = arith.constant 0 : i32
        %dma_wait3A_38 = tpu.memref_slice %arg7[%dma_wait3A_35, %dma_wait3A_36, %dma_wait3A_37] : memref<2x3072x768xf32, #tpu.memory_space<vmem>> -> memref<1x3072x768xf32, #tpu.memory_space<vmem>>
        %dma_wait3A_39 = tpu.memref_squeeze %dma_wait3A_38 : memref<1x3072x768xf32, #tpu.memory_space<vmem>> -> memref<3072x768xf32, #tpu.memory_space<vmem>>
        %dma_wait3A_40 = arith.constant 0 : i32
        %dma_wait3A_41 = arith.constant 0 : i32
        %dma_wait3A_42 = tpu.memref_slice %arg3[%dma_wait3A, %dma_wait3A_40, %dma_wait3A_41] : memref<8x3072x768xf32, #tpu.memory_space<any>> -> memref<1x3072x768xf32, #tpu.memory_space<any>>
        %dma_wait3A_43 = tpu.memref_squeeze %dma_wait3A_42 : memref<1x3072x768xf32, #tpu.memory_space<any>> -> memref<3072x768xf32, #tpu.memory_space<any>>
        tpu.wait_dma2 semaphore(%arg10 : memref<!tpu.dma_semaphore, #tpu.memory_space<semaphore_mem>>) src(%dma_wait3A_43 : memref<3072x768xf32, #tpu.memory_space<any>>) dst(%dma_wait3A_39 : memref<3072x768xf32, #tpu.memory_space<vmem>>)
        %dma_wait3A_44 = arith.constant 0 : i32
        %dma_wait3A_45 = arith.constant 0 : i32
        %dma_wait3A_46 = arith.constant 0 : i32
        %dma_wait3A_47 = arith.constant 0 : i32
        %dma_wait3A_48 = tpu.memref_slice %arg8[%dma_wait3A_45, %dma_wait3A_46, %dma_wait3A_47] : memref<2x3072x768xf32, #tpu.memory_space<vmem>> -> memref<1x3072x768xf32, #tpu.memory_space<vmem>>
        %dma_wait3A_49 = tpu.memref_squeeze %dma_wait3A_48 : memref<1x3072x768xf32, #tpu.memory_space<vmem>> -> memref<3072x768xf32, #tpu.memory_space<vmem>>
        %dma_wait3A_50 = arith.constant 0 : i32
        %dma_wait3A_51 = arith.constant 0 : i32
        %dma_wait3A_52 = tpu.memref_slice %arg4[%dma_wait3A_44, %dma_wait3A_50, %dma_wait3A_51] : memref<8x3072x768xf32, #tpu.memory_space<any>> -> memref<1x3072x768xf32, #tpu.memory_space<any>>
        %dma_wait3A_53 = tpu.memref_squeeze %dma_wait3A_52 : memref<1x3072x768xf32, #tpu.memory_space<any>> -> memref<3072x768xf32, #tpu.memory_space<any>>
        tpu.wait_dma2 semaphore(%arg10 : memref<!tpu.dma_semaphore, #tpu.memory_space<semaphore_mem>>) src(%dma_wait3A_53 : memref<3072x768xf32, #tpu.memory_space<any>>) dst(%dma_wait3A_49 : memref<3072x768xf32, #tpu.memory_space<vmem>>)
        %dma_wait3A_54 = arith.constant 0 : i32
        %dma_wait3A_55 = arith.constant 0 : i32
        %dma_wait3A_56 = arith.constant 0 : i32
        %dma_wait3A_57 = arith.constant 0 : i32
        %dma_wait3A_58 = tpu.memref_slice %arg9[%dma_wait3A_55, %dma_wait3A_56, %dma_wait3A_57] : memref<2x768x3072xf32, #tpu.memory_space<vmem>> -> memref<1x768x3072xf32, #tpu.memory_space<vmem>>
        %dma_wait3A_59 = tpu.memref_squeeze %dma_wait3A_58 : memref<1x768x3072xf32, #tpu.memory_space<vmem>> -> memref<768x3072xf32, #tpu.memory_space<vmem>>
        %dma_wait3A_60 = arith.constant 0 : i32
        %dma_wait3A_61 = arith.constant 0 : i32
        %dma_wait3A_62 = tpu.memref_slice %arg5[%dma_wait3A_54, %dma_wait3A_60, %dma_wait3A_61] : memref<8x768x3072xf32, #tpu.memory_space<any>> -> memref<1x768x3072xf32, #tpu.memory_space<any>>
        %dma_wait3A_63 = tpu.memref_squeeze %dma_wait3A_62 : memref<1x768x3072xf32, #tpu.memory_space<any>> -> memref<768x3072xf32, #tpu.memory_space<any>>
        tpu.wait_dma2 semaphore(%arg10 : memref<!tpu.dma_semaphore, #tpu.memory_space<semaphore_mem>>) src(%dma_wait3A_63 : memref<768x3072xf32, #tpu.memory_space<any>>) dst(%dma_wait3A_59 : memref<768x3072xf32, #tpu.memory_space<vmem>>)
        %ge3A = arith.constant 0 : i32
        %ge3A_64 = arith.cmpi sge, %get3A_13, %ge3A : i32
        %convert_element_type3A_65 = arith.extui %ge3A_64 : i1 to i32
        %cond3A_66 = arith.constant 0 : i32
        %cond3A_67 = arith.cmpi ne, %convert_element_type3A_65, %cond3A_66 : i32
        scf.if %cond3A_67 {
          %dma_start3A = arith.constant 1 : i32
          %dma_start3A_68 = arith.constant 0 : i32
          %dma_start3A_69 = arith.constant 0 : i32
          %dma_start3A_70 = tpu.memref_slice %arg7[%dma_start3A, %dma_start3A_68, %dma_start3A_69] : memref<2x3072x768xf32, #tpu.memory_space<vmem>> -> memref<1x3072x768xf32, #tpu.memory_space<vmem>>
          %dma_start3A_71 = tpu.memref_squeeze %dma_start3A_70 : memref<1x3072x768xf32, #tpu.memory_space<vmem>> -> memref<3072x768xf32, #tpu.memory_space<vmem>>
          %dma_start3A_72 = arith.constant 0 : i32
          %dma_start3A_73 = arith.constant 0 : i32
          %dma_start3A_74 = tpu.memref_slice %arg3[%get3A_13, %dma_start3A_72, %dma_start3A_73] : memref<8x3072x768xf32, #tpu.memory_space<any>> -> memref<1x3072x768xf32, #tpu.memory_space<any>>
          %dma_start3A_75 = tpu.memref_squeeze %dma_start3A_74 : memref<1x3072x768xf32, #tpu.memory_space<any>> -> memref<3072x768xf32, #tpu.memory_space<any>>
          tpu.enqueue_dma source(%dma_start3A_75 : memref<3072x768xf32, #tpu.memory_space<any>>) target(%dma_start3A_71 : memref<3072x768xf32, #tpu.memory_space<vmem>>) target_semaphore(%arg11 : memref<!tpu.dma_semaphore, #tpu.memory_space<semaphore_mem>>)
          %dma_start3A_76 = arith.constant 1 : i32
          %dma_start3A_77 = arith.constant 0 : i32
          %dma_start3A_78 = arith.constant 0 : i32
          %dma_start3A_79 = tpu.memref_slice %arg8[%dma_start3A_76, %dma_start3A_77, %dma_start3A_78] : memref<2x3072x768xf32, #tpu.memory_space<vmem>> -> memref<1x3072x768xf32, #tpu.memory_space<vmem>>
          %dma_start3A_80 = tpu.memref_squeeze %dma_start3A_79 : memref<1x3072x768xf32, #tpu.memory_space<vmem>> -> memref<3072x768xf32, #tpu.memory_space<vmem>>
          %dma_start3A_81 = arith.constant 0 : i32
          %dma_start3A_82 = arith.constant 0 : i32
          %dma_start3A_83 = tpu.memref_slice %arg4[%get3A_13, %dma_start3A_81, %dma_start3A_82] : memref<8x3072x768xf32, #tpu.memory_space<any>> -> memref<1x3072x768xf32, #tpu.memory_space<any>>
          %dma_start3A_84 = tpu.memref_squeeze %dma_start3A_83 : memref<1x3072x768xf32, #tpu.memory_space<any>> -> memref<3072x768xf32, #tpu.memory_space<any>>
          tpu.enqueue_dma source(%dma_start3A_84 : memref<3072x768xf32, #tpu.memory_space<any>>) target(%dma_start3A_80 : memref<3072x768xf32, #tpu.memory_space<vmem>>) target_semaphore(%arg11 : memref<!tpu.dma_semaphore, #tpu.memory_space<semaphore_mem>>)
          %dma_start3A_85 = arith.constant 1 : i32
          %dma_start3A_86 = arith.constant 0 : i32
          %dma_start3A_87 = arith.constant 0 : i32
          %dma_start3A_88 = tpu.memref_slice %arg9[%dma_start3A_85, %dma_start3A_86, %dma_start3A_87] : memref<2x768x3072xf32, #tpu.memory_space<vmem>> -> memref<1x768x3072xf32, #tpu.memory_space<vmem>>
          %dma_start3A_89 = tpu.memref_squeeze %dma_start3A_88 : memref<1x768x3072xf32, #tpu.memory_space<vmem>> -> memref<768x3072xf32, #tpu.memory_space<vmem>>
          %dma_start3A_90 = arith.constant 0 : i32
          %dma_start3A_91 = arith.constant 0 : i32
          %dma_start3A_92 = tpu.memref_slice %arg5[%get3A_13, %dma_start3A_90, %dma_start3A_91] : memref<8x768x3072xf32, #tpu.memory_space<any>> -> memref<1x768x3072xf32, #tpu.memory_space<any>>
          %dma_start3A_93 = tpu.memref_squeeze %dma_start3A_92 : memref<1x768x3072xf32, #tpu.memory_space<any>> -> memref<768x3072xf32, #tpu.memory_space<any>>
          tpu.enqueue_dma source(%dma_start3A_93 : memref<768x3072xf32, #tpu.memory_space<any>>) target(%dma_start3A_89 : memref<768x3072xf32, #tpu.memory_space<vmem>>) target_semaphore(%arg11 : memref<!tpu.dma_semaphore, #tpu.memory_space<semaphore_mem>>)
        } else {
        }
      } else {
      }
      %eq3A_30 = arith.constant 1 : i32
      %eq3A_31 = arith.cmpi eq, %get3A_5, %eq3A_30 : i32
      %convert_element_type3A_32 = arith.extui %eq3A_31 : i1 to i32
      %cond3A_33 = arith.constant 0 : i32
      %cond3A_34 = arith.cmpi ne, %convert_element_type3A_32, %cond3A_33 : i32
      scf.if %cond3A_34 {
        %dma_wait3A = arith.constant 0 : i32
        %dma_wait3A_35 = arith.constant 1 : i32
        %dma_wait3A_36 = arith.constant 0 : i32
        %dma_wait3A_37 = arith.constant 0 : i32
        %dma_wait3A_38 = tpu.memref_slice %arg7[%dma_wait3A_35, %dma_wait3A_36, %dma_wait3A_37] : memref<2x3072x768xf32, #tpu.memory_space<vmem>> -> memref<1x3072x768xf32, #tpu.memory_space<vmem>>
        %dma_wait3A_39 = tpu.memref_squeeze %dma_wait3A_38 : memref<1x3072x768xf32, #tpu.memory_space<vmem>> -> memref<3072x768xf32, #tpu.memory_space<vmem>>
        %dma_wait3A_40 = arith.constant 0 : i32
        %dma_wait3A_41 = arith.constant 0 : i32
        %dma_wait3A_42 = tpu.memref_slice %arg3[%dma_wait3A, %dma_wait3A_40, %dma_wait3A_41] : memref<8x3072x768xf32, #tpu.memory_space<any>> -> memref<1x3072x768xf32, #tpu.memory_space<any>>
        %dma_wait3A_43 = tpu.memref_squeeze %dma_wait3A_42 : memref<1x3072x768xf32, #tpu.memory_space<any>> -> memref<3072x768xf32, #tpu.memory_space<any>>
        tpu.wait_dma2 semaphore(%arg11 : memref<!tpu.dma_semaphore, #tpu.memory_space<semaphore_mem>>) src(%dma_wait3A_43 : memref<3072x768xf32, #tpu.memory_space<any>>) dst(%dma_wait3A_39 : memref<3072x768xf32, #tpu.memory_space<vmem>>)
        %dma_wait3A_44 = arith.constant 0 : i32
        %dma_wait3A_45 = arith.constant 1 : i32
        %dma_wait3A_46 = arith.constant 0 : i32
        %dma_wait3A_47 = arith.constant 0 : i32
        %dma_wait3A_48 = tpu.memref_slice %arg8[%dma_wait3A_45, %dma_wait3A_46, %dma_wait3A_47] : memref<2x3072x768xf32, #tpu.memory_space<vmem>> -> memref<1x3072x768xf32, #tpu.memory_space<vmem>>
        %dma_wait3A_49 = tpu.memref_squeeze %dma_wait3A_48 : memref<1x3072x768xf32, #tpu.memory_space<vmem>> -> memref<3072x768xf32, #tpu.memory_space<vmem>>
        %dma_wait3A_50 = arith.constant 0 : i32
        %dma_wait3A_51 = arith.constant 0 : i32
        %dma_wait3A_52 = tpu.memref_slice %arg4[%dma_wait3A_44, %dma_wait3A_50, %dma_wait3A_51] : memref<8x3072x768xf32, #tpu.memory_space<any>> -> memref<1x3072x768xf32, #tpu.memory_space<any>>
        %dma_wait3A_53 = tpu.memref_squeeze %dma_wait3A_52 : memref<1x3072x768xf32, #tpu.memory_space<any>> -> memref<3072x768xf32, #tpu.memory_space<any>>
        tpu.wait_dma2 semaphore(%arg11 : memref<!tpu.dma_semaphore, #tpu.memory_space<semaphore_mem>>) src(%dma_wait3A_53 : memref<3072x768xf32, #tpu.memory_space<any>>) dst(%dma_wait3A_49 : memref<3072x768xf32, #tpu.memory_space<vmem>>)
        %dma_wait3A_54 = arith.constant 0 : i32
        %dma_wait3A_55 = arith.constant 1 : i32
        %dma_wait3A_56 = arith.constant 0 : i32
        %dma_wait3A_57 = arith.constant 0 : i32
        %dma_wait3A_58 = tpu.memref_slice %arg9[%dma_wait3A_55, %dma_wait3A_56, %dma_wait3A_57] : memref<2x768x3072xf32, #tpu.memory_space<vmem>> -> memref<1x768x3072xf32, #tpu.memory_space<vmem>>
        %dma_wait3A_59 = tpu.memref_squeeze %dma_wait3A_58 : memref<1x768x3072xf32, #tpu.memory_space<vmem>> -> memref<768x3072xf32, #tpu.memory_space<vmem>>
        %dma_wait3A_60 = arith.constant 0 : i32
        %dma_wait3A_61 = arith.constant 0 : i32
        %dma_wait3A_62 = tpu.memref_slice %arg5[%dma_wait3A_54, %dma_wait3A_60, %dma_wait3A_61] : memref<8x768x3072xf32, #tpu.memory_space<any>> -> memref<1x768x3072xf32, #tpu.memory_space<any>>
        %dma_wait3A_63 = tpu.memref_squeeze %dma_wait3A_62 : memref<1x768x3072xf32, #tpu.memory_space<any>> -> memref<768x3072xf32, #tpu.memory_space<any>>
        tpu.wait_dma2 semaphore(%arg11 : memref<!tpu.dma_semaphore, #tpu.memory_space<semaphore_mem>>) src(%dma_wait3A_63 : memref<768x3072xf32, #tpu.memory_space<any>>) dst(%dma_wait3A_59 : memref<768x3072xf32, #tpu.memory_space<vmem>>)
        %ge3A = arith.constant 0 : i32
        %ge3A_64 = arith.cmpi sge, %get3A_13, %ge3A : i32
        %convert_element_type3A_65 = arith.extui %ge3A_64 : i1 to i32
        %cond3A_66 = arith.constant 0 : i32
        %cond3A_67 = arith.cmpi ne, %convert_element_type3A_65, %cond3A_66 : i32
        scf.if %cond3A_67 {
          %dma_start3A = arith.constant 0 : i32
          %dma_start3A_68 = arith.constant 0 : i32
          %dma_start3A_69 = arith.constant 0 : i32
          %dma_start3A_70 = tpu.memref_slice %arg7[%dma_start3A, %dma_start3A_68, %dma_start3A_69] : memref<2x3072x768xf32, #tpu.memory_space<vmem>> -> memref<1x3072x768xf32, #tpu.memory_space<vmem>>
          %dma_start3A_71 = tpu.memref_squeeze %dma_start3A_70 : memref<1x3072x768xf32, #tpu.memory_space<vmem>> -> memref<3072x768xf32, #tpu.memory_space<vmem>>
          %dma_start3A_72 = arith.constant 0 : i32
          %dma_start3A_73 = arith.constant 0 : i32
          %dma_start3A_74 = tpu.memref_slice %arg3[%get3A_13, %dma_start3A_72, %dma_start3A_73] : memref<8x3072x768xf32, #tpu.memory_space<any>> -> memref<1x3072x768xf32, #tpu.memory_space<any>>
          %dma_start3A_75 = tpu.memref_squeeze %dma_start3A_74 : memref<1x3072x768xf32, #tpu.memory_space<any>> -> memref<3072x768xf32, #tpu.memory_space<any>>
          tpu.enqueue_dma source(%dma_start3A_75 : memref<3072x768xf32, #tpu.memory_space<any>>) target(%dma_start3A_71 : memref<3072x768xf32, #tpu.memory_space<vmem>>) target_semaphore(%arg10 : memref<!tpu.dma_semaphore, #tpu.memory_space<semaphore_mem>>)
          %dma_start3A_76 = arith.constant 0 : i32
          %dma_start3A_77 = arith.constant 0 : i32
          %dma_start3A_78 = arith.constant 0 : i32
          %dma_start3A_79 = tpu.memref_slice %arg8[%dma_start3A_76, %dma_start3A_77, %dma_start3A_78] : memref<2x3072x768xf32, #tpu.memory_space<vmem>> -> memref<1x3072x768xf32, #tpu.memory_space<vmem>>
          %dma_start3A_80 = tpu.memref_squeeze %dma_start3A_79 : memref<1x3072x768xf32, #tpu.memory_space<vmem>> -> memref<3072x768xf32, #tpu.memory_space<vmem>>
          %dma_start3A_81 = arith.constant 0 : i32
          %dma_start3A_82 = arith.constant 0 : i32
          %dma_start3A_83 = tpu.memref_slice %arg4[%get3A_13, %dma_start3A_81, %dma_start3A_82] : memref<8x3072x768xf32, #tpu.memory_space<any>> -> memref<1x3072x768xf32, #tpu.memory_space<any>>
          %dma_start3A_84 = tpu.memref_squeeze %dma_start3A_83 : memref<1x3072x768xf32, #tpu.memory_space<any>> -> memref<3072x768xf32, #tpu.memory_space<any>>
          tpu.enqueue_dma source(%dma_start3A_84 : memref<3072x768xf32, #tpu.memory_space<any>>) target(%dma_start3A_80 : memref<3072x768xf32, #tpu.memory_space<vmem>>) target_semaphore(%arg10 : memref<!tpu.dma_semaphore, #tpu.memory_space<semaphore_mem>>)
          %dma_start3A_85 = arith.constant 0 : i32
          %dma_start3A_86 = arith.constant 0 : i32
          %dma_start3A_87 = arith.constant 0 : i32
          %dma_start3A_88 = tpu.memref_slice %arg9[%dma_start3A_85, %dma_start3A_86, %dma_start3A_87] : memref<2x768x3072xf32, #tpu.memory_space<vmem>> -> memref<1x768x3072xf32, #tpu.memory_space<vmem>>
          %dma_start3A_89 = tpu.memref_squeeze %dma_start3A_88 : memref<1x768x3072xf32, #tpu.memory_space<vmem>> -> memref<768x3072xf32, #tpu.memory_space<vmem>>
          %dma_start3A_90 = arith.constant 0 : i32
          %dma_start3A_91 = arith.constant 0 : i32
          %dma_start3A_92 = tpu.memref_slice %arg5[%get3A_13, %dma_start3A_90, %dma_start3A_91] : memref<8x768x3072xf32, #tpu.memory_space<any>> -> memref<1x768x3072xf32, #tpu.memory_space<any>>
          %dma_start3A_93 = tpu.memref_squeeze %dma_start3A_92 : memref<1x768x3072xf32, #tpu.memory_space<any>> -> memref<768x3072xf32, #tpu.memory_space<any>>
          tpu.enqueue_dma source(%dma_start3A_93 : memref<768x3072xf32, #tpu.memory_space<any>>) target(%dma_start3A_89 : memref<768x3072xf32, #tpu.memory_space<vmem>>) target_semaphore(%arg10 : memref<!tpu.dma_semaphore, #tpu.memory_space<semaphore_mem>>)
        } else {
        }
      } else {
      }
    } else {
    }
    %lt3A = arith.cmpi slt, %arg0, %get3A_2 : i32
    %convert_element_type3A_22 = arith.extui %lt3A : i1 to i32
    %cond3A_23 = arith.constant 0 : i32
    %cond3A_24 = arith.cmpi ne, %convert_element_type3A_22, %cond3A_23 : i32
    scf.if %cond3A_24 {
      %get3A_25 = arith.constant 0 : index
      %get3A_26 = arith.constant 0 : index
      %get3A_27 = vector.load %arg2[%get3A_25, %get3A_26] : memref<256x768xf32, #tpu.memory_space<vmem>>, vector<256x768xf32>
      %get3A_28 = arith.index_cast %get3A_5 : i32 to index
      %get3A_29 = arith.constant 0 : index
      %get3A_30 = arith.constant 0 : index
      %get3A_31 = vector.load %arg7[%get3A_28, %get3A_29, %get3A_30] : memref<2x3072x768xf32, #tpu.memory_space<vmem>>, vector<1x3072x768xf32>
      %get3A_32 = vector.shape_cast %get3A_31 : vector<1x3072x768xf32> to vector<3072x768xf32>
      %dot_general3A = arith.constant dense<0.000000e+00> : vector<256x3072xf32>
      %dot_general3A_33 = tpu.matmul %get3A_27, %get3A_32, %dot_general3A {dimension_numbers = #tpu.dot_dimension_numbers<[1], [1], [0], [0], [0, 0, 1, 0], [], []>, transpose_lhs_hint = false} : vector<256x768xf32>, vector<3072x768xf32>, vector<256x3072xf32> -> vector<256x3072xf32>
      %get3A_34 = arith.index_cast %get3A_5 : i32 to index
      %get3A_35 = arith.constant 0 : index
      %get3A_36 = arith.constant 0 : index
      %get3A_37 = vector.load %arg8[%get3A_34, %get3A_35, %get3A_36] : memref<2x3072x768xf32, #tpu.memory_space<vmem>>, vector<1x3072x768xf32>
      %get3A_38 = vector.shape_cast %get3A_37 : vector<1x3072x768xf32> to vector<3072x768xf32>
      %dot_general3A_39 = arith.constant dense<0.000000e+00> : vector<256x3072xf32>
      %dot_general3A_40 = tpu.matmul %get3A_27, %get3A_38, %dot_general3A_39 {dimension_numbers = #tpu.dot_dimension_numbers<[1], [1], [0], [0], [0, 0, 1, 0], [], []>, transpose_lhs_hint = false} : vector<256x768xf32>, vector<3072x768xf32>, vector<256x3072xf32> -> vector<256x3072xf32>
      %logistic3A = arith.negf %dot_general3A_33 : vector<256x3072xf32>
      %logistic3A_41 = math.exp %logistic3A : vector<256x3072xf32>
      %logistic3A_42 = arith.constant 1.000000e+00 : f32
      %logistic3A_43 = vector.broadcast %logistic3A_42 : f32 to vector<256x3072xf32>
      %logistic3A_44 = arith.addf %logistic3A_43, %logistic3A_41 : vector<256x3072xf32>
      %logistic3A_45 = arith.divf %logistic3A_43, %logistic3A_44 : vector<256x3072xf32>
      %mul3A = arith.mulf %dot_general3A_33, %logistic3A_45 : vector<256x3072xf32>
      %mul3A_46 = arith.mulf %mul3A, %dot_general3A_40 : vector<256x3072xf32>
      %get3A_47 = arith.index_cast %get3A_5 : i32 to index
      %get3A_48 = arith.constant 0 : index
      %get3A_49 = arith.constant 0 : index
      %get3A_50 = vector.load %arg9[%get3A_47, %get3A_48, %get3A_49] : memref<2x768x3072xf32, #tpu.memory_space<vmem>>, vector<1x768x3072xf32>
      %get3A_51 = vector.shape_cast %get3A_50 : vector<1x768x3072xf32> to vector<768x3072xf32>
      %dot_general3A_52 = arith.constant dense<0.000000e+00> : vector<256x768xf32>
      %dot_general3A_53 = tpu.matmul %mul3A_46, %get3A_51, %dot_general3A_52 {dimension_numbers = #tpu.dot_dimension_numbers<[1], [1], [0], [0], [0, 0, 1, 0], [], []>, transpose_lhs_hint = false} : vector<256x3072xf32>, vector<768x3072xf32>, vector<256x768xf32> -> vector<256x768xf32>
      %swap3A = arith.constant 0 : index
      %swap3A_54 = arith.constant 0 : index
      %swap3A_55 = vector.load %arg6[%swap3A, %swap3A_54] : memref<256x768xf32, #tpu.memory_space<vmem>>, vector<256x768xf32>
      tpu.vector_store %arg6[%swap3A, %swap3A_54], %dot_general3A_53 {strides = array<i32>} : memref<256x768xf32, #tpu.memory_space<vmem>>, vector<256x768xf32>,
    } else {
    }
    return
  }
  func.func @transform_0(%arg0: i32, %arg1: memref<128xi32, #tpu.memory_space<smem>>) -> (i32, i32) {
    %c0_i32 = arith.constant 0 : i32
    %c0_i32_0 = arith.constant 0 : i32
    return %arg0, %c0_i32 : i32, i32
  }
  func.func @transform_4(%arg0: i32, %arg1: memref<128xi32, #tpu.memory_space<smem>>) -> (i32, i32) {
    %c0_i32 = arith.constant 0 : i32
    %c0_i32_0 = arith.constant 0 : i32
    return %arg0, %c0_i32 : i32, i32
  }
}

</mosaic_0001>

<sc_bundles>
// kernel: kernel.6.cloned.1.call-start
scs
__scs_entry_jumppad:
0x0: {  	(pc) =	sbr.rel $0x88, $3  }
0x1: {  	(tag) =	ssettag $0x0;
	lr =	simm.s32 $0x1  }
0x2: {  	[smem:$0x3F9B] =	sst lr;
	_ =	strace $0xD0000000  }
0x3: {  	_ = 	snop  }
0x4: {  	_ = 	snop  }
0x5: {  	_ = 	snop  }
0x6: {  	_ = 	snop  }
0x7: {  	_ = 	snop  }
__scs_overlays_trampoline_lowered:
0x8: {  	[smem:$0x3FAA] =	sst s0  }
0x9: {  	[smem:$0x3FAB] =	sst s1  }
0xa: {  	[smem:$0x3FAC] =	sst s2  }
0xb: {  	[smem:$0x3FAD] =	sst s3  }
0xc: {  	[smem:$0x3FAE] =	sst s4  }
0xd: {  	[smem:$0x3FAF] =	sst s5  }
0xe: {  	[smem:$0x3FB0] =	sst s6  }
0xf: {  	[smem:$0x3FB1] =	sst s7  }
0x10: {  	[smem:$0x3FB2] =	sst s8  }
0x11: {  	[smem:$0x3FB3] =	sst s9;
	s0 =	simm.s32 @!p0 $0x0  }
0x12: {  	s1 =	sld [smem:$0x3F99];
	s0 =	simm.s32 @p0 $0x1  }
0x13: {  	[smem:$0x3FB4] =	sst s0;
	s0 =	simm.s32 @!p1 $0x0  }
0x14: {  	s2 =	sld [smem:$0x3F98];
	s0 =	simm.s32 @p1 $0x1  }
0x15: {  	[smem:$0x3FB5] =	sst s0;
	s0 =	simm.s32 @!p2 $0x0  }
0x16: {  	s3 =	sld [smem:$0x3FDB];
	s0 =	simm.s32 @p2 $0x1  }
0x17: {  	s4 =	simm.s32 $0x1BF5;
	[smem:$0x3FB7] =	sst s0  }
0x18: {  	s0 =	sld [smem:$0x3F9A];
	_ =	swait.ge [sflag:s4], $0x0  }
0x19: {  	s7 =	sld [smem:$0x3F9B]  }
0x1a: {  	s8 =	sadd.s32 $0xFFFFE003, lr  }
0x1b: {  	s9 =	sadd.s32 $0xFFFFFEF7, lr;
	s5 =	simm.s32 $0xFFFFFFFF;
	p2 =	slt.u32 s8, $0xFFFFF086  }
0x1c: {  	p1 =	slt.u32 s9, $0xF7A;
	s5 =	simm.s32 @!p2 $0x0  }
0x1d: {  	s5 =	simm.s32 @p1 $0x1;
	p0 =	seq.s32 s7, s2  }
0x1e: {  	s7 =	smul.u32 @!p0 $0xF7A, s2;
	p2 =	seq.s32 @!p0 s5, $0x0  }
0x1f: {  	s9 =	smul.u32 $0xF7A, s1;
	s8 =	simm.s32 @!p0 $0x1BF5;
	p2 =	por !p2, p0  }
0x20: {  	[sflag:s8] =	ssyncset.s32 @!p0 $0xFFFFF086;
	s6 =	sadd.s32 @!p0 s3, s7;
	s7 =	simm.s32 @!p0 $0x108  }
0x21: {  	s3 =	sadd.s32 s3, s9;
	s6 =	sadd.s32 @!p0 $0x88, s6;
	s7 =	simm.s32 @p2 $0x1082  }
0x22: {  	[simem:s7], [sflag:s8] =	dma.local @!p0 [hbm:s6], $0xF7A  }
0x23: {  	s9 =	sor.u32 $0xD0000000, s2;
	s6 =	simm.s32 $0x108;
	_ =	swait.ge @!p0 [sflag:s8], $0x0  }
0x24: {  	s3 =	sadd.s32 $0x88, s3;
	s6 =	simm.s32 @!p1 $0x1082;
	[sflag:s4] =	ssyncset.s32 $0xFFFFF086  }
0x25: {  	[simem:s6], [sflag:s4] =	dma.local [hbm:s3], $0xF7A  }
0x26: {  	[smem:$0x3F9B] =	sst s1;
	(tag) =	ssettag s2;
	_ =	strace s9  }
0x27: {  	s1 =	sld [smem:$0x3FAB]  }
0x28: {  	s2 =	sld [smem:$0x3FAC]  }
0x29: {  	s4 =	sld [smem:$0x3FAE]  }
0x2a: {  	p0 =	seq.s32 s5, $0x0;
	s5 =	sld [smem:$0x3FAF]  }
0x2b: {  	s6 =	sld [smem:$0x3FB0]  }
0x2c: {  	s7 =	sld [smem:$0x3FB1]  }
0x2d: {  	s3 =	simm.s32 $0x108;
	s8 =	sld [smem:$0x3FB2]  }
0x2e: {  	s3 =	simm.s32 @!p0 $0x1082;
	s9 =	sld [smem:$0x3FB3]  }
0x2f: {  	lr =	sadd.s32 s0, s3;
	s0 =	sld [smem:$0x3FAA]  }
0x30: {  	s3 =	sld [smem:$0x3FAD]  }
0x31: {  	[smem:$0x3FB6] =	sst s10  }
0x32: {  	s10 =	sld [smem:$0x3FB4];
	_ =	sdelay $0x3  }
0x33: {  	p0 =	seq.s32 s10, $0x1;
	s10 =	sld [smem:$0x3FB6];
	_ =	sdelay $0x3  }
0x34: {  	[smem:$0x3FB6] =	sst s10  }
0x35: {  	s10 =	sld [smem:$0x3FB5];
	_ =	sdelay $0x3  }
0x36: {  	p1 =	seq.s32 s10, $0x1;
	s10 =	sld [smem:$0x3FB6];
	_ =	sdelay $0x3  }
0x37: {  	[smem:$0x3FB6] =	sst s10  }
0x38: {  	s10 =	sld [smem:$0x3FB7]  }
0x39: {  	_ = 	snop;
	(pc) =	sbr.ind lr, $3  }
0x3a: {  	_ = 	snop  }
0x3b: {  	_ = 	snop  }
0x3c: {  	p2 =	seq.s32 s10, $0x1;
	s10 =	sld [smem:$0x3FB6]  }
0x3d: {  	_ =	shalt  }
0x3e: {  	_ =	shalt  }
0x3f: {  	_ =	shalt  }
0x40: {  	_ =	shalt  }
0x41: {  	_ =	shalt  }
0x42: {  	_ =	shalt  }
0x43: {  	_ =	shalt  }
0x44: {  	_ =	shalt  }
0x45: {  	_ =	shalt  }
0x46: {  	_ =	shalt  }
0x47: {  	_ =	shalt  }
0x48: {  	_ =	shalt  }
0x49: {  	_ =	shalt  }
0x4a: {  	_ =	shalt  }
0x4b: {  	_ =	shalt  }
0x4c: {  	_ =	shalt  }
0x4d: {  	_ =	shalt  }
0x4e: {  	_ =	shalt  }
0x4f: {  	_ =	shalt  }
0x50: {  	_ =	shalt  }
0x51: {  	_ =	shalt  }
0x52: {  	_ =	shalt  }
0x53: {  	_ =	shalt  }
0x54: {  	_ =	shalt  }
0x55: {  	_ =	shalt  }
0x56: {  	_ =	shalt  }
0x57: {  	_ =	shalt  }
0x58: {  	_ =	shalt  }
0x59: {  	_ =	shalt  }
0x5a: {  	_ =	shalt  }
0x5b: {  	_ =	shalt  }
0x5c: {  	_ =	shalt  }
0x5d: {  	_ =	shalt  }
0x5e: {  	_ =	shalt  }
0x5f: {  	_ =	shalt  }
0x60: {  	_ =	shalt  }
0x61: {  	_ =	shalt  }
0x62: {  	_ =	shalt  }
0x63: {  	_ =	shalt  }
0x64: {  	_ =	shalt  }
0x65: {  	_ =	shalt  }
0x66: {  	_ =	shalt  }
0x67: {  	_ =	shalt  }
0x68: {  	_ =	shalt  }
0x69: {  	_ =	shalt  }
0x6a: {  	_ =	shalt  }
0x6b: {  	_ =	shalt  }
0x6c: {  	_ =	shalt  }
0x6d: {  	_ =	shalt  }
0x6e: {  	_ =	shalt  }
0x6f: {  	_ =	shalt  }
0x70: {  	_ =	shalt  }
0x71: {  	_ =	shalt  }
0x72: {  	_ =	shalt  }
0x73: {  	_ =	shalt  }
0x74: {  	_ =	shalt  }
0x75: {  	_ =	shalt  }
0x76: {  	_ =	shalt  }
0x77: {  	_ =	shalt  }
0x78: {  	_ =	shalt  }
0x79: {  	_ =	shalt  }
0x7a: {  	_ =	shalt  }
0x7b: {  	_ =	shalt  }
0x7c: {  	_ =	shalt  }
0x7d: {  	_ =	shalt  }
0x7e: {  	_ =	shalt  }
0x7f: {  	_ =	shalt  }
0x80: {  	_ =	shalt  }
0x81: {  	_ =	shalt  }
0x82: {  	_ =	shalt  }
0x83: {  	_ =	shalt  }
0x84: {  	_ =	shalt  }
0x85: {  	_ =	shalt  }
0x86: {  	_ =	shalt  }
0x87: {  	_ =	shalt  }
.Lfunc_end0:
.L_simem_size_0:
called_computation_lowered:
.L_overlay_start_0:
0x88: {  	s2 =	sld [smem:$0x3FD9]  }
0x89: {  	s3 =	sld [smem:$0x3FFE];
	_ =	sdelay $0x1  }
0x8a: {  	s1 =	srdreg.scid  }
0x8b: {  	s0 =	sand.u32 $0x1, s1  }
0x8c: {  	s17 =	sshll.u32 s0, $0xA;
	s2 =	sadd.s32 s3, s2  }
0x8d: {  	s2 =	sadd.s32 s2, s17  }
0x8e: {  	[smem:$0x3FC2] =	sst s2  }
0x8f: {  	_ = 	snop  }
0x90: {  	s2 =	sld [smem:$0x3FC9];
	(tm) =	ssettm $0x1  }
0x91: {  	s18 =	sld [smem:$0x3FFB];
	_ =	sdelay $0x3  }
0x92: {  	_ =	strace s18  }
0x93: {  	s3 =	sld [smem:$0x3FFC];
	_ =	sdelay $0x3  }
0x94: {  	_ =	strace s3  }
0x95: {  	s3 =	sld [smem:$0x3FFD];
	_ =	sdelay $0x3  }
0x96: {  	_ =	strace s3  }
0x97: {  	_ =	strace $0x8FFFFFFF  }
0x98: {  	s19 =	sld [smem:$0x3FDB];
	_ =	sdelay $0x1  }
0x99: {  	s4 =	simm.s32 $_scs_section_size  }
0x9a: {  	s5 =	simm.s32 $_size__tile_overlayer_lowered;
	s6 =	simm.s32 $_tile_overlayer_lowered  }
0x9b: {  	s22 =	simm.s32 $0x1BFF;
	s21 =	sshll.u32 s6, $0x1;
	s3 =	sadd.s32 s4, s19  }
0x9c: {  	s7 =	simm.s32 $0x0;
	s20 =	sshll.u32 s5, $0x1;
	s5 =	sadd.s32 s21, s3  }
0x9d: {  	[timem:s7], [sflag:s22] =	dma.local [hbm:s5], s20  }
0x9e: {  	_ =	swait.ge [sflag:s22], s20  }
0x9f: {  	s4 =	ssub.s32 $0x0, s20;
	[sflag:s22] =	ssyncset.done $0x0  }
0xa0: {  	[sflag:s22] =	ssyncadd.s32 s4;
	_ =	sdelay $0x1  }
0xa1: {  	s23 =	simm.s32 $0x1B8B  }
0xa2: {  	_ =	swait.ge [sflag:s23], $0x1  }
0xa3: {  	[sflag:s23] =	ssyncset.done $0x0  }
0xa4: {  	s25 =	simm.s32 $0x1B8E;
	s24 =	sld [smem:$0x3FFE];
	[sflag:s23] =	ssyncadd.s32 $0xFFFFFFFF  }
0xa5: {  	s26 =	simm.s32 $execute0_lowered;
	[smem:$0x3FD2] =	sst s25  }
0xa6: {  	s5 =	sshll.u32 s26, $0x1;
	_ =	strace $0x80000046;
	[dreg:$0x1] =	wrdreg $0xFFFFFFFF  }
0xa7: {  	s28 =	simm.s32 $_size_execute0_lowered;
	s3 =	sadd.s32 s3, s5;
	[dreg:$0x0] =	wrdreg $0x0  }
0xa8: {  	s5 =	sshll.u32 s28, $0x1;
	[dreg:$0x2] =	wrdreg s3  }
0xa9: {  	[dreg:$0x3] =	wrdreg s5  }
0xaa: {  	[dreg:$0x4] =	wrdreg $0xC0  }
0xab: {  	_ =	task [dreg:s7], $0x5FFFF  }
0xac: {  	[dreg:$0x1] =	wrdreg $0xFFFFFFFF  }
0xad: {  	[dreg:$0x0] =	wrdreg $0x60  }
0xae: {  	[dreg:$0x2] =	wrdreg s2  }
0xaf: {  	[dreg:$0x3] =	wrdreg s24  }
0xb0: {  	[dreg:$0x4] =	wrdreg $0x9  }
0xb1: {  	_ =	task.clear_ibuf [dreg:s7], $0x5FFFF;
	_ =	strace $0x90000046  }
0xb2: {  	s29 =	simm.s32 $0x9;
	_ =	strace $0x80000048  }
0xb3: {  	_ =	swait.ge [sflag:s29], $0x1  }
0xb4: {  	[sflag:s29] =	ssyncadd.s32 $0xFFFFFFFF  }
0xb5: {  	_ =	strace $0x90000048  }
0xb6: {  	_ =	sfence  }
0xb7: {  	s30 =	sld [smem:$0x0];
	_ =	sdelay $0x2  }
0xb8: {  	s31 =	sshll.u32 s1, $0xD;
	s1 =	sshrl.u32 s1, $0x2  }
0xb9: {  	s3 =	sand.u32 $0x4000, s31;
	s1 =	sadd.s32 s1, s30  }
0xba: {  	s0 =	sor.u32 s3, s0;
	s1 =	sshll.u32 s1, $0x11  }
0xbb: {  	s0 =	sor.u32 s1, s0  }
0xbc: {  	s0 =	sadd.s32 $0x8F2B, s0  }
0xbd: {  	[sflag:s0] =	ssyncadd.remote.s32 $0x1  }
0xbe: {  	_ =	sfence.sel $0xFFFF  }
0xbf: {  	[dreg:$0x0] =	wrdreg $0xFFFFFFFF;
	(pc) =	sbr.abs _section_cstart, $3  }
0xc0: {  	[dreg:$0x1] =	wrdreg $0xFFFFFFFF  }
0xc1: {  	_ =	task.clear_ibuf [dreg:s7], $0x2FFFF;
	_ =	strace $0x9FFFFFFF  }
0xc2: {  	(tm) =	ssettm $0x7FFFFFFF  }
0xc3: {  	_ =	shalt  }
tec
execute0_lowered:
.L_overlay_start_1:
0x0: {  	(tag) =	ssettag $0x1  }
0x1: {  	s1 =	srdreg.scid  }
0x2: {  	s3 =	rddreg [dreg:$0x0];
	s0 =	stileid.u32  }
0x3: {  	s5 =	rddreg [dreg:$0x1];
	s2 =	simm.s32 $0x0;
	s26 =	simm.s32 $0x80  }
0x4: {  	s8 =	simm.s32 $0x1;
	s11 =	simm.s32 $0x1900;
	s12 =	simm.s32 $0x2100  }
0x5: {  	s13 =	simm.s32 $0x2900;
	s14 =	simm.s32 $0x3100;
	s15 =	simm.s32 $0x3900  }
0x6: {  	s16 =	simm.s32 $0x4100;
	s17 =	simm.s32 $0x4900;
	s18 =	simm.s32 $0x5100  }
0x7: {  	s19 =	simm.s32 $0x5900;
	s20 =	simm.s32 $0x6100;
	s21 =	simm.s32 $0x6900  }
0x8: {  	s22 =	simm.s32 $0x7100;
	s23 =	simm.s32 $0x7900;
	s24 =	simm.s32 $0x8100  }
0x9: {  	s28 =	simm.s32 $0x9900;
	s29 =	simm.s32 $0xA100;
	s30 =	simm.s32 $0xA900  }
0xa: {  	s31 =	simm.s32 $0xB100;
	s1 =	sand.u32 $0x1, s1;
	[smem:$0x7FF] =	sst s2  }
0xb: {  	s4 =	sshll.u32 s0, $0x4;
	s6 =	sshll.u32 s1, $0x3;
	_ =	strace $0x80000047  }
0xc: {  	s1 =	ssub.s32 $0x2, s1;
	[dreg:$0x6] =	wrdreg s26;
	s4 =	sor.u32 s6, s4  }
0xd: {  	s26 =	simm.s32 $0x9100;
	s25 =	sshrl.u32 s1, $0x1;
	s6 =	sadd.s32 s4, s5  }
0xe: {  	s4 =	smul.u32 $0x300, s4;
	s1 =	ssub.s32 s1, s25;
	s7 =	sadd.s32 $0x19000, s6  }
0xf: {  	s25 =	simm.s32 $0x8900;
	s6 =	sadd.s32 $0x19200, s6;
	[dreg:$0x3] =	wrdreg s7  }
0x10: {  	v2 =	vlaneseq.u32;
	[dreg:$0x4] =	wrdreg s6;
	s4 =	sadd.s32 s3, s4;
	s3 =	sadd.s32 $0x19400, s5  }
0x11: {  	vm0 =	vmmov $0xffff;
	v1 =	vshrl.u32 v2, $0x3;
	s6 =	smax.u32 s1, $0x1;
	s7 =	simm.s32 $0x100;
	s1 =	simm.s32 $0xB900  }
0x12: {  	v0 =	vand.u32 $0x7, v2;
	v2 =	vor.u32 $0x8, v2;
	v1 =	vmul.u32 $0x8, v1;
	[dreg:$0x5] =	wrdreg s4;
	s4 =	sadd.s32 $0x19500, s5;
	s5 =	sadd.s32 $0x19600, s5  }
.LBB2_1:
0x13: {  	s0 =	rddreg [dreg:$0x3]  }
0x14: {  	s9 =	rddreg [dreg:$0x4]  }
0x15: {  	[tilespmem:s2], [sflag:$0x1] =	stream.linear.gather [hbm4b:s0+s2], $0x40, $0x38;
	[tilespmem:$0xC100] =	vst v63  }
0x16: {  	s10 =	rddreg [dreg:$0x6]  }
0x17: {  	[tilespmem:s10], [sflag:$0x1] =	stream.linear.gather [hbm4b:s9+s2], $0x40, $0x38;
	[tilespmem:$0xC100] =	vst v63  }
0x18: {  	s0 =	rddreg [dreg:$0x5]  }
0x19: {  	[tilespmem:s7], [sflag:$0x1] =	stream.linear.gather [hbm4b:s0+s2], $0xC000, $0x38;
	[tilespmem:$0xC100] =	vst v63  }
0x1a: {  	_ =	swait.ge [sflag:s8], $0x40  }
0x1b: {  	[sflag:s8] =	ssyncset.done $0x0  }
0x1c: {  	[sflag:s8] =	ssyncadd.s32 $0xFFFFFFC0  }
0x1d: {  	_ =	swait.ge [sflag:s8], $0x40  }
0x1e: {  	[sflag:s8] =	ssyncset.done $0x0  }
0x1f: {  	[sflag:s8] =	ssyncadd.s32 $0xFFFFFFC0  }
0x20: {  	_ =	swait.ge [sflag:s8], $0xC000  }
0x21: {  	[sflag:s8] =	ssyncset.done $0x0  }
0x22: {  	[sflag:s8] =	ssyncadd.s32 $0xFFFF4000  }
0x23: {  	v3 =	vld [tilespmem:$0x0];
	_ =	sdelay $0x4  }
0x24: {  	v4 =	vshrl.u32 v3, $0x3  }
0x25: {  	v4 =	vmul.u32 $0x30, v4  }
0x26: {  	v3 =	vand.u32 $0x7, v3  }
0x27: {  	v3 =	vor.u32 v3, v4  }
0x28: {  	v4 =	vperm.xlane v3, v0;
	_ =	sdelay $0x1  }
0x29: {  	v4 =	vadd.s32 v1, v4;
	_ =	sdelay $0x3  }
0x2a: {  	v3 =	vperm.xlane v3, v2  }
0x2b: {  	[hbm4b:s3+s2] =	stream.indirect_vreg.scatter [tilespmem:s7], [sflag:$0x1], $0x80, v4, vm0, $0xb8;
	[tilespmem:$0xC100] =	vst v63  }
0x2c: {  	s9 =	simm.s32 $0x900;
	v3 =	vadd.s32 v1, v3  }
0x2d: {  	[hbm4b:s4+s2] =	stream.indirect_vreg.scatter [tilespmem:s9], [sflag:$0x1], $0x80, v4, vm0, $0xb8;
	[tilespmem:$0xC100] =	vst v63  }
0x2e: {  	s10 =	simm.s32 $0x1100  }
0x2f: {  	[hbm4b:s5+s2] =	stream.indirect_vreg.scatter [tilespmem:s10], [sflag:$0x1], $0x80, v4, vm0, $0xb8;
	[tilespmem:$0xC100] =	vst v63  }
0x30: {  	_ = 	snop  }
0x31: {  	[hbm4b:s3+s2] =	stream.indirect_vreg.scatter [tilespmem:s11], [sflag:$0x1], $0x80, v3, vm0, $0xb8;
	[tilespmem:$0xC100] =	vst v63  }
0x32: {  	_ = 	snop  }
0x33: {  	[hbm4b:s4+s2] =	stream.indirect_vreg.scatter [tilespmem:s12], [sflag:$0x1], $0x80, v3, vm0, $0xb8;
	[tilespmem:$0xC100] =	vst v63  }
0x34: {  	_ = 	snop  }
0x35: {  	[hbm4b:s5+s2] =	stream.indirect_vreg.scatter [tilespmem:s13], [sflag:$0x1], $0x80, v3, vm0, $0xb8;
	[tilespmem:$0xC100] =	vst v63  }
0x36: {  	v3 =	vld [tilespmem:$0x10];
	_ =	sdelay $0x4  }
0x37: {  	v57 =	vshrl.u32 v3, $0x3  }
0x38: {  	v4 =	vmul.u32 $0x30, v57  }
0x39: {  	v3 =	vand.u32 $0x7, v3  }
0x3a: {  	v3 =	vor.u32 v3, v4  }
0x3b: {  	v4 =	vperm.xlane v3, v0;
	_ =	sdelay $0x1  }
0x3c: {  	v4 =	vadd.s32 v1, v4;
	_ =	sdelay $0x3  }
0x3d: {  	v3 =	vperm.xlane v3, v2  }
0x3e: {  	[hbm4b:s3+s2] =	stream.indirect_vreg.scatter [tilespmem:s14], [sflag:$0x1], $0x80, v4, vm0, $0xb8;
	[tilespmem:$0xC100] =	vst v63  }
0x3f: {  	v3 =	vadd.s32 v1, v3  }
0x40: {  	[hbm4b:s4+s2] =	stream.indirect_vreg.scatter [tilespmem:s15], [sflag:$0x1], $0x80, v4, vm0, $0xb8;
	[tilespmem:$0xC100] =	vst v63  }
0x41: {  	_ = 	snop  }
0x42: {  	[hbm4b:s5+s2] =	stream.indirect_vreg.scatter [tilespmem:s16], [sflag:$0x1], $0x80, v4, vm0, $0xb8;
	[tilespmem:$0xC100] =	vst v63  }
0x43: {  	_ = 	snop  }
0x44: {  	[hbm4b:s3+s2] =	stream.indirect_vreg.scatter [tilespmem:s17], [sflag:$0x1], $0x80, v3, vm0, $0xb8;
	[tilespmem:$0xC100] =	vst v63  }
0x45: {  	_ = 	snop  }
0x46: {  	[hbm4b:s4+s2] =	stream.indirect_vreg.scatter [tilespmem:s18], [sflag:$0x1], $0x80, v3, vm0, $0xb8;
	[tilespmem:$0xC100] =	vst v63  }
0x47: {  	_ = 	snop  }
0x48: {  	[hbm4b:s5+s2] =	stream.indirect_vreg.scatter [tilespmem:s19], [sflag:$0x1], $0x80, v3, vm0, $0xb8;
	[tilespmem:$0xC100] =	vst v63  }
0x49: {  	v3 =	vld [tilespmem:$0x20];
	_ =	sdelay $0x4  }
0x4a: {  	v58 =	vshrl.u32 v3, $0x3  }
0x4b: {  	v4 =	vmul.u32 $0x30, v58  }
0x4c: {  	v3 =	vand.u32 $0x7, v3  }
0x4d: {  	v3 =	vor.u32 v3, v4  }
0x4e: {  	v4 =	vperm.xlane v3, v0;
	_ =	sdelay $0x1  }
0x4f: {  	v4 =	vadd.s32 v1, v4;
	_ =	sdelay $0x3  }
0x50: {  	v3 =	vperm.xlane v3, v2  }
0x51: {  	[hbm4b:s3+s2] =	stream.indirect_vreg.scatter [tilespmem:s20], [sflag:$0x1], $0x80, v4, vm0, $0xb8;
	[tilespmem:$0xC100] =	vst v63  }
0x52: {  	v3 =	vadd.s32 v1, v3  }
0x53: {  	[hbm4b:s4+s2] =	stream.indirect_vreg.scatter [tilespmem:s21], [sflag:$0x1], $0x80, v4, vm0, $0xb8;
	[tilespmem:$0xC100] =	vst v63  }
0x54: {  	_ = 	snop  }
0x55: {  	[hbm4b:s5+s2] =	stream.indirect_vreg.scatter [tilespmem:s22], [sflag:$0x1], $0x80, v4, vm0, $0xb8;
	[tilespmem:$0xC100] =	vst v63  }
0x56: {  	_ = 	snop  }
0x57: {  	[hbm4b:s3+s2] =	stream.indirect_vreg.scatter [tilespmem:s23], [sflag:$0x1], $0x80, v3, vm0, $0xb8;
	[tilespmem:$0xC100] =	vst v63  }
0x58: {  	_ = 	snop  }
0x59: {  	[hbm4b:s4+s2] =	stream.indirect_vreg.scatter [tilespmem:s24], [sflag:$0x1], $0x80, v3, vm0, $0xb8;
	[tilespmem:$0xC100] =	vst v63  }
0x5a: {  	_ = 	snop  }
0x5b: {  	[hbm4b:s5+s2] =	stream.indirect_vreg.scatter [tilespmem:s25], [sflag:$0x1], $0x80, v3, vm0, $0xb8;
	[tilespmem:$0xC100] =	vst v63  }
0x5c: {  	v3 =	vld [tilespmem:$0x30];
	_ =	sdelay $0x4  }
0x5d: {  	v59 =	vshrl.u32 v3, $0x3  }
0x5e: {  	v4 =	vmul.u32 $0x30, v59  }
0x5f: {  	v3 =	vand.u32 $0x7, v3  }
0x60: {  	v3 =	vor.u32 v3, v4  }
0x61: {  	v4 =	vperm.xlane v3, v0;
	_ =	sdelay $0x1  }
0x62: {  	v4 =	vadd.s32 v1, v4;
	_ =	sdelay $0x3  }
0x63: {  	v3 =	vperm.xlane v3, v2  }
0x64: {  	[hbm4b:s3+s2] =	stream.indirect_vreg.scatter [tilespmem:s26], [sflag:$0x1], $0x80, v4, vm0, $0xb8;
	[tilespmem:$0xC100] =	vst v63  }
0x65: {  	v3 =	vadd.s32 v1, v3  }
0x66: {  	[hbm4b:s4+s2] =	stream.indirect_vreg.scatter [tilespmem:s28], [sflag:$0x1], $0x80, v4, vm0, $0xb8;
	[tilespmem:$0xC100] =	vst v63  }
0x67: {  	_ = 	snop  }
0x68: {  	[hbm4b:s5+s2] =	stream.indirect_vreg.scatter [tilespmem:s29], [sflag:$0x1], $0x80, v4, vm0, $0xb8;
	[tilespmem:$0xC100] =	vst v63  }
0x69: {  	_ = 	snop  }
0x6a: {  	[hbm4b:s3+s2] =	stream.indirect_vreg.scatter [tilespmem:s30], [sflag:$0x1], $0x80, v3, vm0, $0xb8;
	[tilespmem:$0xC100] =	vst v63  }
0x6b: {  	_ = 	snop  }
0x6c: {  	[hbm4b:s4+s2] =	stream.indirect_vreg.scatter [tilespmem:s31], [sflag:$0x1], $0x80, v3, vm0, $0xb8;
	[tilespmem:$0xC100] =	vst v63  }
0x6d: {  	_ = 	snop  }
0x6e: {  	[hbm4b:s5+s2] =	stream.indirect_vreg.scatter [tilespmem:s1], [sflag:$0x1], $0x80, v3, vm0, $0xb8;
	[tilespmem:$0xC100] =	vst v63  }
0x6f: {  	v3 =	vld [tilespmem:$0x80];
	_ =	sdelay $0x4  }
0x70: {  	v60 =	vshrl.u32 v3, $0x3  }
0x71: {  	v4 =	vmul.u32 $0x30, v60  }
0x72: {  	v3 =	vand.u32 $0x7, v3  }
0x73: {  	v3 =	vor.u32 v3, v4  }
0x74: {  	v4 =	vperm.xlane v3, v0;
	_ =	sdelay $0x1  }
0x75: {  	v4 =	vadd.s32 v1, v4;
	_ =	sdelay $0x3  }
0x76: {  	v3 =	vperm.xlane v3, v2  }
0x77: {  	[hbm4b:s3+s2] =	stream.indirect_vreg.scatter [tilespmem:s7], [sflag:$0x1], $0x80, v4, vm0, $0xb8;
	[tilespmem:$0xC100] =	vst v63  }
0x78: {  	v3 =	vadd.s32 v1, v3  }
0x79: {  	[hbm4b:s4+s2] =	stream.indirect_vreg.scatter [tilespmem:s9], [sflag:$0x1], $0x80, v4, vm0, $0xb8;
	[tilespmem:$0xC100] =	vst v63  }
0x7a: {  	_ = 	snop  }
0x7b: {  	[hbm4b:s5+s2] =	stream.indirect_vreg.scatter [tilespmem:s10], [sflag:$0x1], $0x80, v4, vm0, $0xb8;
	[tilespmem:$0xC100] =	vst v63  }
0x7c: {  	_ = 	snop  }
0x7d: {  	[hbm4b:s3+s2] =	stream.indirect_vreg.scatter [tilespmem:s11], [sflag:$0x1], $0x80, v3, vm0, $0xb8;
	[tilespmem:$0xC100] =	vst v63  }
0x7e: {  	_ = 	snop  }
0x7f: {  	[hbm4b:s4+s2] =	stream.indirect_vreg.scatter [tilespmem:s12], [sflag:$0x1], $0x80, v3, vm0, $0xb8;
	[tilespmem:$0xC100] =	vst v63  }
0x80: {  	_ = 	snop  }
0x81: {  	[hbm4b:s5+s2] =	stream.indirect_vreg.scatter [tilespmem:s13], [sflag:$0x1], $0x80, v3, vm0, $0xb8;
	[tilespmem:$0xC100] =	vst v63  }
0x82: {  	v3 =	vld [tilespmem:$0x90];
	_ =	sdelay $0x4  }
0x83: {  	v61 =	vshrl.u32 v3, $0x3  }
0x84: {  	v4 =	vmul.u32 $0x30, v61  }
0x85: {  	v3 =	vand.u32 $0x7, v3  }
0x86: {  	v3 =	vor.u32 v3, v4  }
0x87: {  	v4 =	vperm.xlane v3, v0;
	_ =	sdelay $0x1  }
0x88: {  	v4 =	vadd.s32 v1, v4;
	_ =	sdelay $0x3  }
0x89: {  	v3 =	vperm.xlane v3, v2  }
0x8a: {  	[hbm4b:s3+s2] =	stream.indirect_vreg.scatter [tilespmem:s14], [sflag:$0x1], $0x80, v4, vm0, $0xb8;
	[tilespmem:$0xC100] =	vst v63  }
0x8b: {  	v3 =	vadd.s32 v1, v3  }
0x8c: {  	[hbm4b:s4+s2] =	stream.indirect_vreg.scatter [tilespmem:s15], [sflag:$0x1], $0x80, v4, vm0, $0xb8;
	[tilespmem:$0xC100] =	vst v63  }
0x8d: {  	_ = 	snop  }
0x8e: {  	[hbm4b:s5+s2] =	stream.indirect_vreg.scatter [tilespmem:s16], [sflag:$0x1], $0x80, v4, vm0, $0xb8;
	[tilespmem:$0xC100] =	vst v63  }
0x8f: {  	_ = 	snop  }
0x90: {  	[hbm4b:s3+s2] =	stream.indirect_vreg.scatter [tilespmem:s17], [sflag:$0x1], $0x80, v3, vm0, $0xb8;
	[tilespmem:$0xC100] =	vst v63  }
0x91: {  	_ = 	snop  }
0x92: {  	[hbm4b:s4+s2] =	stream.indirect_vreg.scatter [tilespmem:s18], [sflag:$0x1], $0x80, v3, vm0, $0xb8;
	[tilespmem:$0xC100] =	vst v63  }
0x93: {  	_ = 	snop  }
0x94: {  	[hbm4b:s5+s2] =	stream.indirect_vreg.scatter [tilespmem:s19], [sflag:$0x1], $0x80, v3, vm0, $0xb8;
	[tilespmem:$0xC100] =	vst v63  }
0x95: {  	v3 =	vld [tilespmem:$0xA0];
	_ =	sdelay $0x4  }
0x96: {  	v62 =	vshrl.u32 v3, $0x3  }
0x97: {  	v4 =	vmul.u32 $0x30, v62  }
0x98: {  	v3 =	vand.u32 $0x7, v3  }
0x99: {  	v3 =	vor.u32 v3, v4  }
0x9a: {  	v4 =	vperm.xlane v3, v0;
	_ =	sdelay $0x1  }
0x9b: {  	v4 =	vadd.s32 v1, v4;
	_ =	sdelay $0x3  }
0x9c: {  	v3 =	vperm.xlane v3, v2  }
0x9d: {  	[hbm4b:s3+s2] =	stream.indirect_vreg.scatter [tilespmem:s20], [sflag:$0x1], $0x80, v4, vm0, $0xb8;
	[tilespmem:$0xC100] =	vst v63  }
0x9e: {  	v3 =	vadd.s32 v1, v3  }
0x9f: {  	[hbm4b:s4+s2] =	stream.indirect_vreg.scatter [tilespmem:s21], [sflag:$0x1], $0x80, v4, vm0, $0xb8;
	[tilespmem:$0xC100] =	vst v63  }
0xa0: {  	_ = 	snop  }
0xa1: {  	[hbm4b:s5+s2] =	stream.indirect_vreg.scatter [tilespmem:s22], [sflag:$0x1], $0x80, v4, vm0, $0xb8;
	[tilespmem:$0xC100] =	vst v63  }
0xa2: {  	_ = 	snop  }
0xa3: {  	[hbm4b:s3+s2] =	stream.indirect_vreg.scatter [tilespmem:s23], [sflag:$0x1], $0x80, v3, vm0, $0xb8;
	[tilespmem:$0xC100] =	vst v63  }
0xa4: {  	_ = 	snop  }
0xa5: {  	[hbm4b:s4+s2] =	stream.indirect_vreg.scatter [tilespmem:s24], [sflag:$0x1], $0x80, v3, vm0, $0xb8;
	[tilespmem:$0xC100] =	vst v63  }
0xa6: {  	_ = 	snop  }
0xa7: {  	[hbm4b:s5+s2] =	stream.indirect_vreg.scatter [tilespmem:s25], [sflag:$0x1], $0x80, v3, vm0, $0xb8;
	[tilespmem:$0xC100] =	vst v63  }
0xa8: {  	v3 =	vld [tilespmem:$0xB0];
	_ =	sdelay $0x4  }
0xa9: {  	v63 =	vshrl.u32 v3, $0x3  }
0xaa: {  	v4 =	vmul.u32 $0x30, v63  }
0xab: {  	v3 =	vand.u32 $0x7, v3  }
0xac: {  	v3 =	vor.u32 v3, v4  }
0xad: {  	v4 =	vperm.xlane v3, v0;
	_ =	sdelay $0x1  }
0xae: {  	v4 =	vadd.s32 v1, v4;
	_ =	sdelay $0x3  }
0xaf: {  	v3 =	vperm.xlane v3, v2  }
0xb0: {  	[hbm4b:s3+s2] =	stream.indirect_vreg.scatter [tilespmem:s26], [sflag:$0x1], $0x80, v4, vm0, $0xb8;
	[tilespmem:$0xC100] =	vst v63  }
0xb1: {  	v3 =	vadd.s32 v1, v3  }
0xb2: {  	[hbm4b:s4+s2] =	stream.indirect_vreg.scatter [tilespmem:s28], [sflag:$0x1], $0x80, v4, vm0, $0xb8;
	[tilespmem:$0xC100] =	vst v63  }
0xb3: {  	_ = 	snop  }
0xb4: {  	[hbm4b:s5+s2] =	stream.indirect_vreg.scatter [tilespmem:s29], [sflag:$0x1], $0x80, v4, vm0, $0xb8;
	[tilespmem:$0xC100] =	vst v63  }
0xb5: {  	_ = 	snop  }
0xb6: {  	[hbm4b:s3+s2] =	stream.indirect_vreg.scatter [tilespmem:s30], [sflag:$0x1], $0x80, v3, vm0, $0xb8;
	[tilespmem:$0xC100] =	vst v63  }
0xb7: {  	_ = 	snop  }
0xb8: {  	[hbm4b:s4+s2] =	stream.indirect_vreg.scatter [tilespmem:s31], [sflag:$0x1], $0x80, v3, vm0, $0xb8;
	[tilespmem:$0xC100] =	vst v63  }
0xb9: {  	_ = 	snop  }
0xba: {  	[hbm4b:s5+s2] =	stream.indirect_vreg.scatter [tilespmem:s1], [sflag:$0x1], $0x80, v3, vm0, $0xb8;
	[tilespmem:$0xC100] =	vst v63  }
0xbb: {  	p0 =	sne.s32 s6, $0x1;
	_ =	swait.ge [sflag:s8], $0xC000  }
.Ltmp0:
0xbc: {  	[sflag:s8] =	ssyncset.done $0x0;
	(pc) =	sbr.rel @p0 .LBB2_1-.Ltmp0, $4  }
0xbd: {  	[sflag:s8] =	ssyncadd.s32 $0xFFFF4000  }
0xbe: {  	_ =	swait.ge [sflag:s8], $0xC000  }
0xbf: {  	[sflag:s8] =	ssyncset.done $0x0  }
0xc0: {  	s6 =	sadd.s32 $0xFFFFFFFF, s6;
	[sflag:s8] =	ssyncadd.s32 $0xFFFF4000  }
0xc1: {  	_ =	sfence.sel $0x180000  }
0xc2: {  	[bflag:$0x0] =	sbarrier.arrive $0xFFFF  }
0xc3: {  	_ =	strace $0x90000047  }
0xc4: {  	s0 =	stileid.u32;
	[bflag:$0x2] =	sbarrier.arrive $0xFFFF  }
0xc5: {  	p0 =	sne.s32 s0, $0x0;
	s0 =	rddreg [dreg:$0x2]  }
0xc6: {  	s0 =	sadd.s32 @!p0 $0x100000, s0  }
0xc7: {  	[sflag:s0] =	ssyncadd.tile.s32 @!p0 $0x1;
	_ =	shalt  }
.Lfunc_end2:
_tile_overlayer_lowered:
.L_overlay_start_2:
0xc8: {  	(tag) =	ssettag $0x2  }
0xc9: {  	s0 =	rddreg [dreg:$0x0];
	s2 =	stileid.u32  }
0xca: {  	s1 =	rddreg [dreg:$0x1];
	p0 =	sne.s32 s2, $0x0  }
0xcb: {  	s3 =	rddreg [dreg:$0x2];
	[bflag:$0x3] =	sbarrier.arrive $0xFFFF;
	s2 =	simm.s32 @!p0 $0x1C02  }
0xcc: {  	[timem:s3], [sflag:s2] =	dma.local @!p0 [hbm:s0], s1  }
0xcd: {  	s0 =	simm.s32 @!p0 $0x2  }
0xce: {  	_ =	swait.ge @!p0 [sflag:s0], s1  }
0xcf: {  	s1 =	ssub.s32 @!p0 $0x0, s1;
	[sflag:s0] =	ssyncset.done @!p0 $0x0  }
0xd0: {  	[sflag:s0] =	ssyncadd.s32 @!p0 s1  }
0xd1: {  	[bflag:$0x3] =	sbarrier.arrive $0xFFFF  }
0xd2: {  	_ =	shalt  }

// kernel: kernel.9.cloned.1.call-start
scs
__scs_entry_jumppad:
0x0: {  	(pc) =	sbr.rel $0x88, $3  }
0x1: {  	(tag) =	ssettag $0x0;
	lr =	simm.s32 $0x1  }
0x2: {  	[smem:$0x3F9B] =	sst lr;
	_ =	strace $0xD0000000  }
0x3: {  	_ = 	snop  }
0x4: {  	_ = 	snop  }
0x5: {  	_ = 	snop  }
0x6: {  	_ = 	snop  }
0x7: {  	_ = 	snop  }
__scs_overlays_trampoline_lowered:
0x8: {  	[smem:$0x3FAA] =	sst s0  }
0x9: {  	[smem:$0x3FAB] =	sst s1  }
0xa: {  	[smem:$0x3FAC] =	sst s2  }
0xb: {  	[smem:$0x3FAD] =	sst s3  }
0xc: {  	[smem:$0x3FAE] =	sst s4  }
0xd: {  	[smem:$0x3FAF] =	sst s5  }
0xe: {  	[smem:$0x3FB0] =	sst s6  }
0xf: {  	[smem:$0x3FB1] =	sst s7  }
0x10: {  	[smem:$0x3FB2] =	sst s8  }
0x11: {  	[smem:$0x3FB3] =	sst s9;
	s0 =	simm.s32 @!p0 $0x0  }
0x12: {  	s1 =	sld [smem:$0x3F99];
	s0 =	simm.s32 @p0 $0x1  }
0x13: {  	[smem:$0x3FB4] =	sst s0;
	s0 =	simm.s32 @!p1 $0x0  }
0x14: {  	s2 =	sld [smem:$0x3F98];
	s0 =	simm.s32 @p1 $0x1  }
0x15: {  	[smem:$0x3FB5] =	sst s0;
	s0 =	simm.s32 @!p2 $0x0  }
0x16: {  	s3 =	sld [smem:$0x3FDB];
	s0 =	simm.s32 @p2 $0x1  }
0x17: {  	s4 =	simm.s32 $0x1BF5;
	[smem:$0x3FB7] =	sst s0  }
0x18: {  	s0 =	sld [smem:$0x3F9A];
	_ =	swait.ge [sflag:s4], $0x0  }
0x19: {  	s7 =	sld [smem:$0x3F9B]  }
0x1a: {  	s8 =	sadd.s32 $0xFFFFE003, lr  }
0x1b: {  	s9 =	sadd.s32 $0xFFFFFEF7, lr;
	s5 =	simm.s32 $0xFFFFFFFF;
	p2 =	slt.u32 s8, $0xFFFFF086  }
0x1c: {  	p1 =	slt.u32 s9, $0xF7A;
	s5 =	simm.s32 @!p2 $0x0  }
0x1d: {  	s5 =	simm.s32 @p1 $0x1;
	p0 =	seq.s32 s7, s2  }
0x1e: {  	s7 =	smul.u32 @!p0 $0xF7A, s2;
	p2 =	seq.s32 @!p0 s5, $0x0  }
0x1f: {  	s9 =	smul.u32 $0xF7A, s1;
	s8 =	simm.s32 @!p0 $0x1BF5;
	p2 =	por !p2, p0  }
0x20: {  	[sflag:s8] =	ssyncset.s32 @!p0 $0xFFFFF086;
	s6 =	sadd.s32 @!p0 s3, s7;
	s7 =	simm.s32 @!p0 $0x108  }
0x21: {  	s3 =	sadd.s32 s3, s9;
	s6 =	sadd.s32 @!p0 $0x88, s6;
	s7 =	simm.s32 @p2 $0x1082  }
0x22: {  	[simem:s7], [sflag:s8] =	dma.local @!p0 [hbm:s6], $0xF7A  }
0x23: {  	s9 =	sor.u32 $0xD0000000, s2;
	s6 =	simm.s32 $0x108;
	_ =	swait.ge @!p0 [sflag:s8], $0x0  }
0x24: {  	s3 =	sadd.s32 $0x88, s3;
	s6 =	simm.s32 @!p1 $0x1082;
	[sflag:s4] =	ssyncset.s32 $0xFFFFF086  }
0x25: {  	[simem:s6], [sflag:s4] =	dma.local [hbm:s3], $0xF7A  }
0x26: {  	[smem:$0x3F9B] =	sst s1;
	(tag) =	ssettag s2;
	_ =	strace s9  }
0x27: {  	s1 =	sld [smem:$0x3FAB]  }
0x28: {  	s2 =	sld [smem:$0x3FAC]  }
0x29: {  	s4 =	sld [smem:$0x3FAE]  }
0x2a: {  	p0 =	seq.s32 s5, $0x0;
	s5 =	sld [smem:$0x3FAF]  }
0x2b: {  	s6 =	sld [smem:$0x3FB0]  }
0x2c: {  	s7 =	sld [smem:$0x3FB1]  }
0x2d: {  	s3 =	simm.s32 $0x108;
	s8 =	sld [smem:$0x3FB2]  }
0x2e: {  	s3 =	simm.s32 @!p0 $0x1082;
	s9 =	sld [smem:$0x3FB3]  }
0x2f: {  	lr =	sadd.s32 s0, s3;
	s0 =	sld [smem:$0x3FAA]  }
0x30: {  	s3 =	sld [smem:$0x3FAD]  }
0x31: {  	[smem:$0x3FB6] =	sst s10  }
0x32: {  	s10 =	sld [smem:$0x3FB4];
	_ =	sdelay $0x3  }
0x33: {  	p0 =	seq.s32 s10, $0x1;
	s10 =	sld [smem:$0x3FB6];
	_ =	sdelay $0x3  }
0x34: {  	[smem:$0x3FB6] =	sst s10  }
0x35: {  	s10 =	sld [smem:$0x3FB5];
	_ =	sdelay $0x3  }
0x36: {  	p1 =	seq.s32 s10, $0x1;
	s10 =	sld [smem:$0x3FB6];
	_ =	sdelay $0x3  }
0x37: {  	[smem:$0x3FB6] =	sst s10  }
0x38: {  	s10 =	sld [smem:$0x3FB7]  }
0x39: {  	_ = 	snop;
	(pc) =	sbr.ind lr, $3  }
0x3a: {  	_ = 	snop  }
0x3b: {  	_ = 	snop  }
0x3c: {  	p2 =	seq.s32 s10, $0x1;
	s10 =	sld [smem:$0x3FB6]  }
0x3d: {  	_ =	shalt  }
0x3e: {  	_ =	shalt  }
0x3f: {  	_ =	shalt  }
0x40: {  	_ =	shalt  }
0x41: {  	_ =	shalt  }
0x42: {  	_ =	shalt  }
0x43: {  	_ =	shalt  }
0x44: {  	_ =	shalt  }
0x45: {  	_ =	shalt  }
0x46: {  	_ =	shalt  }
0x47: {  	_ =	shalt  }
0x48: {  	_ =	shalt  }
0x49: {  	_ =	shalt  }
0x4a: {  	_ =	shalt  }
0x4b: {  	_ =	shalt  }
0x4c: {  	_ =	shalt  }
0x4d: {  	_ =	shalt  }
0x4e: {  	_ =	shalt  }
0x4f: {  	_ =	shalt  }
0x50: {  	_ =	shalt  }
0x51: {  	_ =	shalt  }
0x52: {  	_ =	shalt  }
0x53: {  	_ =	shalt  }
0x54: {  	_ =	shalt  }
0x55: {  	_ =	shalt  }
0x56: {  	_ =	shalt  }
0x57: {  	_ =	shalt  }
0x58: {  	_ =	shalt  }
0x59: {  	_ =	shalt  }
0x5a: {  	_ =	shalt  }
0x5b: {  	_ =	shalt  }
0x5c: {  	_ =	shalt  }
0x5d: {  	_ =	shalt  }
0x5e: {  	_ =	shalt  }
0x5f: {  	_ =	shalt  }
0x60: {  	_ =	shalt  }
0x61: {  	_ =	shalt  }
0x62: {  	_ =	shalt  }
0x63: {  	_ =	shalt  }
0x64: {  	_ =	shalt  }
0x65: {  	_ =	shalt  }
0x66: {  	_ =	shalt  }
0x67: {  	_ =	shalt  }
0x68: {  	_ =	shalt  }
0x69: {  	_ =	shalt  }
0x6a: {  	_ =	shalt  }
0x6b: {  	_ =	shalt  }
0x6c: {  	_ =	shalt  }
0x6d: {  	_ =	shalt  }
0x6e: {  	_ =	shalt  }
0x6f: {  	_ =	shalt  }
0x70: {  	_ =	shalt  }
0x71: {  	_ =	shalt  }
0x72: {  	_ =	shalt  }
0x73: {  	_ =	shalt  }
0x74: {  	_ =	shalt  }
0x75: {  	_ =	shalt  }
0x76: {  	_ =	shalt  }
0x77: {  	_ =	shalt  }
0x78: {  	_ =	shalt  }
0x79: {  	_ =	shalt  }
0x7a: {  	_ =	shalt  }
0x7b: {  	_ =	shalt  }
0x7c: {  	_ =	shalt  }
0x7d: {  	_ =	shalt  }
0x7e: {  	_ =	shalt  }
0x7f: {  	_ =	shalt  }
0x80: {  	_ =	shalt  }
0x81: {  	_ =	shalt  }
0x82: {  	_ =	shalt  }
0x83: {  	_ =	shalt  }
0x84: {  	_ =	shalt  }
0x85: {  	_ =	shalt  }
0x86: {  	_ =	shalt  }
0x87: {  	_ =	shalt  }
.Lfunc_end0:
.L_simem_size_0:
called_computation.1_lowered:
.L_overlay_start_0:
0x88: {  	s2 =	sld [smem:$0x3FD9]  }
0x89: {  	s3 =	sld [smem:$0x3FFE];
	_ =	sdelay $0x1  }
0x8a: {  	s1 =	srdreg.scid  }
0x8b: {  	s0 =	sand.u32 $0x1, s1  }
0x8c: {  	s14 =	sshll.u32 s0, $0xA;
	s2 =	sadd.s32 s3, s2  }
0x8d: {  	s2 =	sadd.s32 s2, s14  }
0x8e: {  	[smem:$0x3FC2] =	sst s2  }
0x8f: {  	_ = 	snop  }
0x90: {  	s2 =	sld [smem:$0x3FD0];
	_ =	sdelay $0x2  }
0x91: {  	s15 =	simm.s32 $0xA;
	s4 =	simm.s32 $0x10  }
0x92: {  	[smem:s4], [sflag:s15] =	dma.local [hbm:s2], $0x1  }
0x93: {  	_ =	swait.eq [sflag:s15], $0x1  }
0x94: {  	[sflag:s15] =	ssyncset.done $0x0  }
0x95: {  	[sflag:s15] =	ssyncadd.s32 $0xFFFFFFFF  }
0x96: {  	s16 =	sld [smem:$0x10];
	(tm) =	ssettm $0x1  }
0x97: {  	s17 =	sld [smem:$0x3FFB];
	_ =	sdelay $0x3  }
0x98: {  	_ =	strace s17  }
0x99: {  	s3 =	sld [smem:$0x3FFC];
	_ =	sdelay $0x3  }
0x9a: {  	_ =	strace s3  }
0x9b: {  	s3 =	sld [smem:$0x3FFD];
	_ =	sdelay $0x3  }
0x9c: {  	_ =	strace s3  }
0x9d: {  	_ =	strace $0x8FFFFFFF  }
0x9e: {  	s18 =	sld [smem:$0x3FDB];
	_ =	sdelay $0x1  }
0x9f: {  	s19 =	simm.s32 $_scs_section_size  }
0xa0: {  	s5 =	simm.s32 $_size__tile_overlayer_lowered;
	s6 =	simm.s32 $_tile_overlayer_lowered  }
0xa1: {  	s22 =	simm.s32 $0x1BFF;
	s21 =	sshll.u32 s6, $0x1;
	s3 =	sadd.s32 s19, s18  }
0xa2: {  	s7 =	simm.s32 $0x0;
	s20 =	sshll.u32 s5, $0x1;
	s5 =	sadd.s32 s21, s3  }
0xa3: {  	[timem:s7], [sflag:s22] =	dma.local [hbm:s5], s20  }
0xa4: {  	_ =	swait.ge [sflag:s22], s20  }
0xa5: {  	s4 =	ssub.s32 $0x0, s20;
	[sflag:s22] =	ssyncset.done $0x0  }
0xa6: {  	[sflag:s22] =	ssyncadd.s32 s4;
	_ =	sdelay $0x1  }
0xa7: {  	s23 =	simm.s32 $0x1B8B  }
0xa8: {  	_ =	swait.ge [sflag:s23], $0x1  }
0xa9: {  	[sflag:s23] =	ssyncset.done $0x0  }
0xaa: {  	s25 =	simm.s32 $0x1B8E;
	s24 =	sld [smem:$0x3FFE];
	[sflag:s23] =	ssyncadd.s32 $0xFFFFFFFF  }
0xab: {  	s26 =	simm.s32 $execute0_lowered;
	[smem:$0x3FD2] =	sst s25  }
0xac: {  	s5 =	sshll.u32 s26, $0x1;
	_ =	strace $0x80000049;
	[dreg:$0x1] =	wrdreg $0xFFFFFFFF  }
0xad: {  	s28 =	simm.s32 $_size_execute0_lowered;
	s3 =	sadd.s32 s3, s5;
	[dreg:$0x0] =	wrdreg $0x0  }
0xae: {  	s5 =	sshll.u32 s28, $0x1;
	[dreg:$0x2] =	wrdreg s3  }
0xaf: {  	[dreg:$0x3] =	wrdreg s5  }
0xb0: {  	[dreg:$0x4] =	wrdreg $0xC0  }
0xb1: {  	_ =	task [dreg:s7], $0x5FFFF  }
0xb2: {  	[dreg:$0x1] =	wrdreg $0xFFFFFFFF  }
0xb3: {  	[dreg:$0x0] =	wrdreg $0x60  }
0xb4: {  	[dreg:$0x2] =	wrdreg s24  }
0xb5: {  	[dreg:$0x3] =	wrdreg s16  }
0xb6: {  	[dreg:$0x4] =	wrdreg $0x9  }
0xb7: {  	_ =	task.clear_ibuf [dreg:s7], $0x5FFFF;
	_ =	strace $0x90000049  }
0xb8: {  	s29 =	simm.s32 $0x9;
	_ =	strace $0x8000004B  }
0xb9: {  	_ =	swait.ge [sflag:s29], $0x1  }
0xba: {  	[sflag:s29] =	ssyncadd.s32 $0xFFFFFFFF  }
0xbb: {  	_ =	strace $0x9000004B  }
0xbc: {  	_ =	sfence  }
0xbd: {  	s30 =	sld [smem:$0x0];
	_ =	sdelay $0x2  }
0xbe: {  	s31 =	sshll.u32 s1, $0xD;
	s1 =	sshrl.u32 s1, $0x2  }
0xbf: {  	s3 =	sand.u32 $0x4000, s31;
	s1 =	sadd.s32 s1, s30  }
0xc0: {  	s0 =	sor.u32 s3, s0;
	s1 =	sshll.u32 s1, $0x11  }
0xc1: {  	s0 =	sor.u32 s1, s0  }
0xc2: {  	s0 =	sadd.s32 $0x8F2B, s0  }
0xc3: {  	[sflag:s0] =	ssyncadd.remote.s32 $0x1  }
0xc4: {  	_ =	sfence.sel $0xFFFF  }
0xc5: {  	[dreg:$0x0] =	wrdreg $0xFFFFFFFF;
	(pc) =	sbr.abs _section_cstart, $3  }
0xc6: {  	[dreg:$0x1] =	wrdreg $0xFFFFFFFF  }
0xc7: {  	_ =	task.clear_ibuf [dreg:s7], $0x2FFFF;
	_ =	strace $0x9FFFFFFF  }
0xc8: {  	(tm) =	ssettm $0x7FFFFFFF  }
0xc9: {  	_ =	shalt  }
tec
execute0_lowered:
.L_overlay_start_1:
0x0: {  	(tag) =	ssettag $0x1  }
0x1: {  	s0 =	rddreg [dreg:$0x0]  }
0x2: {  	s1 =	rddreg [dreg:$0x1];
	s3 =	srdreg.scid  }
0x3: {  	s2 =	simm.s32 $0x0;
	s5 =	stileid.u32;
	s13 =	simm.s32 $0x1  }
0x4: {  	s14 =	simm.s32 $0x100;
	s12 =	simm.s32 $0x13100;
	s15 =	simm.s32 $0x13900  }
0x5: {  	s16 =	simm.s32 $0x14100;
	s17 =	simm.s32 $0x14900;
	s18 =	simm.s32 $0x15100  }
0x6: {  	s19 =	simm.s32 $0x15900;
	s20 =	simm.s32 $0x16100;
	s21 =	simm.s32 $0x16900  }
0x7: {  	s22 =	simm.s32 $0x17100;
	s23 =	simm.s32 $0x17900;
	s24 =	simm.s32 $0x2  }
0x8: {  	s25 =	simm.s32 $0x0;
	s4 =	sand.u32 $0x1, s3;
	[smem:$0x7FF] =	sst s2  }
0x9: {  	s30 =	sshll.u32 s5, $0x7;
	s3 =	sadd.s32 $0xA9400, s0;
	s31 =	sshll.u32 s4, $0x6  }
0xa: {  	_ =	strace $0x8000004A;
	s4 =	ssub.s32 $0x2, s4;
	s5 =	sor.u32 s31, s30  }
0xb: {  	s8 =	sshrl.u32 s4, $0x1;
	s7 =	sshrl.u32 s5, $0x3;
	s5 =	sshll.u32 s5, $0x4  }
0xc: {  	s11 =	ssub.s32 s4, s8;
	s6 =	sadd.s32 s7, s0;
	s9 =	sadd.s32 s5, s0  }
0xd: {  	v2 =	vlaneseq.u32;
	s10 =	smul.u32 $0x300, s7;
	s7 =	sadd.s32 $0xA9600, s0;
	s11 =	smax.u32 s11, $0x1  }
0xe: {  	vm0 =	vmmov $0xffff;
	v1 =	vshrl.u32 v2, $0x3;
	s4 =	sadd.s32 $0x19000, s6;
	s5 =	sadd.s32 $0x19200, s6;
	s6 =	sadd.s32 $0xA9500, s0  }
0xf: {  	v0 =	vand.u32 $0x7, v2;
	v2 =	vor.u32 $0x8, v2;
	v1 =	vmul.u32 $0x8, v1;
	s8 =	sadd.s32 $0x1000, s9;
	s9 =	sadd.s32 $0x9000, s9;
	s10 =	sadd.s32 s1, s10  }
.LBB2_1:
0x10: {  	[tilespmem:s2], [sflag:$0x1] =	stream.linear.gather [hbm4b:s4+s2], $0x40, $0x38;
	[tilespmem:$0x1C100] =	vst v63  }
0x11: {  	s0 =	simm.s32 $0x80  }
0x12: {  	[tilespmem:s0], [sflag:$0x1] =	stream.linear.gather [hbm4b:s5+s2], $0x40, $0x38;
	[tilespmem:$0x1C100] =	vst v63  }
0x13: {  	_ =	swait.ge [sflag:s13], $0x40  }
0x14: {  	[sflag:s13] =	ssyncset.done $0x0  }
0x15: {  	[sflag:s13] =	ssyncadd.s32 $0xFFFFFFC0  }
0x16: {  	_ =	swait.ge [sflag:s13], $0x40  }
0x17: {  	[sflag:s13] =	ssyncset.done $0x0  }
0x18: {  	[sflag:s13] =	ssyncadd.s32 $0xFFFFFFC0  }
0x19: {  	v3 =	vld [tilespmem:$0x0];
	_ =	sdelay $0x4  }
0x1a: {  	v4 =	vshrl.u32 v3, $0x3  }
0x1b: {  	v4 =	vmul.u32 $0x30, v4  }
0x1c: {  	v3 =	vand.u32 $0x7, v3  }
0x1d: {  	v3 =	vor.u32 v3, v4  }
0x1e: {  	v4 =	vperm.xlane v3, v0;
	_ =	sdelay $0x1  }
0x1f: {  	v4 =	vadd.s32 v1, v4;
	_ =	sdelay $0x3  }
0x20: {  	v3 =	vperm.xlane v3, v2  }
0x21: {  	[tilespmem:s14], [sflag:$0x1] =	stream.indirect_vreg.gather [hbm4b:s3+s2], $0x80, v4, vm0, $0xb8;
	[tilespmem:$0x1C100] =	vst v63  }
0x22: {  	s26 =	simm.s32 $0x900;
	v3 =	vadd.s32 v1, v3  }
0x23: {  	[tilespmem:s26], [sflag:$0x1] =	stream.indirect_vreg.gather [hbm4b:s6+s2], $0x80, v4, vm0, $0xb8;
	[tilespmem:$0x1C100] =	vst v63  }
0x24: {  	s1 =	simm.s32 $0x1100  }
0x25: {  	[tilespmem:s1], [sflag:$0x1] =	stream.indirect_vreg.gather [hbm4b:s7+s2], $0x80, v4, vm0, $0xb8;
	[tilespmem:$0x1C100] =	vst v63  }
0x26: {  	s26 =	simm.s32 $0x1900  }
0x27: {  	[tilespmem:s26], [sflag:$0x1] =	stream.indirect_vreg.gather [hbm4b:s3+s2], $0x80, v3, vm0, $0xb8;
	[tilespmem:$0x1C100] =	vst v63  }
0x28: {  	s1 =	simm.s32 $0x2100  }
0x29: {  	[tilespmem:s1], [sflag:$0x1] =	stream.indirect_vreg.gather [hbm4b:s6+s2], $0x80, v3, vm0, $0xb8;
	[tilespmem:$0x1C100] =	vst v63  }
0x2a: {  	s26 =	simm.s32 $0x2900  }
0x2b: {  	[tilespmem:s26], [sflag:$0x1] =	stream.indirect_vreg.gather [hbm4b:s7+s2], $0x80, v3, vm0, $0xb8;
	[tilespmem:$0x1C100] =	vst v63  }
0x2c: {  	v3 =	vld [tilespmem:$0x10];
	_ =	sdelay $0x4  }
0x2d: {  	v4 =	vshrl.u32 v3, $0x3  }
0x2e: {  	v4 =	vmul.u32 $0x30, v4  }
0x2f: {  	v3 =	vand.u32 $0x7, v3  }
0x30: {  	v3 =	vor.u32 v3, v4  }
0x31: {  	v4 =	vperm.xlane v3, v0;
	_ =	sdelay $0x1  }
0x32: {  	v4 =	vadd.s32 v1, v4;
	_ =	sdelay $0x3  }
0x33: {  	s1 =	simm.s32 $0x3100;
	v3 =	vperm.xlane v3, v2  }
0x34: {  	[tilespmem:s1], [sflag:$0x1] =	stream.indirect_vreg.gather [hbm4b:s3+s2], $0x80, v4, vm0, $0xb8;
	[tilespmem:$0x1C100] =	vst v63  }
0x35: {  	s26 =	simm.s32 $0x3900;
	v3 =	vadd.s32 v1, v3  }
0x36: {  	[tilespmem:s26], [sflag:$0x1] =	stream.indirect_vreg.gather [hbm4b:s6+s2], $0x80, v4, vm0, $0xb8;
	[tilespmem:$0x1C100] =	vst v63  }
0x37: {  	s1 =	simm.s32 $0x4100  }
0x38: {  	[tilespmem:s1], [sflag:$0x1] =	stream.indirect_vreg.gather [hbm4b:s7+s2], $0x80, v4, vm0, $0xb8;
	[tilespmem:$0x1C100] =	vst v63  }
0x39: {  	s26 =	simm.s32 $0x4900  }
0x3a: {  	[tilespmem:s26], [sflag:$0x1] =	stream.indirect_vreg.gather [hbm4b:s3+s2], $0x80, v3, vm0, $0xb8;
	[tilespmem:$0x1C100] =	vst v63  }
0x3b: {  	s1 =	simm.s32 $0x5100  }
0x3c: {  	[tilespmem:s1], [sflag:$0x1] =	stream.indirect_vreg.gather [hbm4b:s6+s2], $0x80, v3, vm0, $0xb8;
	[tilespmem:$0x1C100] =	vst v63  }
0x3d: {  	s26 =	simm.s32 $0x5900  }
0x3e: {  	[tilespmem:s26], [sflag:$0x1] =	stream.indirect_vreg.gather [hbm4b:s7+s2], $0x80, v3, vm0, $0xb8;
	[tilespmem:$0x1C100] =	vst v63  }
0x3f: {  	v3 =	vld [tilespmem:$0x20];
	_ =	sdelay $0x4  }
0x40: {  	v4 =	vshrl.u32 v3, $0x3  }
0x41: {  	v4 =	vmul.u32 $0x30, v4  }
0x42: {  	v3 =	vand.u32 $0x7, v3  }
0x43: {  	v3 =	vor.u32 v3, v4  }
0x44: {  	v4 =	vperm.xlane v3, v0;
	_ =	sdelay $0x1  }
0x45: {  	v4 =	vadd.s32 v1, v4;
	_ =	sdelay $0x3  }
0x46: {  	s1 =	simm.s32 $0x6100;
	v3 =	vperm.xlane v3, v2  }
0x47: {  	[tilespmem:s1], [sflag:$0x1] =	stream.indirect_vreg.gather [hbm4b:s3+s2], $0x80, v4, vm0, $0xb8;
	[tilespmem:$0x1C100] =	vst v63  }
0x48: {  	s26 =	simm.s32 $0x6900;
	v3 =	vadd.s32 v1, v3  }
0x49: {  	[tilespmem:s26], [sflag:$0x1] =	stream.indirect_vreg.gather [hbm4b:s6+s2], $0x80, v4, vm0, $0xb8;
	[tilespmem:$0x1C100] =	vst v63  }
0x4a: {  	s1 =	simm.s32 $0x7100  }
0x4b: {  	[tilespmem:s1], [sflag:$0x1] =	stream.indirect_vreg.gather [hbm4b:s7+s2], $0x80, v4, vm0, $0xb8;
	[tilespmem:$0x1C100] =	vst v63  }
0x4c: {  	s26 =	simm.s32 $0x7900  }
0x4d: {  	[tilespmem:s26], [sflag:$0x1] =	stream.indirect_vreg.gather [hbm4b:s3+s2], $0x80, v3, vm0, $0xb8;
	[tilespmem:$0x1C100] =	vst v63  }
0x4e: {  	s1 =	simm.s32 $0x8100  }
0x4f: {  	[tilespmem:s1], [sflag:$0x1] =	stream.indirect_vreg.gather [hbm4b:s6+s2], $0x80, v3, vm0, $0xb8;
	[tilespmem:$0x1C100] =	vst v63  }
0x50: {  	s26 =	simm.s32 $0x8900  }
0x51: {  	[tilespmem:s26], [sflag:$0x1] =	stream.indirect_vreg.gather [hbm4b:s7+s2], $0x80, v3, vm0, $0xb8;
	[tilespmem:$0x1C100] =	vst v63  }
0x52: {  	v3 =	vld [tilespmem:$0x30];
	_ =	sdelay $0x4  }
0x53: {  	v4 =	vshrl.u32 v3, $0x3  }
0x54: {  	v4 =	vmul.u32 $0x30, v4  }
0x55: {  	v3 =	vand.u32 $0x7, v3  }
0x56: {  	v3 =	vor.u32 v3, v4  }
0x57: {  	v4 =	vperm.xlane v3, v0;
	_ =	sdelay $0x1  }
0x58: {  	v4 =	vadd.s32 v1, v4;
	_ =	sdelay $0x3  }
0x59: {  	s1 =	simm.s32 $0x9100;
	v3 =	vperm.xlane v3, v2  }
0x5a: {  	[tilespmem:s1], [sflag:$0x1] =	stream.indirect_vreg.gather [hbm4b:s3+s2], $0x80, v4, vm0, $0xb8;
	[tilespmem:$0x1C100] =	vst v63  }
0x5b: {  	s26 =	simm.s32 $0x9900;
	v3 =	vadd.s32 v1, v3  }
0x5c: {  	[tilespmem:s26], [sflag:$0x1] =	stream.indirect_vreg.gather [hbm4b:s6+s2], $0x80, v4, vm0, $0xb8;
	[tilespmem:$0x1C100] =	vst v63  }
0x5d: {  	s1 =	simm.s32 $0xA100  }
0x5e: {  	[tilespmem:s1], [sflag:$0x1] =	stream.indirect_vreg.gather [hbm4b:s7+s2], $0x80, v4, vm0, $0xb8;
	[tilespmem:$0x1C100] =	vst v63  }
0x5f: {  	s26 =	simm.s32 $0xA900  }
0x60: {  	[tilespmem:s26], [sflag:$0x1] =	stream.indirect_vreg.gather [hbm4b:s3+s2], $0x80, v3, vm0, $0xb8;
	[tilespmem:$0x1C100] =	vst v63  }
0x61: {  	s1 =	simm.s32 $0xB100  }
0x62: {  	[tilespmem:s1], [sflag:$0x1] =	stream.indirect_vreg.gather [hbm4b:s6+s2], $0x80, v3, vm0, $0xb8;
	[tilespmem:$0x1C100] =	vst v63  }
0x63: {  	s26 =	simm.s32 $0xB900  }
0x64: {  	[tilespmem:s26], [sflag:$0x1] =	stream.indirect_vreg.gather [hbm4b:s7+s2], $0x80, v3, vm0, $0xb8;
	[tilespmem:$0x1C100] =	vst v63  }
0x65: {  	v3 =	vld [tilespmem:$0x80];
	_ =	sdelay $0x4  }
0x66: {  	v4 =	vshrl.u32 v3, $0x3  }
0x67: {  	v4 =	vmul.u32 $0x30, v4  }
0x68: {  	v3 =	vand.u32 $0x7, v3  }
0x69: {  	v3 =	vor.u32 v3, v4  }
0x6a: {  	v4 =	vperm.xlane v3, v0;
	_ =	sdelay $0x1  }
0x6b: {  	v4 =	vadd.s32 v1, v4;
	_ =	sdelay $0x3  }
0x6c: {  	s1 =	simm.s32 $0xC100;
	v3 =	vperm.xlane v3, v2  }
0x6d: {  	[tilespmem:s1], [sflag:$0x1] =	stream.indirect_vreg.gather [hbm4b:s3+s2], $0x80, v4, vm0, $0xb8;
	[tilespmem:$0x1C100] =	vst v63  }
0x6e: {  	s26 =	simm.s32 $0xC900;
	v3 =	vadd.s32 v1, v3  }
0x6f: {  	[tilespmem:s26], [sflag:$0x1] =	stream.indirect_vreg.gather [hbm4b:s6+s2], $0x80, v4, vm0, $0xb8;
	[tilespmem:$0x1C100] =	vst v63  }
0x70: {  	s1 =	simm.s32 $0xD100  }
0x71: {  	[tilespmem:s1], [sflag:$0x1] =	stream.indirect_vreg.gather [hbm4b:s7+s2], $0x80, v4, vm0, $0xb8;
	[tilespmem:$0x1C100] =	vst v63  }
0x72: {  	s26 =	simm.s32 $0xD900  }
0x73: {  	[tilespmem:s26], [sflag:$0x1] =	stream.indirect_vreg.gather [hbm4b:s3+s2], $0x80, v3, vm0, $0xb8;
	[tilespmem:$0x1C100] =	vst v63  }
0x74: {  	s1 =	simm.s32 $0xE100  }
0x75: {  	[tilespmem:s1], [sflag:$0x1] =	stream.indirect_vreg.gather [hbm4b:s6+s2], $0x80, v3, vm0, $0xb8;
	[tilespmem:$0x1C100] =	vst v63  }
0x76: {  	s26 =	simm.s32 $0xE900  }
0x77: {  	[tilespmem:s26], [sflag:$0x1] =	stream.indirect_vreg.gather [hbm4b:s7+s2], $0x80, v3, vm0, $0xb8;
	[tilespmem:$0x1C100] =	vst v63  }
0x78: {  	v3 =	vld [tilespmem:$0x90];
	_ =	sdelay $0x4  }
0x79: {  	v4 =	vshrl.u32 v3, $0x3  }
0x7a: {  	v4 =	vmul.u32 $0x30, v4  }
0x7b: {  	v3 =	vand.u32 $0x7, v3  }
0x7c: {  	v3 =	vor.u32 v3, v4  }
0x7d: {  	v4 =	vperm.xlane v3, v0;
	_ =	sdelay $0x1  }
0x7e: {  	v4 =	vadd.s32 v1, v4;
	_ =	sdelay $0x3  }
0x7f: {  	s1 =	simm.s32 $0xF100;
	v3 =	vperm.xlane v3, v2  }
0x80: {  	[tilespmem:s1], [sflag:$0x1] =	stream.indirect_vreg.gather [hbm4b:s3+s2], $0x80, v4, vm0, $0xb8;
	[tilespmem:$0x1C100] =	vst v63  }
0x81: {  	s26 =	simm.s32 $0xF900;
	v3 =	vadd.s32 v1, v3  }
0x82: {  	[tilespmem:s26], [sflag:$0x1] =	stream.indirect_vreg.gather [hbm4b:s6+s2], $0x80, v4, vm0, $0xb8;
	[tilespmem:$0x1C100] =	vst v63  }
0x83: {  	s1 =	simm.s32 $0x10100  }
0x84: {  	[tilespmem:s1], [sflag:$0x1] =	stream.indirect_vreg.gather [hbm4b:s7+s2], $0x80, v4, vm0, $0xb8;
	[tilespmem:$0x1C100] =	vst v63  }
0x85: {  	s26 =	simm.s32 $0x10900  }
0x86: {  	[tilespmem:s26], [sflag:$0x1] =	stream.indirect_vreg.gather [hbm4b:s3+s2], $0x80, v3, vm0, $0xb8;
	[tilespmem:$0x1C100] =	vst v63  }
0x87: {  	s1 =	simm.s32 $0x11100  }
0x88: {  	[tilespmem:s1], [sflag:$0x1] =	stream.indirect_vreg.gather [hbm4b:s6+s2], $0x80, v3, vm0, $0xb8;
	[tilespmem:$0x1C100] =	vst v63  }
0x89: {  	s26 =	simm.s32 $0x11900  }
0x8a: {  	[tilespmem:s26], [sflag:$0x1] =	stream.indirect_vreg.gather [hbm4b:s7+s2], $0x80, v3, vm0, $0xb8;
	[tilespmem:$0x1C100] =	vst v63  }
0x8b: {  	v3 =	vld [tilespmem:$0xA0];
	_ =	sdelay $0x4  }
0x8c: {  	v4 =	vshrl.u32 v3, $0x3  }
0x8d: {  	v4 =	vmul.u32 $0x30, v4  }
0x8e: {  	v3 =	vand.u32 $0x7, v3  }
0x8f: {  	v3 =	vor.u32 v3, v4  }
0x90: {  	v4 =	vperm.xlane v3, v0;
	_ =	sdelay $0x1  }
0x91: {  	v4 =	vadd.s32 v1, v4;
	_ =	sdelay $0x3  }
0x92: {  	s1 =	simm.s32 $0x12100;
	v3 =	vperm.xlane v3, v2  }
0x93: {  	[tilespmem:s1], [sflag:$0x1] =	stream.indirect_vreg.gather [hbm4b:s3+s2], $0x80, v4, vm0, $0xb8;
	[tilespmem:$0x1C100] =	vst v63  }
0x94: {  	s26 =	simm.s32 $0x12900;
	v3 =	vadd.s32 v1, v3  }
0x95: {  	[tilespmem:s26], [sflag:$0x1] =	stream.indirect_vreg.gather [hbm4b:s6+s2], $0x80, v4, vm0, $0xb8;
	[tilespmem:$0x1C100] =	vst v63  }
0x96: {  	_ = 	snop  }
0x97: {  	[tilespmem:s12], [sflag:$0x1] =	stream.indirect_vreg.gather [hbm4b:s7+s2], $0x80, v4, vm0, $0xb8;
	[tilespmem:$0x1C100] =	vst v63  }
0x98: {  	_ = 	snop  }
0x99: {  	[tilespmem:s15], [sflag:$0x1] =	stream.indirect_vreg.gather [hbm4b:s3+s2], $0x80, v3, vm0, $0xb8;
	[tilespmem:$0x1C100] =	vst v63  }
0x9a: {  	_ = 	snop  }
0x9b: {  	[tilespmem:s16], [sflag:$0x1] =	stream.indirect_vreg.gather [hbm4b:s6+s2], $0x80, v3, vm0, $0xb8;
	[tilespmem:$0x1C100] =	vst v63  }
0x9c: {  	_ = 	snop  }
0x9d: {  	[tilespmem:s17], [sflag:$0x1] =	stream.indirect_vreg.gather [hbm4b:s7+s2], $0x80, v3, vm0, $0xb8;
	[tilespmem:$0x1C100] =	vst v63  }
0x9e: {  	v3 =	vld [tilespmem:$0xB0];
	_ =	sdelay $0x4  }
0x9f: {  	v4 =	vshrl.u32 v3, $0x3  }
0xa0: {  	v4 =	vmul.u32 $0x30, v4  }
0xa1: {  	v3 =	vand.u32 $0x7, v3  }
0xa2: {  	v3 =	vor.u32 v3, v4  }
0xa3: {  	v4 =	vperm.xlane v3, v0;
	_ =	sdelay $0x1  }
0xa4: {  	v4 =	vadd.s32 v1, v4;
	_ =	sdelay $0x3  }
0xa5: {  	v3 =	vperm.xlane v3, v2  }
0xa6: {  	[tilespmem:s18], [sflag:$0x1] =	stream.indirect_vreg.gather [hbm4b:s3+s2], $0x80, v4, vm0, $0xb8;
	[tilespmem:$0x1C100] =	vst v63  }
0xa7: {  	v3 =	vadd.s32 v1, v3  }
0xa8: {  	[tilespmem:s19], [sflag:$0x1] =	stream.indirect_vreg.gather [hbm4b:s6+s2], $0x80, v4, vm0, $0xb8;
	[tilespmem:$0x1C100] =	vst v63  }
0xa9: {  	_ = 	snop  }
0xaa: {  	[tilespmem:s20], [sflag:$0x1] =	stream.indirect_vreg.gather [hbm4b:s7+s2], $0x80, v4, vm0, $0xb8;
	[tilespmem:$0x1C100] =	vst v63  }
0xab: {  	_ = 	snop  }
0xac: {  	[tilespmem:s21], [sflag:$0x1] =	stream.indirect_vreg.gather [hbm4b:s3+s2], $0x80, v3, vm0, $0xb8;
	[tilespmem:$0x1C100] =	vst v63  }
0xad: {  	_ = 	snop  }
0xae: {  	[tilespmem:s22], [sflag:$0x1] =	stream.indirect_vreg.gather [hbm4b:s6+s2], $0x80, v3, vm0, $0xb8;
	[tilespmem:$0x1C100] =	vst v63  }
0xaf: {  	_ = 	snop  }
0xb0: {  	[tilespmem:s23], [sflag:$0x1] =	stream.indirect_vreg.gather [hbm4b:s7+s2], $0x80, v3, vm0, $0xb8;
	[tilespmem:$0x1C100] =	vst v63  }
0xb1: {  	s26 =	simm.s32 $0x18100  }
0xb2: {  	[tilespmem:s26], [sflag:$0x2] =	stream.linear.gather [hbm4b:s8+s2], $0x2000, $0x38;
	[tilespmem:$0x1C100] =	vst v63  }
0xb3: {  	_ =	swait.ge [sflag:s24], $0x2000  }
0xb4: {  	[sflag:s24] =	ssyncset.done $0x0  }
0xb5: {  	s28 =	simm.s32 $0x1A100;
	[sflag:s24] =	ssyncadd.s32 $0xFFFFE000  }
0xb6: {  	[tilespmem:s28], [sflag:$0x2] =	stream.linear.gather [hbm4b:s9+s2], $0x2000, $0x38;
	[tilespmem:$0x1C100] =	vst v63  }
0xb7: {  	_ =	swait.ge [sflag:s24], $0x2000  }
0xb8: {  	[sflag:s24] =	ssyncset.done $0x0  }
0xb9: {  	[sflag:s24] =	ssyncadd.s32 $0xFFFFE000  }
0xba: {  	_ =	swait.ge [sflag:s13], $0xC000  }
0xbb: {  	[sflag:s13] =	ssyncset.done $0x0  }
0xbc: {  	s29 =	simm.s32 $0x0;
	[sflag:s13] =	ssyncadd.s32 $0xFFFF4000  }
0xbd: {  	s29 =	smul.u32 $0x1800, s29;
	_ =	swait.ge [sflag:s13], $0xC000  }
0xbe: {  	s30 =	sand.u32 $0x380, s2;
	[sflag:s13] =	ssyncset.done $0x0  }
0xbf: {  	s31 =	sor.u32 s30, s29;
	[sflag:s13] =	ssyncadd.s32 $0xFFFF4000  }
0xc0: {  	v4 =	vld [tilespmem:s31+$0x110]  }
0xc1: {  	v3 =	vld [tilespmem:s31+$0xC110]  }
0xc2: {  	v6 =	vld [tilespmem:s31+$0x120]  }
0xc3: {  	v5 =	vld [tilespmem:s31+$0xC120]  }
0xc4: {  	v10 =	vld [tilespmem:s31+$0x130]  }
0xc5: {  	v9 =	vld [tilespmem:s31+$0xC130]  }
0xc6: {  	v12 =	vld [tilespmem:s31+$0x140]  }
0xc7: {  	v11 =	vld [tilespmem:s31+$0xC140]  }
0xc8: {  	v13 =	vld [tilespmem:s31+$0x160]  }
0xc9: {  	v14 =	vld [tilespmem:s31+$0x170]  }
0xca: {  	v15 =	vld [tilespmem:s31+$0x500]  }
0xcb: {  	v16 =	vld [tilespmem:s31+$0x510]  }
0xcc: {  	v17 =	vld [tilespmem:s31+$0x520]  }
0xcd: {  	v18 =	vld [tilespmem:s31+$0x530]  }
0xce: {  	v19 =	vld [tilespmem:s31+$0x540]  }
0xcf: {  	v20 =	vld [tilespmem:s31+$0x550]  }
0xd0: {  	v21 =	vld [tilespmem:s31+$0x560]  }
0xd1: {  	v22 =	vld [tilespmem:s31+$0x570]  }
0xd2: {  	v23 =	vld [tilespmem:s31+$0x900]  }
0xd3: {  	v24 =	vld [tilespmem:s31+$0x910]  }
0xd4: {  	v25 =	vld [tilespmem:s31+$0x920]  }
0xd5: {  	v26 =	vld [tilespmem:s31+$0x930]  }
0xd6: {  	v27 =	vld [tilespmem:s31+$0x940]  }
0xd7: {  	v28 =	vld [tilespmem:s31+$0x950]  }
0xd8: {  	v29 =	vld [tilespmem:s31+$0x960]  }
0xd9: {  	v30 =	vld [tilespmem:s31+$0x970]  }
0xda: {  	v31 =	vld [tilespmem:s31+$0xD00]  }
0xdb: {  	v32 =	vld [tilespmem:s31+$0xD10]  }
0xdc: {  	v33 =	vld [tilespmem:s31+$0xD20]  }
0xdd: {  	v34 =	vld [tilespmem:s31+$0xD30]  }
0xde: {  	v35 =	vld [tilespmem:s31+$0xD40]  }
0xdf: {  	v36 =	vld [tilespmem:s31+$0xD50]  }
0xe0: {  	v37 =	vld [tilespmem:s31+$0xD60]  }
0xe1: {  	v38 =	vld [tilespmem:s31+$0xD70]  }
0xe2: {  	v39 =	vld [tilespmem:s31+$0x1100]  }
0xe3: {  	v40 =	vld [tilespmem:s31+$0x1110]  }
0xe4: {  	v41 =	vld [tilespmem:s31+$0x1120]  }
0xe5: {  	v42 =	vld [tilespmem:s31+$0x1130]  }
0xe6: {  	v43 =	vld [tilespmem:s31+$0x1140]  }
0xe7: {  	v44 =	vld [tilespmem:s31+$0x1150]  }
0xe8: {  	v45 =	vld [tilespmem:s31+$0x1160]  }
0xe9: {  	v46 =	vld [tilespmem:s31+$0x1500]  }
0xea: {  	v47 =	vld [tilespmem:s31+$0x1510]  }
0xeb: {  	v48 =	vld [tilespmem:s31+$0xD510]  }
0xec: {  	v49 =	vld [tilespmem:s31+$0xD530]  }
0xed: {  	v50 =	vld [tilespmem:s31+$0x1530]  }
0xee: {  	v51 =	vld [tilespmem:s31+$0x1520]  }
0xef: {  	v7 =	vld [tilespmem:s26+$0x0]  }
0xf0: {  	v8 =	vld [tilespmem:s28+$0x0]  }
0xf1: {  	v52 =	vld [tilespmem:s31+$0xD520]  }
0xf2: {  	v53 =	vld [tilespmem:s31+$0xD500]  }
0xf3: {  	v54 =	vld [tilespmem:s31+$0x1170]  }
0xf4: {  	v55 =	vld [tilespmem:s31+$0xD170];
	v50 =	vmul.f32 v50, v7  }
0xf5: {  	v56 =	vld [tilespmem:s31+$0xD160];
	v49 =	vmul.f32 v49, v8;
	v51 =	vmul.f32 v51, v7  }
0xf6: {  	v57 =	vld [tilespmem:s31+$0xD150];
	v52 =	vmul.f32 v52, v8;
	v47 =	vmul.f32 v47, v7  }
0xf7: {  	v61 =	vld [tilespmem:s31+$0xD100];
	v48 =	vmul.f32 v48, v8;
	v46 =	vmul.f32 v46, v7  }
0xf8: {  	v58 =	vld [tilespmem:s31+$0xD140];
	v62 =	vmul.f32 v53, v8;
	v63 =	vmul.f32 v54, v7;
	v49 =	vadd.f32 v49, v50  }
0xf9: {  	v53 =	vld [tilespmem:s31+$0xD130];
	v59 =	vmul.f32 v55, v8;
	v45 =	vmul.f32 v45, v7;
	v51 =	vadd.f32 v52, v51  }
0xfa: {  	v60 =	vmul.f32 v56, v8;
	v44 =	vmul.f32 v44, v7;
	v56 =	vld [tilespmem:s31+$0xCD60];
	v47 =	vadd.f32 v48, v47;
	[tilespmem:s31+$0x1530] =	vst v49  }
0xfb: {  	v43 =	vmul.f32 v43, v7;
	v39 =	vmul.f32 v39, v7;
	v55 =	vld [tilespmem:s31+$0xC970];
	v46 =	vadd.f32 v62, v46;
	[tilespmem:s31+$0x1520] =	vst v51  }
0xfc: {  	v61 =	vmul.f32 v61, v8;
	v12 =	vmul.f32 v12, v7;
	v48 =	vld [tilespmem:s31+$0xD120];
	v52 =	vadd.f32 v59, v63;
	[tilespmem:s31+$0x1510] =	vst v47  }
0xfd: {  	v11 =	vmul.f32 v11, v8;
	v63 =	vmul.f32 v58, v8;
	v45 =	vadd.f32 v60, v45;
	v58 =	vld [tilespmem:s31+$0xCD50];
	[tilespmem:s31+$0x1500] =	vst v46  }
0xfe: {  	v42 =	vmul.f32 v42, v7;
	v62 =	vmul.f32 v57, v8;
	v59 =	vld [tilespmem:s31+$0xCD40];
	v39 =	vadd.f32 v61, v39;
	[tilespmem:s31+$0x1170] =	vst v52  }
0xff: {  	v41 =	vmul.f32 v41, v7;
	v40 =	vmul.f32 v40, v7;
	v60 =	vld [tilespmem:s31+$0xCD30];
	v11 =	vadd.f32 v11, v12;
	[tilespmem:s31+$0x1160] =	vst v45  }
0x100: {  	v38 =	vmul.f32 v38, v7;
	v61 =	vld [tilespmem:s31+$0xC910];
	v44 =	vadd.f32 v62, v44;
	[tilespmem:s31+$0x1100] =	vst v39;
	v57 =	vmul.f32 v53, v8  }
0x101: {  	v37 =	vmul.f32 v37, v7;
	v49 =	vld [tilespmem:s31+$0xD110];
	v43 =	vadd.f32 v63, v43;
	[tilespmem:s31+$0x140] =	vst v11;
	v46 =	vmul.f32 v56, v8  }
0x102: {  	v36 =	vmul.f32 v36, v7;
	v47 =	vld [tilespmem:s31+$0xCD70];
	[tilespmem:s31+$0x1150] =	vst v44;
	v48 =	vmul.f32 v48, v8;
	v42 =	vadd.f32 v57, v42  }
0x103: {  	v35 =	vmul.f32 v35, v7;
	v62 =	vld [tilespmem:s31+$0xCD20];
	[tilespmem:s31+$0x1140] =	vst v43;
	v54 =	vmul.f32 v58, v8;
	v37 =	vadd.f32 v46, v37  }
0x104: {  	v34 =	vmul.f32 v34, v7;
	v63 =	vld [tilespmem:s31+$0xCD10];
	v45 =	vmul.f32 v59, v8;
	v41 =	vadd.f32 v48, v41;
	[tilespmem:s31+$0x1130] =	vst v42  }
0x105: {  	v33 =	vmul.f32 v33, v7;
	v56 =	vld [tilespmem:s31+$0xC960];
	v44 =	vmul.f32 v60, v8;
	v36 =	vadd.f32 v54, v36;
	[tilespmem:s31+$0xD60] =	vst v37  }
0x106: {  	v32 =	vmul.f32 v32, v7;
	v53 =	vld [tilespmem:s31+$0xCD00];
	v49 =	vmul.f32 v49, v8;
	v35 =	vadd.f32 v45, v35;
	[tilespmem:s31+$0x1120] =	vst v41  }
0x107: {  	v6 =	vmul.f32 v6, v7;
	v12 =	vld [tilespmem:s31+$0x1560];
	v47 =	vmul.f32 v47, v8;
	v34 =	vadd.f32 v44, v34;
	[tilespmem:s31+$0xD50] =	vst v36  }
0x108: {  	v5 =	vmul.f32 v5, v8;
	v58 =	vld [tilespmem:s31+$0xC940];
	v43 =	vmul.f32 v62, v8;
	v40 =	vadd.f32 v49, v40;
	[tilespmem:s31+$0xD40] =	vst v35  }
0x109: {  	v29 =	vmul.f32 v29, v7;
	v59 =	vld [tilespmem:s31+$0xC930];
	v42 =	vmul.f32 v63, v8;
	v38 =	vadd.f32 v47, v38;
	[tilespmem:s31+$0xD30] =	vst v34  }
0x10a: {  	v5 =	vadd.f32 v5, v6;
	v6 =	vld [tilespmem:s31+$0x100];
	v39 =	vmul.f32 v56, v8;
	v33 =	vadd.f32 v43, v33;
	[tilespmem:s31+$0x1110] =	vst v40  }
0x10b: {  	v31 =	vmul.f32 v31, v7;
	v60 =	vld [tilespmem:s31+$0xC920];
	v41 =	vmul.f32 v53, v8;
	v32 =	vadd.f32 v42, v32;
	[tilespmem:s31+$0xD70] =	vst v38  }
0x10c: {  	v24 =	vmul.f32 v24, v7;
	v57 =	vld [tilespmem:s31+$0xC950];
	v34 =	vmul.f32 v61, v8;
	v29 =	vadd.f32 v39, v29;
	[tilespmem:s31+$0xD20] =	vst v33  }
0x10d: {  	v27 =	vmul.f32 v27, v7;
	v62 =	vld [tilespmem:s31+$0xC900];
	v37 =	vmul.f32 v58, v8;
	v31 =	vadd.f32 v41, v31;
	[tilespmem:s31+$0xD10] =	vst v32  }
0x10e: {  	v26 =	vmul.f32 v26, v7;
	v63 =	vld [tilespmem:s31+$0xC570];
	v36 =	vmul.f32 v59, v8;
	v24 =	vadd.f32 v34, v24;
	[tilespmem:s31+$0x960] =	vst v29  }
0x10f: {  	v30 =	vmul.f32 v30, v7;
	v40 =	vmul.f32 v55, v8;
	v27 =	vadd.f32 v37, v27;
	v29 =	vld [tilespmem:s31+$0xC540];
	[tilespmem:s31+$0xD00] =	vst v31  }
0x110: {  	v25 =	vmul.f32 v25, v7;
	v35 =	vmul.f32 v60, v8;
	v26 =	vadd.f32 v36, v26;
	v31 =	vld [tilespmem:s31+$0xC560];
	[tilespmem:s31+$0x910] =	vst v24  }
0x111: {  	v28 =	vmul.f32 v28, v7;
	v38 =	vmul.f32 v57, v8;
	v30 =	vadd.f32 v40, v30;
	v24 =	vld [tilespmem:s31+$0xC170];
	[tilespmem:s31+$0x940] =	vst v27  }
0x112: {  	v23 =	vmul.f32 v23, v7;
	v33 =	vmul.f32 v62, v8;
	v25 =	vadd.f32 v35, v25;
	v27 =	vld [tilespmem:s31+$0xC520];
	[tilespmem:s31+$0x930] =	vst v26  }
0x113: {  	v22 =	vmul.f32 v22, v7;
	v32 =	vmul.f32 v63, v8;
	v28 =	vadd.f32 v38, v28;
	[tilespmem:s31+$0x970] =	vst v30;
	v30 =	vld [tilespmem:s31+$0xC550]  }
0x114: {  	v19 =	vmul.f32 v19, v7;
	v23 =	vadd.f32 v33, v23;
	[tilespmem:s31+$0x920] =	vst v25;
	v25 =	vld [tilespmem:s31+$0xC500];
	v29 =	vmul.f32 v29, v8  }
0x115: {  	v21 =	vmul.f32 v21, v7;
	v22 =	vadd.f32 v32, v22;
	[tilespmem:s31+$0x950] =	vst v28;
	v28 =	vld [tilespmem:s31+$0xC530];
	v31 =	vmul.f32 v31, v8  }
0x116: {  	v14 =	vmul.f32 v14, v7;
	[tilespmem:s31+$0x900] =	vst v23;
	v23 =	vld [tilespmem:s31+$0xC160];
	v24 =	vmul.f32 v24, v8;
	v19 =	vadd.f32 v29, v19  }
0x117: {  	v17 =	vmul.f32 v17, v7;
	v26 =	vld [tilespmem:s31+$0xC510];
	[tilespmem:s31+$0x570] =	vst v22;
	v27 =	vmul.f32 v27, v8;
	v21 =	vadd.f32 v31, v21  }
0x118: {  	v20 =	vmul.f32 v20, v7;
	v22 =	vld [tilespmem:s31+$0x150];
	v30 =	vmul.f32 v30, v8;
	v14 =	vadd.f32 v24, v14;
	[tilespmem:s31+$0x540] =	vst v19  }
0x119: {  	v15 =	vmul.f32 v15, v7;
	v25 =	vmul.f32 v25, v8;
	v17 =	vadd.f32 v27, v17;
	v19 =	vld [tilespmem:s31+$0xD550];
	[tilespmem:s31+$0x560] =	vst v21  }
0x11a: {  	v18 =	vmul.f32 v18, v7;
	v28 =	vmul.f32 v28, v8;
	v20 =	vadd.f32 v30, v20;
	v21 =	vld [tilespmem:s31+$0xC150];
	[tilespmem:s31+$0x170] =	vst v14  }
0x11b: {  	v13 =	vmul.f32 v13, v7;
	v23 =	vmul.f32 v23, v8;
	v15 =	vadd.f32 v25, v15;
	[tilespmem:s31+$0x520] =	vst v17;
	v17 =	vld [tilespmem:s31+$0x1540]  }
0x11c: {  	v16 =	vmul.f32 v16, v7;
	v26 =	vmul.f32 v26, v8;
	v18 =	vadd.f32 v28, v18;
	[tilespmem:s31+$0x550] =	vst v20;
	v20 =	vld [tilespmem:s31+$0xD540]  }
0x11d: {  	v10 =	vmul.f32 v10, v7;
	v9 =	vmul.f32 v9, v8;
	v13 =	vadd.f32 v23, v13;
	[tilespmem:s31+$0x500] =	vst v15;
	v15 =	vld [tilespmem:s31+$0x1550]  }
0x11e: {  	v4 =	vmul.f32 v4, v7;
	v3 =	vmul.f32 v3, v8;
	v16 =	vadd.f32 v26, v16;
	[tilespmem:s31+$0x530] =	vst v18;
	v18 =	vld [tilespmem:s31+$0xD560]  }
0x11f: {  	v9 =	vadd.f32 v9, v10;
	v10 =	vmul.f32 v22, v7;
	v14 =	vld [tilespmem:s31+$0x1570];
	[tilespmem:s31+$0x160] =	vst v13;
	v13 =	vmul.f32 v21, v8  }
0x120: {  	v3 =	vadd.f32 v3, v4;
	[tilespmem:s31+$0x510] =	vst v16;
	v16 =	vld [tilespmem:s31+$0xD570]  }
0x121: {  	s29 =	simm.s32 $0x0;
	[tilespmem:s31+$0x130] =	vst v9;
	v9 =	vld [tilespmem:s31+$0xC100];
	v11 =	vmul.f32 v17, v7;
	v17 =	vmul.f32 v20, v8;
	v4 =	vadd.f32 v13, v10  }
0x122: {  	s30 =	simm.s32 $0x80;
	s29 =	smul.u32 $0x1800, s29;
	[tilespmem:s31+$0x120] =	vst v5;
	v5 =	vmul.f32 v15, v7;
	v10 =	vmul.f32 v19, v8  }
0x123: {  	s1 =	sand.u32 $0x380, s30;
	v11 =	vadd.f32 v17, v11;
	[tilespmem:s31+$0x150] =	vst v4;
	v4 =	vmul.f32 v12, v7;
	v12 =	vmul.f32 v18, v8  }
0x124: {  	s29 =	sor.u32 s1, s29;
	[tilespmem:s31+$0x110] =	vst v3;
	v5 =	vadd.f32 v10, v5  }
0x125: {  	v3 =	vld [tilespmem:s29+$0x110];
	v10 =	vmul.f32 v14, v7;
	[tilespmem:s31+$0x1540] =	vst v11;
	v11 =	vmul.f32 v16, v8;
	v12 =	vadd.f32 v12, v4  }
0x126: {  	v7 =	vmul.f32 v6, v7;
	v8 =	vmul.f32 v9, v8;
	v4 =	vld [tilespmem:s29+$0xC110];
	[tilespmem:s31+$0x1550] =	vst v5  }
0x127: {  	v9 =	vadd.f32 v11, v10;
	v6 =	vld [tilespmem:s29+$0x120];
	[tilespmem:s31+$0x1560] =	vst v12  }
0x128: {  	v7 =	vadd.f32 v8, v7;
	v5 =	vld [tilespmem:s29+$0xC120]  }
0x129: {  	v8 =	vld [tilespmem:s29+$0x130];
	[tilespmem:s31+$0x1570] =	vst v9  }
0x12a: {  	v18 =	vld [tilespmem:s29+$0x530];
	[tilespmem:s31+$0x100] =	vst v7  }
0x12b: {  	v7 =	vld [tilespmem:s29+$0xC130]  }
0x12c: {  	v10 =	vld [tilespmem:s29+$0x140]  }
0x12d: {  	v9 =	vld [tilespmem:s29+$0xC140]  }
0x12e: {  	v12 =	vld [tilespmem:s29+$0x150]  }
0x12f: {  	v11 =	vld [tilespmem:s29+$0xC150]  }
0x130: {  	v13 =	vld [tilespmem:s29+$0x160]  }
0x131: {  	v14 =	vld [tilespmem:s29+$0x170]  }
0x132: {  	v15 =	vld [tilespmem:s29+$0x500]  }
0x133: {  	v16 =	vld [tilespmem:s29+$0x510]  }
0x134: {  	v17 =	vld [tilespmem:s29+$0x520]  }
0x135: {  	v19 =	vld [tilespmem:s29+$0x540]  }
0x136: {  	v20 =	vld [tilespmem:s29+$0x550]  }
0x137: {  	v21 =	vld [tilespmem:s29+$0x560]  }
0x138: {  	v22 =	vld [tilespmem:s29+$0x570]  }
0x139: {  	v23 =	vld [tilespmem:s29+$0x900]  }
0x13a: {  	v24 =	vld [tilespmem:s29+$0x910]  }
0x13b: {  	v25 =	vld [tilespmem:s29+$0x920]  }
0x13c: {  	v26 =	vld [tilespmem:s29+$0x930]  }
0x13d: {  	v27 =	vld [tilespmem:s29+$0x940]  }
0x13e: {  	v28 =	vld [tilespmem:s29+$0x950]  }
0x13f: {  	v29 =	vld [tilespmem:s29+$0x960]  }
0x140: {  	v30 =	vld [tilespmem:s29+$0x970]  }
0x141: {  	v31 =	vld [tilespmem:s29+$0xD00]  }
0x142: {  	v34 =	vld [tilespmem:s29+$0xD10]  }
0x143: {  	v35 =	vld [tilespmem:s29+$0xD20]  }
0x144: {  	v36 =	vld [tilespmem:s29+$0xD30]  }
0x145: {  	v37 =	vld [tilespmem:s29+$0xD40]  }
0x146: {  	v38 =	vld [tilespmem:s29+$0xD50]  }
0x147: {  	v39 =	vld [tilespmem:s29+$0xD60]  }
0x148: {  	v40 =	vld [tilespmem:s29+$0xD70]  }
0x149: {  	v41 =	vld [tilespmem:s29+$0x1100]  }
0x14a: {  	v42 =	vld [tilespmem:s29+$0x1110]  }
0x14b: {  	v43 =	vld [tilespmem:s29+$0x1120]  }
0x14c: {  	v44 =	vld [tilespmem:s29+$0x1130]  }
0x14d: {  	v45 =	vld [tilespmem:s29+$0x1140]  }
0x14e: {  	v46 =	vld [tilespmem:s29+$0x1150]  }
0x14f: {  	v47 =	vld [tilespmem:s29+$0x1160]  }
0x150: {  	v48 =	vld [tilespmem:s29+$0x1500]  }
0x151: {  	v50 =	vld [tilespmem:s29+$0x1510]  }
0x152: {  	v49 =	vld [tilespmem:s29+$0xD510]  }
0x153: {  	s31 =	simm.s32 $0x2;
	v51 =	vld [tilespmem:s29+$0xD530]  }
.LBB2_2:
0x154: {  	p0 =	sne.s32 s31, $0x3F;
	v52 =	vld [tilespmem:s29+$0x1530]  }
0x155: {  	s26 =	sadd.s32 $0x80, s26;
	v53 =	vld [tilespmem:s29+$0x1520]  }
0x156: {  	s28 =	sadd.s32 $0x80, s28;
	v33 =	vld [tilespmem:s26+$0x0]  }
0x157: {  	v32 =	vld [tilespmem:s28+$0x0]  }
0x158: {  	v54 =	vld [tilespmem:s29+$0xD520]  }
0x159: {  	v55 =	vld [tilespmem:s29+$0xD500]  }
0x15a: {  	v56 =	vld [tilespmem:s29+$0x1170]  }
0x15b: {  	v57 =	vld [tilespmem:s29+$0xD170];
	v50 =	vmul.f32 v50, v33;
	v53 =	vmul.f32 v53, v33  }
0x15c: {  	v52 =	vmul.f32 v52, v33;
	v58 =	vld [tilespmem:s29+$0xD160];
	v51 =	vmul.f32 v51, v32  }
0x15d: {  	v49 =	vmul.f32 v49, v32;
	v59 =	vld [tilespmem:s29+$0xD150];
	v54 =	vmul.f32 v54, v32  }
0x15e: {  	v48 =	vmul.f32 v48, v33;
	v60 =	vld [tilespmem:s29+$0xD140];
	v55 =	vmul.f32 v55, v32;
	v51 =	vadd.f32 v51, v52  }
0x15f: {  	v49 =	vadd.f32 v49, v50;
	v52 =	vld [tilespmem:s29+$0xD130];
	v56 =	vmul.f32 v56, v33;
	v50 =	vadd.f32 v54, v53  }
0x160: {  	v47 =	vmul.f32 v47, v33;
	v53 =	vld [tilespmem:s29+$0xD120];
	v54 =	vmul.f32 v57, v32;
	v48 =	vadd.f32 v55, v48;
	[tilespmem:s29+$0x1530] =	vst v51  }
0x161: {  	v46 =	vmul.f32 v46, v33;
	v51 =	vld [tilespmem:s29+$0xD110];
	v55 =	vmul.f32 v58, v32;
	[tilespmem:s29+$0x1520] =	vst v50  }
0x162: {  	v45 =	vmul.f32 v45, v33;
	v50 =	vld [tilespmem:s29+$0xD100];
	v57 =	vmul.f32 v59, v32;
	v54 =	vadd.f32 v54, v56;
	[tilespmem:s29+$0x1510] =	vst v49  }
0x163: {  	v44 =	vmul.f32 v44, v33;
	v49 =	vld [tilespmem:s29+$0xCD70];
	v56 =	vmul.f32 v60, v32;
	v47 =	vadd.f32 v55, v47;
	[tilespmem:s29+$0x1500] =	vst v48  }
0x164: {  	v43 =	vmul.f32 v43, v33;
	v48 =	vld [tilespmem:s29+$0xCD60];
	v52 =	vmul.f32 v52, v32;
	v46 =	vadd.f32 v57, v46;
	[tilespmem:s29+$0x1170] =	vst v54  }
0x165: {  	v42 =	vmul.f32 v42, v33;
	v54 =	vld [tilespmem:s29+$0xCD50];
	v53 =	vmul.f32 v53, v32;
	v45 =	vadd.f32 v56, v45;
	[tilespmem:s29+$0x1160] =	vst v47  }
0x166: {  	v41 =	vmul.f32 v41, v33;
	v47 =	vld [tilespmem:s29+$0xCD40];
	v51 =	vmul.f32 v51, v32;
	v44 =	vadd.f32 v52, v44;
	[tilespmem:s29+$0x1150] =	vst v46  }
0x167: {  	v40 =	vmul.f32 v40, v33;
	v46 =	vld [tilespmem:s29+$0xCD30];
	v50 =	vmul.f32 v50, v32;
	v43 =	vadd.f32 v53, v43;
	[tilespmem:s29+$0x1140] =	vst v45  }
0x168: {  	v39 =	vmul.f32 v39, v33;
	v45 =	vld [tilespmem:s29+$0xCD20];
	v49 =	vmul.f32 v49, v32;
	v42 =	vadd.f32 v51, v42;
	[tilespmem:s29+$0x1130] =	vst v44  }
0x169: {  	v38 =	vmul.f32 v38, v33;
	v44 =	vld [tilespmem:s29+$0xCD10];
	v48 =	vmul.f32 v48, v32;
	v41 =	vadd.f32 v50, v41;
	[tilespmem:s29+$0x1120] =	vst v43  }
0x16a: {  	v37 =	vmul.f32 v37, v33;
	v43 =	vld [tilespmem:s29+$0xCD00];
	v50 =	vmul.f32 v54, v32;
	v40 =	vadd.f32 v49, v40;
	[tilespmem:s29+$0x1110] =	vst v42  }
0x16b: {  	v36 =	vmul.f32 v36, v33;
	v42 =	vld [tilespmem:s29+$0xC970];
	v47 =	vmul.f32 v47, v32;
	v39 =	vadd.f32 v48, v39;
	[tilespmem:s29+$0x1100] =	vst v41  }
0x16c: {  	v35 =	vmul.f32 v35, v33;
	v41 =	vld [tilespmem:s29+$0xC960];
	v46 =	vmul.f32 v46, v32;
	v38 =	vadd.f32 v50, v38;
	[tilespmem:s29+$0xD70] =	vst v40  }
0x16d: {  	v34 =	vmul.f32 v34, v33;
	v40 =	vld [tilespmem:s29+$0xC950];
	v45 =	vmul.f32 v45, v32;
	v37 =	vadd.f32 v47, v37;
	[tilespmem:s29+$0xD60] =	vst v39  }
0x16e: {  	v31 =	vmul.f32 v31, v33;
	v39 =	vld [tilespmem:s29+$0xC940];
	v44 =	vmul.f32 v44, v32;
	v36 =	vadd.f32 v46, v36;
	[tilespmem:s29+$0xD50] =	vst v38  }
0x16f: {  	v30 =	vmul.f32 v30, v33;
	v38 =	vld [tilespmem:s29+$0xC930];
	v43 =	vmul.f32 v43, v32;
	v35 =	vadd.f32 v45, v35;
	[tilespmem:s29+$0xD40] =	vst v37  }
0x170: {  	v29 =	vmul.f32 v29, v33;
	v37 =	vld [tilespmem:s29+$0xC920];
	v42 =	vmul.f32 v42, v32;
	v34 =	vadd.f32 v44, v34;
	[tilespmem:s29+$0xD30] =	vst v36  }
0x171: {  	v28 =	vmul.f32 v28, v33;
	v36 =	vld [tilespmem:s29+$0xC910];
	v41 =	vmul.f32 v41, v32;
	v31 =	vadd.f32 v43, v31;
	[tilespmem:s29+$0xD20] =	vst v35  }
0x172: {  	v27 =	vmul.f32 v27, v33;
	v35 =	vld [tilespmem:s29+$0xC900];
	v40 =	vmul.f32 v40, v32;
	v30 =	vadd.f32 v42, v30;
	[tilespmem:s29+$0xD10] =	vst v34  }
0x173: {  	v26 =	vmul.f32 v26, v33;
	v34 =	vld [tilespmem:s29+$0xC570];
	v39 =	vmul.f32 v39, v32;
	v29 =	vadd.f32 v41, v29;
	[tilespmem:s29+$0xD00] =	vst v31  }
0x174: {  	v25 =	vmul.f32 v25, v33;
	v31 =	vld [tilespmem:s29+$0xC560];
	v38 =	vmul.f32 v38, v32;
	v28 =	vadd.f32 v40, v28;
	[tilespmem:s29+$0x970] =	vst v30  }
0x175: {  	v24 =	vmul.f32 v24, v33;
	v30 =	vld [tilespmem:s29+$0xC550];
	v37 =	vmul.f32 v37, v32;
	v27 =	vadd.f32 v39, v27;
	[tilespmem:s29+$0x960] =	vst v29  }
0x176: {  	v23 =	vmul.f32 v23, v33;
	v29 =	vld [tilespmem:s29+$0xC540];
	v36 =	vmul.f32 v36, v32;
	v26 =	vadd.f32 v38, v26;
	[tilespmem:s29+$0x950] =	vst v28  }
0x177: {  	v22 =	vmul.f32 v22, v33;
	v28 =	vld [tilespmem:s29+$0xC530];
	v35 =	vmul.f32 v35, v32;
	v25 =	vadd.f32 v37, v25;
	[tilespmem:s29+$0x940] =	vst v27  }
0x178: {  	v21 =	vmul.f32 v21, v33;
	v27 =	vld [tilespmem:s29+$0xC520];
	v34 =	vmul.f32 v34, v32;
	v24 =	vadd.f32 v36, v24;
	[tilespmem:s29+$0x930] =	vst v26  }
0x179: {  	v20 =	vmul.f32 v20, v33;
	v26 =	vld [tilespmem:s29+$0xC510];
	v31 =	vmul.f32 v31, v32;
	v23 =	vadd.f32 v35, v23;
	[tilespmem:s29+$0x920] =	vst v25  }
0x17a: {  	v19 =	vmul.f32 v19, v33;
	v25 =	vld [tilespmem:s29+$0xC500];
	v30 =	vmul.f32 v30, v32;
	v22 =	vadd.f32 v34, v22;
	[tilespmem:s29+$0x910] =	vst v24  }
0x17b: {  	v18 =	vmul.f32 v18, v33;
	v24 =	vld [tilespmem:s29+$0xC170];
	v29 =	vmul.f32 v29, v32;
	v21 =	vadd.f32 v31, v21;
	[tilespmem:s29+$0x900] =	vst v23  }
0x17c: {  	v17 =	vmul.f32 v17, v33;
	v23 =	vld [tilespmem:s29+$0xC160];
	v28 =	vmul.f32 v28, v32;
	v20 =	vadd.f32 v30, v20;
	[tilespmem:s29+$0x570] =	vst v22  }
0x17d: {  	v16 =	vmul.f32 v16, v33;
	v22 =	vmul.f32 v27, v32;
	v19 =	vadd.f32 v29, v19;
	[tilespmem:s29+$0x560] =	vst v21;
	v21 =	vld [tilespmem:s29+$0xD540]  }
0x17e: {  	v15 =	vmul.f32 v15, v33;
	v26 =	vmul.f32 v26, v32;
	v18 =	vadd.f32 v28, v18;
	[tilespmem:s29+$0x550] =	vst v20;
	v20 =	vld [tilespmem:s29+$0xD550]  }
0x17f: {  	v14 =	vmul.f32 v14, v33;
	v25 =	vmul.f32 v25, v32;
	v17 =	vadd.f32 v22, v17;
	[tilespmem:s29+$0x540] =	vst v19;
	v19 =	vld [tilespmem:s29+$0xD560]  }
0x180: {  	v13 =	vmul.f32 v13, v33;
	v22 =	vmul.f32 v24, v32;
	v16 =	vadd.f32 v26, v16;
	[tilespmem:s29+$0x530] =	vst v18;
	v18 =	vld [tilespmem:s29+$0xD570]  }
0x181: {  	v12 =	vmul.f32 v12, v33;
	v23 =	vmul.f32 v23, v32;
	v15 =	vadd.f32 v25, v15;
	[tilespmem:s29+$0x520] =	vst v17;
	v17 =	vld [tilespmem:s29+$0x1540]  }
0x182: {  	v10 =	vmul.f32 v10, v33;
	v11 =	vmul.f32 v11, v32;
	v14 =	vadd.f32 v22, v14;
	[tilespmem:s29+$0x510] =	vst v16;
	v16 =	vld [tilespmem:s29+$0x1550]  }
0x183: {  	v8 =	vmul.f32 v8, v33;
	v9 =	vmul.f32 v9, v32;
	v13 =	vadd.f32 v23, v13;
	[tilespmem:s29+$0x500] =	vst v15;
	v15 =	vld [tilespmem:s29+$0x1560]  }
0x184: {  	v6 =	vmul.f32 v6, v33;
	v7 =	vmul.f32 v7, v32;
	v11 =	vadd.f32 v11, v12;
	[tilespmem:s29+$0x170] =	vst v14;
	v12 =	vld [tilespmem:s29+$0x1570]  }
0x185: {  	v3 =	vmul.f32 v3, v33;
	v5 =	vmul.f32 v5, v32;
	v9 =	vadd.f32 v9, v10;
	v14 =	vld [tilespmem:s29+$0x100];
	[tilespmem:s29+$0x160] =	vst v13  }
0x186: {  	v4 =	vmul.f32 v4, v32;
	v7 =	vadd.f32 v7, v8;
	v10 =	vld [tilespmem:s29+$0xC100];
	[tilespmem:s29+$0x150] =	vst v11;
	v8 =	vmul.f32 v17, v33  }
0x187: {  	s0 =	sshrl.u32 s31, $0x3;
	v5 =	vadd.f32 v5, v6;
	v6 =	vmul.f32 v21, v32;
	[tilespmem:s29+$0x140] =	vst v9;
	v9 =	vmul.f32 v16, v33  }
0x188: {  	s30 =	sadd.s32 $0x80, s30;
	s0 =	smul.u32 $0x1800, s0;
	v3 =	vadd.f32 v4, v3;
	v4 =	vmul.f32 v20, v32;
	[tilespmem:s29+$0x130] =	vst v7;
	v7 =	vmul.f32 v15, v33  }
0x189: {  	s1 =	sand.u32 $0x380, s30;
	[tilespmem:s29+$0x120] =	vst v5;
	v5 =	vadd.f32 v6, v8;
	v6 =	vmul.f32 v19, v32;
	v8 =	vmul.f32 v12, v33  }
0x18a: {  	s0 =	sor.u32 s1, s0;
	v9 =	vadd.f32 v4, v9;
	v12 =	vmul.f32 v18, v32;
	v11 =	vmul.f32 v14, v33;
	[tilespmem:s29+$0x110] =	vst v3  }
0x18b: {  	v3 =	vld [tilespmem:s0+$0x110];
	v10 =	vmul.f32 v10, v32;
	[tilespmem:s29+$0x1540] =	vst v5;
	v5 =	vadd.f32 v6, v7  }
0x18c: {  	v7 =	vadd.f32 v12, v8;
	v4 =	vld [tilespmem:s0+$0xC110];
	[tilespmem:s29+$0x1550] =	vst v9  }
0x18d: {  	v6 =	vld [tilespmem:s0+$0x120];
	v9 =	vadd.f32 v10, v11;
	[tilespmem:s29+$0x1560] =	vst v5  }
0x18e: {  	v5 =	vld [tilespmem:s0+$0xC120];
	[tilespmem:s29+$0x1570] =	vst v7  }
0x18f: {  	v8 =	vld [tilespmem:s0+$0x130];
	[tilespmem:s29+$0x100] =	vst v9;
	s29 =	smov.u32 s0  }
0x190: {  	v7 =	vld [tilespmem:s29+$0xC130]  }
0x191: {  	v10 =	vld [tilespmem:s29+$0x140]  }
0x192: {  	v9 =	vld [tilespmem:s29+$0xC140]  }
0x193: {  	v12 =	vld [tilespmem:s29+$0x150]  }
0x194: {  	v11 =	vld [tilespmem:s29+$0xC150]  }
0x195: {  	v13 =	vld [tilespmem:s29+$0x160]  }
0x196: {  	v14 =	vld [tilespmem:s29+$0x170]  }
0x197: {  	v15 =	vld [tilespmem:s29+$0x500]  }
0x198: {  	v16 =	vld [tilespmem:s29+$0x510]  }
0x199: {  	v17 =	vld [tilespmem:s29+$0x520]  }
0x19a: {  	v18 =	vld [tilespmem:s29+$0x530]  }
0x19b: {  	v19 =	vld [tilespmem:s29+$0x540]  }
0x19c: {  	v20 =	vld [tilespmem:s29+$0x550]  }
0x19d: {  	v21 =	vld [tilespmem:s29+$0x560]  }
0x19e: {  	v22 =	vld [tilespmem:s29+$0x570]  }
0x19f: {  	v23 =	vld [tilespmem:s29+$0x900]  }
0x1a0: {  	v24 =	vld [tilespmem:s29+$0x910]  }
0x1a1: {  	v25 =	vld [tilespmem:s29+$0x920]  }
0x1a2: {  	v26 =	vld [tilespmem:s29+$0x930]  }
0x1a3: {  	v27 =	vld [tilespmem:s29+$0x940]  }
0x1a4: {  	v28 =	vld [tilespmem:s29+$0x950]  }
0x1a5: {  	v29 =	vld [tilespmem:s29+$0x960]  }
0x1a6: {  	v30 =	vld [tilespmem:s29+$0x970]  }
0x1a7: {  	v31 =	vld [tilespmem:s29+$0xD00]  }
0x1a8: {  	v34 =	vld [tilespmem:s29+$0xD10]  }
0x1a9: {  	v35 =	vld [tilespmem:s29+$0xD20]  }
0x1aa: {  	v36 =	vld [tilespmem:s29+$0xD30]  }
0x1ab: {  	v37 =	vld [tilespmem:s29+$0xD40]  }
0x1ac: {  	v38 =	vld [tilespmem:s29+$0xD50]  }
0x1ad: {  	v39 =	vld [tilespmem:s29+$0xD60]  }
0x1ae: {  	v40 =	vld [tilespmem:s29+$0xD70]  }
0x1af: {  	v41 =	vld [tilespmem:s29+$0x1100]  }
0x1b0: {  	v42 =	vld [tilespmem:s29+$0x1110]  }
0x1b1: {  	v43 =	vld [tilespmem:s29+$0x1120]  }
0x1b2: {  	v44 =	vld [tilespmem:s29+$0x1130]  }
0x1b3: {  	v45 =	vld [tilespmem:s29+$0x1140]  }
0x1b4: {  	v46 =	vld [tilespmem:s29+$0x1150]  }
.Ltmp0:
0x1b5: {  	v47 =	vld [tilespmem:s29+$0x1160];
	(pc) =	sbr.rel @p0 .LBB2_2-.Ltmp0, $4  }
0x1b6: {  	v48 =	vld [tilespmem:s29+$0x1500]  }
0x1b7: {  	v50 =	vld [tilespmem:s29+$0x1510]  }
0x1b8: {  	v49 =	vld [tilespmem:s29+$0xD510]  }
0x1b9: {  	s31 =	sadd.s32 $0x1, s31;
	v51 =	vld [tilespmem:s29+$0xD530]  }
0x1ba: {  	v52 =	vld [tilespmem:s29+$0x1530]  }
0x1bb: {  	v53 =	vld [tilespmem:s29+$0x1520];
	s0 =	sadd.s32 $0x80, s26  }
0x1bc: {  	s31 =	sadd.s32 $0x80, s28;
	v32 =	vld [tilespmem:s0+$0x0]  }
0x1bd: {  	v33 =	vld [tilespmem:s31+$0x0]  }
0x1be: {  	v54 =	vld [tilespmem:s29+$0xD520];
	_ =	sdelay $0x1  }
0x1bf: {  	v55 =	vld [tilespmem:s29+$0xD500]  }
0x1c0: {  	v56 =	vld [tilespmem:s29+$0x1170]  }
0x1c1: {  	v58 =	vld [tilespmem:s29+$0xD160];
	v52 =	vmul.f32 v52, v32;
	v51 =	vmul.f32 v51, v33  }
0x1c2: {  	v57 =	vld [tilespmem:s29+$0xD170];
	v53 =	vmul.f32 v53, v32;
	v54 =	vmul.f32 v54, v33  }
0x1c3: {  	v59 =	vld [tilespmem:s29+$0xD150];
	v50 =	vmul.f32 v50, v32;
	v49 =	vmul.f32 v49, v33  }
0x1c4: {  	v60 =	vld [tilespmem:s29+$0xD140];
	v48 =	vmul.f32 v48, v32;
	v62 =	vmul.f32 v55, v33;
	v51 =	vadd.f32 v51, v52  }
0x1c5: {  	v61 =	vld [tilespmem:s29+$0xD120];
	v63 =	vmul.f32 v56, v32;
	v47 =	vmul.f32 v47, v32;
	v53 =	vadd.f32 v54, v53  }
0x1c6: {  	v58 =	vmul.f32 v58, v33;
	v55 =	vld [tilespmem:s29+$0xC560];
	v12 =	vmul.f32 v12, v32;
	v49 =	vadd.f32 v49, v50;
	[tilespmem:s29+$0x1530] =	vst v51  }
0x1c7: {  	v56 =	vld [tilespmem:s29+$0xC550];
	v11 =	vmul.f32 v11, v33;
	v10 =	vmul.f32 v10, v32;
	v48 =	vadd.f32 v62, v48;
	[tilespmem:s29+$0x1520] =	vst v53  }
0x1c8: {  	v9 =	vmul.f32 v9, v33;
	v8 =	vmul.f32 v8, v32;
	v52 =	vld [tilespmem:s29+$0xD130];
	v47 =	vadd.f32 v58, v47;
	[tilespmem:s29+$0x1510] =	vst v49  }
0x1c9: {  	v7 =	vmul.f32 v7, v33;
	v6 =	vmul.f32 v6, v32;
	v50 =	vld [tilespmem:s29+$0xD100];
	v11 =	vadd.f32 v11, v12;
	[tilespmem:s29+$0x1500] =	vst v48  }
0x1ca: {  	v5 =	vmul.f32 v5, v33;
	v3 =	vmul.f32 v3, v32;
	v58 =	vld [tilespmem:s29+$0xCD20];
	v9 =	vadd.f32 v9, v10;
	[tilespmem:s29+$0x1160] =	vst v47  }
0x1cb: {  	v4 =	vmul.f32 v4, v33;
	v62 =	vmul.f32 v59, v33;
	v59 =	vld [tilespmem:s29+$0xCD10];
	v7 =	vadd.f32 v7, v8;
	[tilespmem:s29+$0x150] =	vst v11  }
0x1cc: {  	v57 =	vmul.f32 v57, v33;
	v54 =	vld [tilespmem:s29+$0xC570];
	v5 =	vadd.f32 v5, v6;
	[tilespmem:s29+$0x140] =	vst v9  }
0x1cd: {  	v46 =	vmul.f32 v46, v32;
	v3 =	vadd.f32 v4, v3;
	v51 =	vld [tilespmem:s29+$0xD110];
	[tilespmem:s29+$0x130] =	vst v7  }
0x1ce: {  	v45 =	vmul.f32 v45, v32;
	v49 =	vld [tilespmem:s29+$0xCD70];
	v53 =	vadd.f32 v57, v63;
	v63 =	vmul.f32 v60, v33;
	[tilespmem:s29+$0x120] =	vst v5  }
0x1cf: {  	v43 =	vmul.f32 v43, v32;
	v48 =	vld [tilespmem:s29+$0xCD60];
	v46 =	vadd.f32 v62, v46;
	v57 =	vmul.f32 v61, v33;
	[tilespmem:s29+$0x110] =	vst v3  }
0x1d0: {  	v44 =	vmul.f32 v44, v32;
	v47 =	vld [tilespmem:s29+$0xCD40];
	[tilespmem:s29+$0x1170] =	vst v53;
	v45 =	vadd.f32 v63, v45;
	v52 =	vmul.f32 v52, v33  }
0x1d1: {  	v41 =	vmul.f32 v41, v32;
	v60 =	vld [tilespmem:s29+$0xCD00];
	[tilespmem:s29+$0x1150] =	vst v46;
	v43 =	vadd.f32 v57, v43;
	v50 =	vmul.f32 v50, v33  }
0x1d2: {  	v35 =	vmul.f32 v35, v32;
	v61 =	vld [tilespmem:s29+$0xC970];
	[tilespmem:s29+$0x1140] =	vst v45;
	v45 =	vmul.f32 v58, v33;
	v44 =	vadd.f32 v52, v44  }
0x1d3: {  	v42 =	vmul.f32 v42, v32;
	v53 =	vld [tilespmem:s29+$0xCD50];
	[tilespmem:s29+$0x1120] =	vst v43;
	v51 =	vmul.f32 v51, v33;
	v41 =	vadd.f32 v50, v41  }
0x1d4: {  	v40 =	vmul.f32 v40, v32;
	v46 =	vld [tilespmem:s29+$0xCD30];
	v49 =	vmul.f32 v49, v33;
	v35 =	vadd.f32 v45, v35;
	[tilespmem:s29+$0x1130] =	vst v44  }
0x1d5: {  	v39 =	vmul.f32 v39, v32;
	v62 =	vld [tilespmem:s29+$0xC960];
	v48 =	vmul.f32 v48, v33;
	v42 =	vadd.f32 v51, v42;
	[tilespmem:s29+$0x1100] =	vst v41  }
0x1d6: {  	v37 =	vmul.f32 v37, v32;
	v57 =	vld [tilespmem:s29+$0xC540];
	v47 =	vmul.f32 v47, v33;
	v40 =	vadd.f32 v49, v40;
	[tilespmem:s29+$0xD20] =	vst v35  }
0x1d7: {  	v31 =	vmul.f32 v31, v32;
	v58 =	vld [tilespmem:s29+$0xC530];
	v43 =	vmul.f32 v60, v33;
	v39 =	vadd.f32 v48, v39;
	[tilespmem:s29+$0x1110] =	vst v42  }
0x1d8: {  	v38 =	vmul.f32 v38, v32;
	v50 =	vld [tilespmem:s29+$0xC930];
	v63 =	vmul.f32 v53, v33;
	v37 =	vadd.f32 v47, v37;
	[tilespmem:s29+$0xD70] =	vst v40  }
0x1d9: {  	v36 =	vmul.f32 v36, v32;
	v60 =	vld [tilespmem:s29+$0xC510];
	v46 =	vmul.f32 v46, v33;
	v31 =	vadd.f32 v43, v31;
	[tilespmem:s29+$0xD60] =	vst v39  }
0x1da: {  	v34 =	vmul.f32 v34, v32;
	v52 =	vld [tilespmem:s29+$0xC910];
	v44 =	vmul.f32 v59, v33;
	v38 =	vadd.f32 v63, v38;
	[tilespmem:s29+$0xD40] =	vst v37  }
0x1db: {  	v29 =	vmul.f32 v29, v32;
	v45 =	vld [tilespmem:s29+$0x1540];
	v41 =	vmul.f32 v62, v33;
	v36 =	vadd.f32 v46, v36;
	[tilespmem:s29+$0xD00] =	vst v31  }
0x1dc: {  	v21 =	vmul.f32 v21, v32;
	v48 =	vld [tilespmem:s29+$0xC950];
	v62 =	vmul.f32 v55, v33;
	v34 =	vadd.f32 v44, v34;
	[tilespmem:s29+$0xD50] =	vst v38  }
0x1dd: {  	v30 =	vmul.f32 v30, v32;
	v49 =	vld [tilespmem:s29+$0xC940];
	v42 =	vmul.f32 v61, v33;
	v29 =	vadd.f32 v41, v29;
	[tilespmem:s29+$0xD30] =	vst v36  }
0x1de: {  	v16 =	vmul.f32 v16, v32;
	v51 =	vld [tilespmem:s29+$0xC920];
	v21 =	vadd.f32 v62, v21;
	v41 =	vmul.f32 v60, v33;
	[tilespmem:s29+$0xD10] =	vst v34  }
0x1df: {  	v26 =	vmul.f32 v26, v32;
	v53 =	vld [tilespmem:s29+$0xC900];
	v30 =	vadd.f32 v42, v30;
	[tilespmem:s29+$0x960] =	vst v29;
	v38 =	vmul.f32 v50, v33  }
0x1e0: {  	v24 =	vmul.f32 v24, v32;
	v59 =	vld [tilespmem:s29+$0xC520];
	v36 =	vmul.f32 v52, v33;
	[tilespmem:s29+$0x560] =	vst v21;
	v16 =	vadd.f32 v41, v16  }
0x1e1: {  	v22 =	vmul.f32 v22, v32;
	v43 =	vld [tilespmem:s29+$0xD570];
	v34 =	vmul.f32 v54, v33;
	[tilespmem:s29+$0x970] =	vst v30;
	v26 =	vadd.f32 v38, v26  }
0x1e2: {  	v28 =	vmul.f32 v28, v32;
	v61 =	vld [tilespmem:s29+$0xC500];
	v40 =	vmul.f32 v48, v33;
	v24 =	vadd.f32 v36, v24;
	[tilespmem:s29+$0x510] =	vst v16  }
0x1e3: {  	v27 =	vmul.f32 v27, v32;
	v63 =	vld [tilespmem:s29+$0xC170];
	v39 =	vmul.f32 v49, v33;
	v22 =	vadd.f32 v34, v22;
	[tilespmem:s29+$0x930] =	vst v26  }
0x1e4: {  	v25 =	vmul.f32 v25, v32;
	v46 =	vld [tilespmem:s29+$0x1550];
	v37 =	vmul.f32 v51, v33;
	v28 =	vadd.f32 v40, v28;
	[tilespmem:s29+$0x910] =	vst v24  }
0x1e5: {  	v23 =	vmul.f32 v23, v32;
	v50 =	vld [tilespmem:s29+$0xC100];
	v35 =	vmul.f32 v53, v33;
	v27 =	vadd.f32 v39, v27;
	[tilespmem:s29+$0x570] =	vst v22  }
0x1e6: {  	v20 =	vmul.f32 v20, v32;
	v48 =	vld [tilespmem:s29+$0x1560];
	v30 =	vmul.f32 v56, v33;
	v25 =	vadd.f32 v37, v25;
	[tilespmem:s29+$0x950] =	vst v28  }
0x1e7: {  	v19 =	vmul.f32 v19, v32;
	v51 =	vld [tilespmem:s29+$0x100];
	v23 =	vadd.f32 v35, v23;
	v35 =	vmul.f32 v57, v33;
	[tilespmem:s29+$0x940] =	vst v27  }
0x1e8: {  	v18 =	vmul.f32 v18, v32;
	v34 =	vld [tilespmem:s29+$0xC160];
	v37 =	vmul.f32 v58, v33;
	v20 =	vadd.f32 v30, v20;
	[tilespmem:s29+$0x920] =	vst v25  }
0x1e9: {  	v17 =	vmul.f32 v17, v32;
	v36 =	vld [tilespmem:s29+$0xD540];
	v39 =	vmul.f32 v59, v33;
	[tilespmem:s29+$0x900] =	vst v23;
	v19 =	vadd.f32 v35, v19  }
0x1ea: {  	v15 =	vmul.f32 v15, v32;
	v38 =	vld [tilespmem:s29+$0xD550];
	v42 =	vmul.f32 v61, v33;
	v18 =	vadd.f32 v37, v18;
	[tilespmem:s29+$0x550] =	vst v20  }
0x1eb: {  	v14 =	vmul.f32 v14, v32;
	v40 =	vld [tilespmem:s29+$0xD560];
	v44 =	vmul.f32 v63, v33;
	v17 =	vadd.f32 v39, v17;
	[tilespmem:s29+$0x540] =	vst v19  }
0x1ec: {  	v49 =	vld [tilespmem:s29+$0x1570];
	v15 =	vadd.f32 v42, v15;
	v10 =	vmul.f32 v50, v33;
	v61 =	vmul.f32 v51, v32;
	[tilespmem:s29+$0x530] =	vst v18  }
0x1ed: {  	v13 =	vmul.f32 v13, v32;
	v14 =	vadd.f32 v44, v14;
	[tilespmem:s29+$0x520] =	vst v17;
	v47 =	vmul.f32 v34, v33  }
0x1ee: {  	v52 =	vmul.f32 v45, v32;
	[tilespmem:s29+$0x500] =	vst v15;
	v53 =	vmul.f32 v36, v33;
	v63 =	vadd.f32 v10, v61  }
0x1ef: {  	v54 =	vmul.f32 v46, v32;
	[tilespmem:s29+$0x170] =	vst v14;
	v55 =	vmul.f32 v38, v33;
	v13 =	vadd.f32 v47, v13  }
0x1f0: {  	v56 =	vmul.f32 v48, v32;
	v58 =	vmul.f32 v40, v33;
	v57 =	vadd.f32 v53, v52;
	[tilespmem:s29+$0x100] =	vst v63  }
0x1f1: {  	v60 =	vmul.f32 v43, v33;
	v59 =	vmul.f32 v49, v32;
	v3 =	vadd.f32 v55, v54;
	[tilespmem:s29+$0x160] =	vst v13  }
0x1f2: {  	v62 =	vadd.f32 v58, v56;
	[tilespmem:s29+$0x1540] =	vst v57  }
0x1f3: {  	s25 =	sadd.s32 $0x1, s25;
	[tilespmem:s29+$0x1550] =	vst v3;
	v3 =	vadd.f32 v60, v59  }
0x1f4: {  	p0 =	sne.s32 s25, s11;
	[tilespmem:s29+$0x1560] =	vst v62  }
.Ltmp1:
0x1f5: {  	[tilespmem:s29+$0x1570] =	vst v3;
	(pc) =	sbr.rel @p0 .LBB2_1-.Ltmp1, $4  }
0x1f6: {  	[hbm4b:s10+s2] =	stream.linear.scatter [tilespmem:s14], [sflag:$0x2], $0xC000, $0x38;
	[tilespmem:$0x1C100] =	vst v63  }
0x1f7: {  	_ =	swait.ge [sflag:s24], $0xC000  }
0x1f8: {  	[sflag:s24] =	ssyncset.done $0x0  }
0x1f9: {  	[sflag:s24] =	ssyncadd.s32 $0xFFFF4000  }
0x1fa: {  	_ =	sfence.sel $0x180000  }
0x1fb: {  	[bflag:$0x0] =	sbarrier.arrive $0xFFFF  }
0x1fc: {  	_ =	strace $0x9000004A  }
0x1fd: {  	s0 =	stileid.u32;
	[bflag:$0x2] =	sbarrier.arrive $0xFFFF  }
0x1fe: {  	p0 =	sne.s32 s0, $0x0;
	s0 =	rddreg [dreg:$0x2]  }
0x1ff: {  	s0 =	sadd.s32 @!p0 $0x100000, s0  }
0x200: {  	[sflag:s0] =	ssyncadd.tile.s32 @!p0 $0x1;
	_ =	shalt  }
.Lfunc_end2:
_tile_overlayer_lowered:
.L_overlay_start_2:
0x201: {  	(tag) =	ssettag $0x2  }
0x202: {  	s0 =	rddreg [dreg:$0x0];
	s2 =	stileid.u32  }
0x203: {  	s1 =	rddreg [dreg:$0x1];
	p0 =	sne.s32 s2, $0x0  }
0x204: {  	s3 =	rddreg [dreg:$0x2];
	[bflag:$0x3] =	sbarrier.arrive $0xFFFF;
	s2 =	simm.s32 @!p0 $0x1C02  }
0x205: {  	[timem:s3], [sflag:s2] =	dma.local @!p0 [hbm:s0], s1  }
0x206: {  	s0 =	simm.s32 @!p0 $0x2  }
0x207: {  	_ =	swait.ge @!p0 [sflag:s0], s1  }
0x208: {  	s1 =	ssub.s32 @!p0 $0x0, s1;
	[sflag:s0] =	ssyncset.done @!p0 $0x0  }
0x209: {  	[sflag:s0] =	ssyncadd.s32 @!p0 s1  }
0x20a: {  	[bflag:$0x3] =	sbarrier.arrive $0xFFFF  }
0x20b: {  	_ =	shalt  }

</sc_bundles>
